<compile_context>
chip_gen: v7x
topology: tpu7x:2x2x1
jax: 0.10.2.dev20260603
libtpu: 0.0.44.dev20260713+nightly
codegen_flags: <defaults>
</compile_context>

<pallas_src>
import functools

import jax
import jax.numpy as jnp
from jax import lax
from jax.experimental import pallas as pl
from jax.experimental.pallas import tpu as pltpu
from jax.experimental.pallas import tpu_sc as plsc

N = 10000
E = 320000
D = 128
H = 128

NC = 2
NS = 16
NW = NC * NS
EPW = E // NW
CHUNK = 128
NFULL = EPW // CHUNK
LASTOFF = EPW - CHUNK
OVERLAP = NFULL * CHUNK - LASTOFF
NCH = NFULL + 1
TRASH = N
NP8 = N + 8

_mesh = functools.partial(
    plsc.VectorSubcoreMesh, core_axis_name="c", subcore_axis_name="s")


def _chunk_off(base, i):
    return base + jnp.minimum(i * CHUNK, LASTOFF)


def _sc_dist_deg(px, py, pz, idx_dst, idx_src, ones_rows, zeros128):
    @functools.partial(
        pl.kernel,
        out_type=(
            jax.ShapeDtypeStruct((E,), jnp.float32),
            jax.ShapeDtypeStruct((NC, NP8, H), jnp.float32),
        ),
        mesh=_mesh(),
        scratch_types=[
            pltpu.VMEM((CHUNK,), jnp.int32),
            pltpu.VMEM((CHUNK,), jnp.int32),
            pltpu.VMEM((CHUNK,), jnp.float32),
            pltpu.VMEM((CHUNK,), jnp.float32),
            pltpu.VMEM((CHUNK,), jnp.float32),
            pltpu.VMEM((CHUNK,), jnp.float32),
            pltpu.VMEM((CHUNK,), jnp.float32),
            pltpu.VMEM((CHUNK,), jnp.float32),
            pltpu.VMEM((CHUNK,), jnp.float32),
            pltpu.VMEM((CHUNK, H), jnp.float32),
            pltpu.VMEM_SHARED((NP8, H), jnp.float32),
            pltpu.SemaphoreType.DMA,
        ],
    )
    def k(px_hbm, py_hbm, pz_hbm, dst_hbm, src_hbm, ones_hbm, zeros_hbm,
          out_d2, out_deg, id_v, is_v, pdx_v, pdy_v, pdz_v,
          psx_v, psy_v, psz_v, d2_v, ones_v, acc, sem):
        c = lax.axis_index("c")
        s = lax.axis_index("s")
        wid = c * NS + s
        base = wid * EPW

        @pl.when(s == 0)
        def _():
            pltpu.sync_copy(zeros_hbm, acc)
        pltpu.sync_copy(ones_hbm, ones_v)
        plsc.subcore_barrier()

        def body(i, carry):
            off = _chunk_off(base, i)
            pltpu.sync_copy(dst_hbm.at[pl.ds(off, CHUNK)], id_v)
            pltpu.sync_copy(src_hbm.at[pl.ds(off, CHUNK)], is_v)
            pltpu.async_copy(px_hbm.at[id_v], pdx_v, sem).wait()
            pltpu.async_copy(py_hbm.at[id_v], pdy_v, sem).wait()
            pltpu.async_copy(pz_hbm.at[id_v], pdz_v, sem).wait()
            pltpu.async_copy(px_hbm.at[is_v], psx_v, sem).wait()
            pltpu.async_copy(py_hbm.at[is_v], psy_v, sem).wait()
            pltpu.async_copy(pz_hbm.at[is_v], psz_v, sem).wait()
            for j in range(CHUNK // 16):
                sl = pl.ds(j * 16, 16)
                rx = pdx_v[sl] - psx_v[sl]
                ry = pdy_v[sl] - psy_v[sl]
                rz = pdz_v[sl] - psz_v[sl]
                d2_v[sl] = rx * rx + ry * ry + rz * rz
            pltpu.sync_copy(d2_v, out_d2.at[pl.ds(off, CHUNK)])

            @pl.when(i == NFULL)
            def _():
                for j in range(OVERLAP // 16):
                    id_v[pl.ds(j * 16, 16)] = jnp.full((16,), TRASH, jnp.int32)
            pltpu.sync_copy(ones_v, acc.at[id_v], add=True)
            return carry

        lax.fori_loop(0, NCH, body, 0)
        plsc.subcore_barrier()

        @pl.when(s == 0)
        def _():
            pltpu.sync_copy(acc, out_deg.at[c])

    return k(px, py, pz, idx_dst, idx_src, ones_rows, zeros128)


def _sc_gather2(tab_a, tab_b, idx_a, idx_b):
    @functools.partial(
        pl.kernel,
        out_type=(
            jax.ShapeDtypeStruct((E, H), jnp.float32),
            jax.ShapeDtypeStruct((E, H), jnp.float32),
        ),
        mesh=_mesh(),
        scratch_types=[
            pltpu.VMEM((CHUNK,), jnp.int32),
            pltpu.VMEM((CHUNK,), jnp.int32),
            pltpu.VMEM((CHUNK, H), jnp.float32),
            pltpu.VMEM((CHUNK, H), jnp.float32),
            pltpu.SemaphoreType.DMA,
        ],
    )
    def k(ta_hbm, tb_hbm, ia_hbm, ib_hbm, out_a, out_b,
          ia_v, ib_v, ra_v, rb_v, sem):
        c = lax.axis_index("c")
        s = lax.axis_index("s")
        base = (c * NS + s) * EPW

        def body(i, carry):
            off = _chunk_off(base, i)
            pltpu.sync_copy(ia_hbm.at[pl.ds(off, CHUNK)], ia_v)
            pltpu.sync_copy(ib_hbm.at[pl.ds(off, CHUNK)], ib_v)
            pltpu.async_copy(ta_hbm.at[ia_v], ra_v, sem).wait()
            pltpu.async_copy(tb_hbm.at[ib_v], rb_v, sem).wait()
            pltpu.sync_copy(ra_v, out_a.at[pl.ds(off, CHUNK)])
            pltpu.sync_copy(rb_v, out_b.at[pl.ds(off, CHUNK)])
            return carry

        lax.fori_loop(0, NCH, body, 0)

    return k(tab_a, tab_b, idx_a, idx_b)


def _sc_scatter(g, idx_dst, zeros128):
    @functools.partial(
        pl.kernel,
        out_type=jax.ShapeDtypeStruct((NC, NP8, H), jnp.float32),
        mesh=_mesh(),
        scratch_types=[
            pltpu.VMEM((CHUNK,), jnp.int32),
            pltpu.VMEM((CHUNK, H), jnp.float32),
            pltpu.VMEM_SHARED((NP8, H), jnp.float32),
            pltpu.SemaphoreType.DMA,
        ],
    )
    def k(g_hbm, dst_hbm, zeros_hbm, out, id_v, g_v, acc, sem):
        c = lax.axis_index("c")
        s = lax.axis_index("s")
        base = (c * NS + s) * EPW

        @pl.when(s == 0)
        def _():
            pltpu.sync_copy(zeros_hbm, acc)
        plsc.subcore_barrier()

        def body(i, carry):
            off = _chunk_off(base, i)
            pltpu.sync_copy(dst_hbm.at[pl.ds(off, CHUNK)], id_v)
            pltpu.sync_copy(g_hbm.at[pl.ds(off, CHUNK)], g_v)

            @pl.when(i == NFULL)
            def _():
                for j in range(OVERLAP // 16):
                    id_v[pl.ds(j * 16, 16)] = jnp.full((16,), TRASH, jnp.int32)
            pltpu.sync_copy(g_v, acc.at[id_v], add=True)
            return carry

        lax.fori_loop(0, NCH, body, 0)
        plsc.subcore_barrier()

        @pl.when(s == 0)
        def _():
            pltpu.sync_copy(acc, out.at[c])

    return k(g, idx_dst, zeros128)


_NBLK = 400
_EBLK = 512


def _tc_prep(x, posp, w1a, w1b, cpad):
    def body(x_ref, p_ref, wa_ref, wb_ref, c_ref, u_ref, v_ref):
        xb = x_ref[...]
        wb = wb_ref[...]
        pc = jnp.dot(p_ref[...], c_ref[...], preferred_element_type=jnp.float32)
        u_ref[...] = jnp.dot(xb, wa_ref[...] - wb,
                             preferred_element_type=jnp.float32) + pc
        v_ref[...] = jnp.dot(xb, wb, preferred_element_type=jnp.float32) - pc

    return pl.pallas_call(
        body,
        grid=(N // _NBLK,),
        in_specs=[
            pl.BlockSpec((_NBLK, D), lambda i: (i, 0)),
            pl.BlockSpec((_NBLK, H), lambda i: (i, 0)),
            pl.BlockSpec((D, H), lambda i: (0, 0)),
            pl.BlockSpec((D, H), lambda i: (0, 0)),
            pl.BlockSpec((H, H), lambda i: (0, 0)),
        ],
        out_specs=[
            pl.BlockSpec((_NBLK, H), lambda i: (i, 0)),
            pl.BlockSpec((_NBLK, H), lambda i: (i, 0)),
        ],
        out_shape=[
            jax.ShapeDtypeStruct((N, H), jnp.float32),
            jax.ShapeDtypeStruct((N, H), jnp.float32),
        ],
    )(x, posp, w1a, w1b, cpad)


def _tc_gelu(d2r, ud, vs, c3, b1):
    def body(d2_ref, ud_ref, vs_ref, c3_ref, b1_ref, g_ref):
        dt = jnp.transpose(d2_ref[0])
        dist = jnp.sqrt(jnp.concatenate(
            [dt[:, r:r + 1] for r in range(_EBLK // 128)], axis=0))
        pre = ud_ref[...] + vs_ref[...] + dist * c3_ref[...] + b1_ref[...]
        g_ref[...] = 0.5 * pre * (1.0 + lax.erf(pre * (2.0 ** -0.5)))

    return pl.pallas_call(
        body,
        grid=(E // _EBLK,),
        in_specs=[
            pl.BlockSpec((1, _EBLK // 128, 128), lambda i: (i, 0, 0)),
            pl.BlockSpec((_EBLK, H), lambda i: (i, 0)),
            pl.BlockSpec((_EBLK, H), lambda i: (i, 0)),
            pl.BlockSpec((1, H), lambda i: (0, 0)),
            pl.BlockSpec((1, H), lambda i: (0, 0)),
        ],
        out_specs=pl.BlockSpec((_EBLK, H), lambda i: (i, 0)),
        out_shape=jax.ShapeDtypeStruct((E, H), jnp.float32),
    )(d2r, ud, vs, c3, b1)


def _layer_norm(y, g, b):
    m = jnp.mean(y, axis=-1, keepdims=True)
    v = jnp.mean((y - m) ** 2, axis=-1, keepdims=True)
    return (y - m) * lax.rsqrt(v + 1e-5) * g + b


def _tc_finalize(part, degpart, w2, b2, ln_g, ln_b, xres, add_res):
    def body(p_ref, d_ref, w2_ref, b2_ref, g_ref, bb_ref, x_ref, o_ref):
        p = p_ref[0] + p_ref[1]
        deg = d_ref[0, :, 0:1] + d_ref[1, :, 0:1]
        agg = (jnp.dot(p, w2_ref[...], preferred_element_type=jnp.float32)
               + deg * b2_ref[...])
        out = _layer_norm(agg, g_ref[...], bb_ref[...])
        if add_res:
            out = out + x_ref[...]
        o_ref[...] = out

    return pl.pallas_call(
        body,
        grid=(N // _NBLK,),
        in_specs=[
            pl.BlockSpec((NC, _NBLK, H), lambda i: (0, i, 0)),
            pl.BlockSpec((NC, _NBLK, H), lambda i: (0, i, 0)),
            pl.BlockSpec((H, H), lambda i: (0, 0)),
            pl.BlockSpec((1, H), lambda i: (0, 0)),
            pl.BlockSpec((1, H), lambda i: (0, 0)),
            pl.BlockSpec((1, H), lambda i: (0, 0)),
            pl.BlockSpec((_NBLK, H), lambda i: (i, 0)),
        ],
        out_specs=pl.BlockSpec((_NBLK, H), lambda i: (i, 0)),
        out_shape=jax.ShapeDtypeStruct((N, H), jnp.float32),
    )(part, degpart, w2, b2, ln_g, ln_b, xres)


def _tc_head(x, ln_g, ln_b, hw1, hb1, hw2p, hb2p):
    def body(x_ref, g_ref, b_ref, w1_ref, b1_ref, w2_ref, b2_ref, o_ref):
        y = _layer_norm(x_ref[...], g_ref[...], b_ref[...])
        t = jnp.dot(y, w1_ref[...], preferred_element_type=jnp.float32) \
            + b1_ref[...]
        t = 0.5 * t * (1.0 + lax.erf(t * (2.0 ** -0.5)))
        o_ref[...] = jnp.dot(t, w2_ref[...],
                             preferred_element_type=jnp.float32) + b2_ref[...]

    return pl.pallas_call(
        body,
        grid=(N // _NBLK,),
        in_specs=[
            pl.BlockSpec((_NBLK, H), lambda i: (i, 0)),
            pl.BlockSpec((1, H), lambda i: (0, 0)),
            pl.BlockSpec((1, H), lambda i: (0, 0)),
            pl.BlockSpec((H, H), lambda i: (0, 0)),
            pl.BlockSpec((1, H), lambda i: (0, 0)),
            pl.BlockSpec((H, H), lambda i: (0, 0)),
            pl.BlockSpec((1, H), lambda i: (0, 0)),
        ],
        out_specs=pl.BlockSpec((_NBLK, H), lambda i: (i, 0)),
        out_shape=jax.ShapeDtypeStruct((N, H), jnp.float32),
    )(x, ln_g, ln_b, hw1, hb1, hw2p, hb2p)


def kernel(x, edge_index, pos_cat, params):
    src = edge_index[0]
    dst = edge_index[1]

    px, py, pz = pos_cat[:, 0], pos_cat[:, 1], pos_cat[:, 2]
    posp = jnp.zeros((N, H), jnp.float32).at[:, :3].set(pos_cat)
    ones_rows = jnp.ones((CHUNK, H), jnp.float32)
    zeros128 = jnp.zeros((NP8, H), jnp.float32)

    d2, degpart = _sc_dist_deg(px, py, pz, dst, src, ones_rows, zeros128)
    d2r = d2.reshape(E // _EBLK, _EBLK // 128, 128)

    x_cur = x
    for i, p in enumerate(params["convs"]):
        w1a = p["W1"][0:H]
        w1b = p["W1"][H:2 * H]
        cpad = jnp.zeros((H, H), jnp.float32).at[0:3].set(p["W1"][2 * H:2 * H + 3])
        c3 = p["W1"][2 * H + 3:].reshape(1, H)
        b1 = p["b1"].reshape(1, H)
        u, v = _tc_prep(x_cur, posp, w1a, w1b, cpad)
        ud, vs = _sc_gather2(u, v, dst, src)
        g = _tc_gelu(d2r, ud, vs, c3, b1)
        part = _sc_scatter(g, dst, zeros128)
        x_cur = _tc_finalize(part, degpart, p["W2"], p["b2"].reshape(1, H),
                             p["ln_g"].reshape(1, H), p["ln_b"].reshape(1, H),
                             x_cur, add_res=(i > 0))

    h = params["head"]
    hw2p = jnp.zeros((H, H), jnp.float32).at[:, :3].set(h["W2"])
    hb2p = jnp.zeros((1, H), jnp.float32).at[0, :3].set(h["b2"])
    y = _tc_head(x_cur, h["ln_g"].reshape(1, H), h["ln_b"].reshape(1, H),
                 h["W1"], h["b1"].reshape(1, H), hw2p, hb2p)
    return y[:, :3]

# --- scband reference (transcript-rebuilt; emitter-appended) ---
"""Pipeline reference for scband-edge-conv-v2-backbone-14018773254833 (READ-ONLY COPY).

The authoritative reference and input builder live on the scoring server;
editing this copy changes nothing except your own understanding.
"""

import jax, jax.numpy as jnp
import numpy as np

N = 10000
E = 320000
D = 128
H = 128
L = 3


def _lin_init(k, fan_in, fan_out):
    kw, kb = jax.random.split(k)
    bound = 1.0 / np.sqrt(fan_in)
    W = jax.random.uniform(kw, (fan_in, fan_out), minval=-bound, maxval=bound, dtype=jnp.float32)
    b = jax.random.uniform(kb, (fan_out,), minval=-bound, maxval=bound, dtype=jnp.float32)
    return W, b


def setup_inputs(seed: int = 0) -> dict:
    key = jax.random.key(seed)
    ks = jax.random.split(key, 3 + 2 * L + 2)
    x = jax.random.normal(ks[0], (N, D), dtype=jnp.float32)
    edge_index = jax.random.randint(ks[1], (2, E), 0, N, dtype=jnp.int32)
    pos_cat = jax.random.normal(ks[2], (N, 3), dtype=jnp.float32)
    convs = []
    for i in range(L):
        in_dim = D if i == 0 else H
        W1, b1 = _lin_init(ks[3 + 2 * i], in_dim * 2 + 4, H)
        W2, b2 = _lin_init(ks[4 + 2 * i], H, H)
        convs.append({"W1": W1, "b1": b1, "W2": W2, "b2": b2,
                      "ln_g": jnp.ones((H,), jnp.float32), "ln_b": jnp.zeros((H,), jnp.float32)})
    hW1, hb1 = _lin_init(ks[3 + 2 * L], H, H)
    head = {"ln_g": jnp.ones((H,), jnp.float32), "ln_b": jnp.zeros((H,), jnp.float32),
            "W1": hW1, "b1": hb1,
            "W2": jnp.zeros((H, 3), jnp.float32), "b2": jnp.zeros((3,), jnp.float32)}
    params = {"convs": convs, "head": head}
    return {"x": x, "edge_index": edge_index, "pos_cat": pos_cat, "params": params}


def _ln(y, g, b):
    m = jnp.mean(y, axis=-1, keepdims=True)
    v = jnp.mean((y - m) ** 2, axis=-1, keepdims=True)
    return (y - m) / jnp.sqrt(v + 1e-5) * g + b


def _gelu(y):
    return jax.nn.gelu(y, approximate=False)


def _forward(x, pos_cat, params, edge_index):
    src = edge_index[0]
    dst = edge_index[1]
    rel = pos_cat[dst] - pos_cat[src]
    dist = jnp.linalg.norm(rel, axis=-1, keepdims=True)
    edge_attr = jnp.concatenate([rel, dist], axis=-1)
    for i, p in enumerate(params["convs"]):
        x_i = x[dst]
        x_j = x[src]
        m = jnp.concatenate([x_i, x_j - x_i, edge_attr], axis=-1)
        m = _gelu(m @ p["W1"] + p["b1"]) @ p["W2"] + p["b2"]
        agg = jnp.zeros((x.shape[0], m.shape[-1]), m.dtype).at[dst].add(m)
        x_new = _ln(agg, p["ln_g"], p["ln_b"])
        if i > 0:
            x_new = x_new + x
        x = x_new
    h = params["head"]
    y = _ln(x, h["ln_g"], h["ln_b"])
    y = _gelu(y @ h["W1"] + h["b1"]) @ h["W2"] + h["b2"]
    return y


def reference(x, edge_index, pos_cat, params):
    return _forward(x, pos_cat, params, edge_index)

if __name__ == "__main__":
    import jax
    _d = setup_inputs()
    print(jax.jit(kernel)(*tuple(_d.values())))

</pallas_src>

<mosaic_0001>
#map = affine_map<(d0, d1) -> (0, 0)>
#map1 = affine_map<(d0, d1) -> (0)>
module attributes {stable_mosaic.version = 14 : i64} {
  func.func @k(%arg0: i32, %arg1: i32, %arg2: memref<10000x128xf32, #tpu.memory_space<hbm>>, %arg3: memref<10000x128xf32, #tpu.memory_space<hbm>>, %arg4: memref<320000xi32, #tpu.memory_space<hbm>>, %arg5: memref<320000xi32, #tpu.memory_space<hbm>>, %arg6: memref<320000x128xf32, #tpu.memory_space<hbm>>, %arg7: memref<320000x128xf32, #tpu.memory_space<hbm>>, %arg8: memref<128xi32, #tpu.memory_space<vmem>>, %arg9: memref<128xi32, #tpu.memory_space<vmem>>, %arg10: memref<128x128xf32, #tpu.memory_space<vmem>>, %arg11: memref<128x128xf32, #tpu.memory_space<vmem>>, %arg12: memref<!tpu.dma_semaphore, #tpu.memory_space<semaphore_mem>>) attributes {dimension_semantics = [#tpu.dimension_semantics<core_parallel>, #tpu.dimension_semantics<subcore_parallel>], iteration_bounds = array<i64: 2, 16>, scalar_prefetch = 0 : i64, scratch_operands = 5 : i64, tpu.core_type = #tpu.core_type<sc_vector_subcore>, window_params = [{transform_indices = #map}, {transform_indices = #map}, {transform_indices = #map1}, {transform_indices = #map1}, {transform_indices = #map}, {transform_indices = #map}]} {
    %mul3A = arith.constant 16 : i32
    %mul3A_0 = arith.muli %arg0, %mul3A : i32
    %add3A = arith.addi %mul3A_0, %arg1 : i32
    %mul3A_1 = arith.constant 10000 : i32
    %mul3A_2 = arith.muli %add3A, %mul3A_1 : i32
    %scan3A = arith.constant 0 : i32
    %scan3A_3 = arith.constant 0 : i32
    %scan3A_4 = arith.constant 79 : i32
    %scan3A_5 = arith.addi %scan3A_3, %scan3A_4 : i32
    %scan3A_6 = arith.constant 1 : i32
    scf.for %scan3A_8 = %scan3A_3 to %scan3A_5 step %scan3A_6  : i32 {
      %mul3A_9 = arith.constant 128 : i32
      %mul3A_10 = arith.muli %scan3A_8, %mul3A_9 : i32
      %min3A = arith.constant 9872 : i32
      %min3A_11 = arith.minsi %mul3A_10, %min3A : i32
      %add3A_12 = arith.addi %mul3A_2, %min3A_11 : i32
      "tpu.region"() ({
        %run_scoped3A = tpu.sem_alloc : memref<!tpu.dma_semaphore, #tpu.memory_space<semaphore_mem>>
        %dma_start3A_23 = tpu.memref_slice %arg4[%add3A_12] : memref<320000xi32, #tpu.memory_space<hbm>> -> memref<128xi32, #tpu.memory_space<hbm>>
        %dma_start3A_24 = tpu.memref_slice %arg4[%add3A_12] : memref<320000xi32, #tpu.memory_space<hbm>> -> memref<128xi32, #tpu.memory_space<hbm>>
        tpu.enqueue_dma source(%dma_start3A_24 : memref<128xi32, #tpu.memory_space<hbm>>) target(%arg8 : memref<128xi32, #tpu.memory_space<vmem>>) target_semaphore(%run_scoped3A : memref<!tpu.dma_semaphore, #tpu.memory_space<semaphore_mem>>)
        %dma_wait3A_25 = tpu.memref_slice %arg4[%add3A_12] : memref<320000xi32, #tpu.memory_space<hbm>> -> memref<128xi32, #tpu.memory_space<hbm>>
        %dma_wait3A_26 = tpu.memref_slice %arg4[%add3A_12] : memref<320000xi32, #tpu.memory_space<hbm>> -> memref<128xi32, #tpu.memory_space<hbm>>
        tpu.wait_dma2 semaphore(%run_scoped3A : memref<!tpu.dma_semaphore, #tpu.memory_space<semaphore_mem>>) src(%dma_wait3A_26 : memref<128xi32, #tpu.memory_space<hbm>>) dst(%arg8 : memref<128xi32, #tpu.memory_space<vmem>>)
        tpu.yield
      }) : () -> ()
      "tpu.region"() ({
        %run_scoped3A = tpu.sem_alloc : memref<!tpu.dma_semaphore, #tpu.memory_space<semaphore_mem>>
        %dma_start3A_23 = tpu.memref_slice %arg5[%add3A_12] : memref<320000xi32, #tpu.memory_space<hbm>> -> memref<128xi32, #tpu.memory_space<hbm>>
        %dma_start3A_24 = tpu.memref_slice %arg5[%add3A_12] : memref<320000xi32, #tpu.memory_space<hbm>> -> memref<128xi32, #tpu.memory_space<hbm>>
        tpu.enqueue_dma source(%dma_start3A_24 : memref<128xi32, #tpu.memory_space<hbm>>) target(%arg9 : memref<128xi32, #tpu.memory_space<vmem>>) target_semaphore(%run_scoped3A : memref<!tpu.dma_semaphore, #tpu.memory_space<semaphore_mem>>)
        %dma_wait3A_25 = tpu.memref_slice %arg5[%add3A_12] : memref<320000xi32, #tpu.memory_space<hbm>> -> memref<128xi32, #tpu.memory_space<hbm>>
        %dma_wait3A_26 = tpu.memref_slice %arg5[%add3A_12] : memref<320000xi32, #tpu.memory_space<hbm>> -> memref<128xi32, #tpu.memory_space<hbm>>
        tpu.wait_dma2 semaphore(%run_scoped3A : memref<!tpu.dma_semaphore, #tpu.memory_space<semaphore_mem>>) src(%dma_wait3A_26 : memref<128xi32, #tpu.memory_space<hbm>>) dst(%arg9 : memref<128xi32, #tpu.memory_space<vmem>>)
        tpu.yield
      }) : () -> ()
      %dma_start3A = arith.constant 0 : i32
      %dma_start3A_13 = arith.constant 0 : i32
      %dma_start3A_14 = tpu.memref_slice %arg2[%dma_start3A, %dma_start3A_13] : memref<10000x128xf32, #tpu.memory_space<hbm>> -> memref<10000x128xf32, #tpu.memory_space<hbm>>
      tpu.enqueue_indirect_dma source(%dma_start3A_14 : memref<10000x128xf32, #tpu.memory_space<hbm>>) target(%arg10 : memref<128x128xf32, #tpu.memory_space<vmem>>) offsets(%arg8 : memref<128xi32, #tpu.memory_space<vmem>>) semaphore(%arg12 : memref<!tpu.dma_semaphore, #tpu.memory_space<semaphore_mem>>)
      %dma_wait3A = arith.constant 0 : i32
      %dma_wait3A_15 = arith.constant 0 : i32
      %dma_wait3A_16 = tpu.memref_slice %arg2[%dma_wait3A, %dma_wait3A_15] : memref<10000x128xf32, #tpu.memory_space<hbm>> -> memref<10000x128xf32, #tpu.memory_space<hbm>>
      tpu.wait_indirect_dma semaphore(%arg12 : memref<!tpu.dma_semaphore, #tpu.memory_space<semaphore_mem>>) src(%dma_wait3A_16 : memref<10000x128xf32, #tpu.memory_space<hbm>>) dst(%arg10 : memref<128x128xf32, #tpu.memory_space<vmem>>)
      %dma_start3A_17 = arith.constant 0 : i32
      %dma_start3A_18 = arith.constant 0 : i32
      %dma_start3A_19 = tpu.memref_slice %arg3[%dma_start3A_17, %dma_start3A_18] : memref<10000x128xf32, #tpu.memory_space<hbm>> -> memref<10000x128xf32, #tpu.memory_space<hbm>>
      tpu.enqueue_indirect_dma source(%dma_start3A_19 : memref<10000x128xf32, #tpu.memory_space<hbm>>) target(%arg11 : memref<128x128xf32, #tpu.memory_space<vmem>>) offsets(%arg9 : memref<128xi32, #tpu.memory_space<vmem>>) semaphore(%arg12 : memref<!tpu.dma_semaphore, #tpu.memory_space<semaphore_mem>>)
      %dma_wait3A_20 = arith.constant 0 : i32
      %dma_wait3A_21 = arith.constant 0 : i32
      %dma_wait3A_22 = tpu.memref_slice %arg3[%dma_wait3A_20, %dma_wait3A_21] : memref<10000x128xf32, #tpu.memory_space<hbm>> -> memref<10000x128xf32, #tpu.memory_space<hbm>>
      tpu.wait_indirect_dma semaphore(%arg12 : memref<!tpu.dma_semaphore, #tpu.memory_space<semaphore_mem>>) src(%dma_wait3A_22 : memref<10000x128xf32, #tpu.memory_space<hbm>>) dst(%arg11 : memref<128x128xf32, #tpu.memory_space<vmem>>)
      "tpu.region"() ({
        %run_scoped3A = tpu.sem_alloc : memref<!tpu.dma_semaphore, #tpu.memory_space<semaphore_mem>>
        %dma_start3A_23 = arith.constant 0 : i32
        %dma_start3A_24 = tpu.memref_slice %arg6[%add3A_12, %dma_start3A_23] : memref<320000x128xf32, #tpu.memory_space<hbm>> -> memref<128x128xf32, #tpu.memory_space<hbm>>
        %dma_start3A_25 = arith.constant 0 : i32
        %dma_start3A_26 = tpu.memref_slice %arg6[%add3A_12, %dma_start3A_25] : memref<320000x128xf32, #tpu.memory_space<hbm>> -> memref<128x128xf32, #tpu.memory_space<hbm>>
        tpu.enqueue_dma source(%arg10 : memref<128x128xf32, #tpu.memory_space<vmem>>) target(%dma_start3A_26 : memref<128x128xf32, #tpu.memory_space<hbm>>) target_semaphore(%run_scoped3A : memref<!tpu.dma_semaphore, #tpu.memory_space<semaphore_mem>>)
        %dma_wait3A_27 = arith.constant 0 : i32
        %dma_wait3A_28 = tpu.memref_slice %arg6[%add3A_12, %dma_wait3A_27] : memref<320000x128xf32, #tpu.memory_space<hbm>> -> memref<128x128xf32, #tpu.memory_space<hbm>>
        %dma_wait3A_29 = arith.constant 0 : i32
        %dma_wait3A_30 = tpu.memref_slice %arg6[%add3A_12, %dma_wait3A_29] : memref<320000x128xf32, #tpu.memory_space<hbm>> -> memref<128x128xf32, #tpu.memory_space<hbm>>
        tpu.wait_dma2 semaphore(%run_scoped3A : memref<!tpu.dma_semaphore, #tpu.memory_space<semaphore_mem>>) src(%arg10 : memref<128x128xf32, #tpu.memory_space<vmem>>) dst(%dma_wait3A_30 : memref<128x128xf32, #tpu.memory_space<hbm>>)
        tpu.yield
      }) : () -> ()
      "tpu.region"() ({
        %run_scoped3A = tpu.sem_alloc : memref<!tpu.dma_semaphore, #tpu.memory_space<semaphore_mem>>
        %dma_start3A_23 = arith.constant 0 : i32
        %dma_start3A_24 = tpu.memref_slice %arg7[%add3A_12, %dma_start3A_23] : memref<320000x128xf32, #tpu.memory_space<hbm>> -> memref<128x128xf32, #tpu.memory_space<hbm>>
        %dma_start3A_25 = arith.constant 0 : i32
        %dma_start3A_26 = tpu.memref_slice %arg7[%add3A_12, %dma_start3A_25] : memref<320000x128xf32, #tpu.memory_space<hbm>> -> memref<128x128xf32, #tpu.memory_space<hbm>>
        tpu.enqueue_dma source(%arg11 : memref<128x128xf32, #tpu.memory_space<vmem>>) target(%dma_start3A_26 : memref<128x128xf32, #tpu.memory_space<hbm>>) target_semaphore(%run_scoped3A : memref<!tpu.dma_semaphore, #tpu.memory_space<semaphore_mem>>)
        %dma_wait3A_27 = arith.constant 0 : i32
        %dma_wait3A_28 = tpu.memref_slice %arg7[%add3A_12, %dma_wait3A_27] : memref<320000x128xf32, #tpu.memory_space<hbm>> -> memref<128x128xf32, #tpu.memory_space<hbm>>
        %dma_wait3A_29 = arith.constant 0 : i32
        %dma_wait3A_30 = tpu.memref_slice %arg7[%add3A_12, %dma_wait3A_29] : memref<320000x128xf32, #tpu.memory_space<hbm>> -> memref<128x128xf32, #tpu.memory_space<hbm>>
        tpu.wait_dma2 semaphore(%run_scoped3A : memref<!tpu.dma_semaphore, #tpu.memory_space<semaphore_mem>>) src(%arg11 : memref<128x128xf32, #tpu.memory_space<vmem>>) dst(%dma_wait3A_30 : memref<128x128xf32, #tpu.memory_space<hbm>>)
        tpu.yield
      }) : () -> ()
    }
    %scan3A_7 = arith.constant 79 : i32
    return
  }
}

#map = affine_map<(d0, d1) -> (0, 0)>
#map1 = affine_map<(d0, d1) -> (0)>
#map2 = affine_map<(d0, d1) -> (0, 0, 0)>
module attributes {stable_mosaic.version = 14 : i64} {
  func.func @k(%arg0: i32, %arg1: i32, %arg2: memref<320000x128xf32, #tpu.memory_space<hbm>>, %arg3: memref<320000xi32, #tpu.memory_space<hbm>>, %arg4: memref<10008x128xf32, #tpu.memory_space<hbm>>, %arg5: memref<2x10008x128xf32, #tpu.memory_space<hbm>>, %arg6: memref<128xi32, #tpu.memory_space<vmem>>, %arg7: memref<128x128xf32, #tpu.memory_space<vmem>>, %arg8: memref<10008x128xf32, #tpu.memory_space<vmem_shared>>, %arg9: memref<!tpu.dma_semaphore, #tpu.memory_space<semaphore_mem>>) attributes {dimension_semantics = [#tpu.dimension_semantics<core_parallel>, #tpu.dimension_semantics<subcore_parallel>], iteration_bounds = array<i64: 2, 16>, scalar_prefetch = 0 : i64, scratch_operands = 4 : i64, tpu.core_type = #tpu.core_type<sc_vector_subcore>, window_params = [{transform_indices = #map}, {transform_indices = #map1}, {transform_indices = #map}, {transform_indices = #map2}]} {
    %mul3A = arith.constant 16 : i32
    %mul3A_0 = arith.muli %arg0, %mul3A : i32
    %add3A = arith.addi %mul3A_0, %arg1 : i32
    %mul3A_1 = arith.constant 10000 : i32
    %mul3A_2 = arith.muli %add3A, %mul3A_1 : i32
    %eq3A = arith.constant 0 : i32
    %eq3A_3 = arith.cmpi eq, %arg1, %eq3A : i32
    %convert_element_type3A = arith.extui %eq3A_3 : i1 to i32
    %cond3A = arith.constant 0 : i32
    %cond3A_4 = arith.cmpi ne, %convert_element_type3A, %cond3A : i32
    scf.if %cond3A_4 {
      "tpu.region"() ({
        %run_scoped3A = tpu.sem_alloc : memref<!tpu.dma_semaphore, #tpu.memory_space<semaphore_mem>>
        tpu.enqueue_dma source(%arg4 : memref<10008x128xf32, #tpu.memory_space<hbm>>) target(%arg8 : memref<10008x128xf32, #tpu.memory_space<vmem_shared>>) target_semaphore(%run_scoped3A : memref<!tpu.dma_semaphore, #tpu.memory_space<semaphore_mem>>)
        tpu.wait_dma2 semaphore(%run_scoped3A : memref<!tpu.dma_semaphore, #tpu.memory_space<semaphore_mem>>) src(%arg4 : memref<10008x128xf32, #tpu.memory_space<hbm>>) dst(%arg8 : memref<10008x128xf32, #tpu.memory_space<vmem_shared>>)
        tpu.yield
      }) : () -> ()
    } else {
    }
    %barrier3A = arith.constant 0 : index
    tpu.barrier barrier_id(%barrier3A)
    %scan3A = arith.constant 0 : i32
    %scan3A_5 = arith.constant 0 : i32
    %scan3A_6 = arith.constant 79 : i32
    %scan3A_7 = arith.addi %scan3A_5, %scan3A_6 : i32
    %scan3A_8 = arith.constant 1 : i32
    scf.for %scan3A_16 = %scan3A_5 to %scan3A_7 step %scan3A_8  : i32 {
      %mul3A_17 = arith.constant 128 : i32
      %mul3A_18 = arith.muli %scan3A_16, %mul3A_17 : i32
      %min3A = arith.constant 9872 : i32
      %min3A_19 = arith.minsi %mul3A_18, %min3A : i32
      %add3A_20 = arith.addi %mul3A_2, %min3A_19 : i32
      "tpu.region"() ({
        %run_scoped3A = tpu.sem_alloc : memref<!tpu.dma_semaphore, #tpu.memory_space<semaphore_mem>>
        %dma_start3A = tpu.memref_slice %arg3[%add3A_20] : memref<320000xi32, #tpu.memory_space<hbm>> -> memref<128xi32, #tpu.memory_space<hbm>>
        %dma_start3A_26 = tpu.memref_slice %arg3[%add3A_20] : memref<320000xi32, #tpu.memory_space<hbm>> -> memref<128xi32, #tpu.memory_space<hbm>>
        tpu.enqueue_dma source(%dma_start3A_26 : memref<128xi32, #tpu.memory_space<hbm>>) target(%arg6 : memref<128xi32, #tpu.memory_space<vmem>>) target_semaphore(%run_scoped3A : memref<!tpu.dma_semaphore, #tpu.memory_space<semaphore_mem>>)
        %dma_wait3A = tpu.memref_slice %arg3[%add3A_20] : memref<320000xi32, #tpu.memory_space<hbm>> -> memref<128xi32, #tpu.memory_space<hbm>>
        %dma_wait3A_27 = tpu.memref_slice %arg3[%add3A_20] : memref<320000xi32, #tpu.memory_space<hbm>> -> memref<128xi32, #tpu.memory_space<hbm>>
        tpu.wait_dma2 semaphore(%run_scoped3A : memref<!tpu.dma_semaphore, #tpu.memory_space<semaphore_mem>>) src(%dma_wait3A_27 : memref<128xi32, #tpu.memory_space<hbm>>) dst(%arg6 : memref<128xi32, #tpu.memory_space<vmem>>)
        tpu.yield
      }) : () -> ()
      "tpu.region"() ({
        %run_scoped3A = tpu.sem_alloc : memref<!tpu.dma_semaphore, #tpu.memory_space<semaphore_mem>>
        %dma_start3A = arith.constant 0 : i32
        %dma_start3A_26 = tpu.memref_slice %arg2[%add3A_20, %dma_start3A] : memref<320000x128xf32, #tpu.memory_space<hbm>> -> memref<128x128xf32, #tpu.memory_space<hbm>>
        %dma_start3A_27 = arith.constant 0 : i32
        %dma_start3A_28 = tpu.memref_slice %arg2[%add3A_20, %dma_start3A_27] : memref<320000x128xf32, #tpu.memory_space<hbm>> -> memref<128x128xf32, #tpu.memory_space<hbm>>
        tpu.enqueue_dma source(%dma_start3A_28 : memref<128x128xf32, #tpu.memory_space<hbm>>) target(%arg7 : memref<128x128xf32, #tpu.memory_space<vmem>>) target_semaphore(%run_scoped3A : memref<!tpu.dma_semaphore, #tpu.memory_space<semaphore_mem>>)
        %dma_wait3A = arith.constant 0 : i32
        %dma_wait3A_29 = tpu.memref_slice %arg2[%add3A_20, %dma_wait3A] : memref<320000x128xf32, #tpu.memory_space<hbm>> -> memref<128x128xf32, #tpu.memory_space<hbm>>
        %dma_wait3A_30 = arith.constant 0 : i32
        %dma_wait3A_31 = tpu.memref_slice %arg2[%add3A_20, %dma_wait3A_30] : memref<320000x128xf32, #tpu.memory_space<hbm>> -> memref<128x128xf32, #tpu.memory_space<hbm>>
        tpu.wait_dma2 semaphore(%run_scoped3A : memref<!tpu.dma_semaphore, #tpu.memory_space<semaphore_mem>>) src(%dma_wait3A_31 : memref<128x128xf32, #tpu.memory_space<hbm>>) dst(%arg7 : memref<128x128xf32, #tpu.memory_space<vmem>>)
        tpu.yield
      }) : () -> ()
      %eq3A_21 = arith.constant 78 : i32
      %eq3A_22 = arith.cmpi eq, %scan3A_16, %eq3A_21 : i32
      %convert_element_type3A_23 = arith.extui %eq3A_22 : i1 to i32
      %cond3A_24 = arith.constant 0 : i32
      %cond3A_25 = arith.cmpi ne, %convert_element_type3A_23, %cond3A_24 : i32
      scf.if %cond3A_25 {
        %broadcast_in_dim3A = arith.constant 10000 : i32
        %broadcast_in_dim3A_26 = vector.broadcast %broadcast_in_dim3A : i32 to vector<16xi32>
        %swap3A = arith.constant 0 : index
        %swap3A_27 = tpu.vector_load %arg6[%swap3A] {strides = array<i32>} : memref<128xi32, #tpu.memory_space<vmem>>, vector<16xi32>,
        %swap3A_28 = vector.shape_cast %swap3A_27 : vector<16xi32> to vector<16xi32>
        %swap3A_29 = vector.shape_cast %broadcast_in_dim3A_26 : vector<16xi32> to vector<16xi32>
        tpu.vector_store %arg6[%swap3A], %swap3A_29 {strides = array<i32>} : memref<128xi32, #tpu.memory_space<vmem>>, vector<16xi32>,
        %broadcast_in_dim3A_30 = arith.constant 10000 : i32
        %broadcast_in_dim3A_31 = vector.broadcast %broadcast_in_dim3A_30 : i32 to vector<16xi32>
        %swap3A_32 = arith.constant 16 : index
        %swap3A_33 = tpu.vector_load %arg6[%swap3A_32] {strides = array<i32>} : memref<128xi32, #tpu.memory_space<vmem>>, vector<16xi32>,
        %swap3A_34 = vector.shape_cast %swap3A_33 : vector<16xi32> to vector<16xi32>
        %swap3A_35 = vector.shape_cast %broadcast_in_dim3A_31 : vector<16xi32> to vector<16xi32>
        tpu.vector_store %arg6[%swap3A_32], %swap3A_35 {strides = array<i32>} : memref<128xi32, #tpu.memory_space<vmem>>, vector<16xi32>,
        %broadcast_in_dim3A_36 = arith.constant 10000 : i32
        %broadcast_in_dim3A_37 = vector.broadcast %broadcast_in_dim3A_36 : i32 to vector<16xi32>
        %swap3A_38 = arith.constant 32 : index
        %swap3A_39 = tpu.vector_load %arg6[%swap3A_38] {strides = array<i32>} : memref<128xi32, #tpu.memory_space<vmem>>, vector<16xi32>,
        %swap3A_40 = vector.shape_cast %swap3A_39 : vector<16xi32> to vector<16xi32>
        %swap3A_41 = vector.shape_cast %broadcast_in_dim3A_37 : vector<16xi32> to vector<16xi32>
        tpu.vector_store %arg6[%swap3A_38], %swap3A_41 {strides = array<i32>} : memref<128xi32, #tpu.memory_space<vmem>>, vector<16xi32>,
        %broadcast_in_dim3A_42 = arith.constant 10000 : i32
        %broadcast_in_dim3A_43 = vector.broadcast %broadcast_in_dim3A_42 : i32 to vector<16xi32>
        %swap3A_44 = arith.constant 48 : index
        %swap3A_45 = tpu.vector_load %arg6[%swap3A_44] {strides = array<i32>} : memref<128xi32, #tpu.memory_space<vmem>>, vector<16xi32>,
        %swap3A_46 = vector.shape_cast %swap3A_45 : vector<16xi32> to vector<16xi32>
        %swap3A_47 = vector.shape_cast %broadcast_in_dim3A_43 : vector<16xi32> to vector<16xi32>
        tpu.vector_store %arg6[%swap3A_44], %swap3A_47 {strides = array<i32>} : memref<128xi32, #tpu.memory_space<vmem>>, vector<16xi32>,
        %broadcast_in_dim3A_48 = arith.constant 10000 : i32
        %broadcast_in_dim3A_49 = vector.broadcast %broadcast_in_dim3A_48 : i32 to vector<16xi32>
        %swap3A_50 = arith.constant 64 : index
        %swap3A_51 = tpu.vector_load %arg6[%swap3A_50] {strides = array<i32>} : memref<128xi32, #tpu.memory_space<vmem>>, vector<16xi32>,
        %swap3A_52 = vector.shape_cast %swap3A_51 : vector<16xi32> to vector<16xi32>
        %swap3A_53 = vector.shape_cast %broadcast_in_dim3A_49 : vector<16xi32> to vector<16xi32>
        tpu.vector_store %arg6[%swap3A_50], %swap3A_53 {strides = array<i32>} : memref<128xi32, #tpu.memory_space<vmem>>, vector<16xi32>,
        %broadcast_in_dim3A_54 = arith.constant 10000 : i32
        %broadcast_in_dim3A_55 = vector.broadcast %broadcast_in_dim3A_54 : i32 to vector<16xi32>
        %swap3A_56 = arith.constant 80 : index
        %swap3A_57 = tpu.vector_load %arg6[%swap3A_56] {strides = array<i32>} : memref<128xi32, #tpu.memory_space<vmem>>, vector<16xi32>,
        %swap3A_58 = vector.shape_cast %swap3A_57 : vector<16xi32> to vector<16xi32>
        %swap3A_59 = vector.shape_cast %broadcast_in_dim3A_55 : vector<16xi32> to vector<16xi32>
        tpu.vector_store %arg6[%swap3A_56], %swap3A_59 {strides = array<i32>} : memref<128xi32, #tpu.memory_space<vmem>>, vector<16xi32>,
        %broadcast_in_dim3A_60 = arith.constant 10000 : i32
        %broadcast_in_dim3A_61 = vector.broadcast %broadcast_in_dim3A_60 : i32 to vector<16xi32>
        %swap3A_62 = arith.constant 96 : index
        %swap3A_63 = tpu.vector_load %arg6[%swap3A_62] {strides = array<i32>} : memref<128xi32, #tpu.memory_space<vmem>>, vector<16xi32>,
        %swap3A_64 = vector.shape_cast %swap3A_63 : vector<16xi32> to vector<16xi32>
        %swap3A_65 = vector.shape_cast %broadcast_in_dim3A_61 : vector<16xi32> to vector<16xi32>
        tpu.vector_store %arg6[%swap3A_62], %swap3A_65 {strides = array<i32>} : memref<128xi32, #tpu.memory_space<vmem>>, vector<16xi32>,
      } else {
      }
      "tpu.region"() ({
        %run_scoped3A = tpu.sem_alloc : memref<!tpu.dma_semaphore, #tpu.memory_space<semaphore_mem>>
        %dma_start3A = arith.constant 0 : i32
        %dma_start3A_26 = arith.constant 0 : i32
        %dma_start3A_27 = tpu.memref_slice %arg8[%dma_start3A, %dma_start3A_26] : memref<10008x128xf32, #tpu.memory_space<vmem_shared>> -> memref<10008x128xf32, #tpu.memory_space<vmem_shared>>
        tpu.enqueue_indirect_dma source(%arg7 : memref<128x128xf32, #tpu.memory_space<vmem>>) target(%dma_start3A_27 : memref<10008x128xf32, #tpu.memory_space<vmem_shared>>) offsets(%arg6 : memref<128xi32, #tpu.memory_space<vmem>>) semaphore(%run_scoped3A : memref<!tpu.dma_semaphore, #tpu.memory_space<semaphore_mem>>) {add = true}
        %dma_wait3A = arith.constant 0 : i32
        %dma_wait3A_28 = arith.constant 0 : i32
        %dma_wait3A_29 = tpu.memref_slice %arg8[%dma_wait3A, %dma_wait3A_28] : memref<10008x128xf32, #tpu.memory_space<vmem_shared>> -> memref<10008x128xf32, #tpu.memory_space<vmem_shared>>
        tpu.wait_indirect_dma semaphore(%run_scoped3A : memref<!tpu.dma_semaphore, #tpu.memory_space<semaphore_mem>>) src(%arg7 : memref<128x128xf32, #tpu.memory_space<vmem>>) dst(%dma_wait3A_29 : memref<10008x128xf32, #tpu.memory_space<vmem_shared>>)
        tpu.yield
      }) : () -> ()
    }
    %scan3A_9 = arith.constant 79 : i32
    %barrier3A_10 = arith.constant 0 : index
    tpu.barrier barrier_id(%barrier3A_10)
    %eq3A_11 = arith.constant 0 : i32
    %eq3A_12 = arith.cmpi eq, %arg1, %eq3A_11 : i32
    %convert_element_type3A_13 = arith.extui %eq3A_12 : i1 to i32
    %cond3A_14 = arith.constant 0 : i32
    %cond3A_15 = arith.cmpi ne, %convert_element_type3A_13, %cond3A_14 : i32
    scf.if %cond3A_15 {
      "tpu.region"() ({
        %run_scoped3A = tpu.sem_alloc : memref<!tpu.dma_semaphore, #tpu.memory_space<semaphore_mem>>
        %dma_start3A = arith.constant 0 : i32
        %dma_start3A_16 = arith.constant 0 : i32
        %dma_start3A_17 = tpu.memref_slice %arg5[%arg0, %dma_start3A, %dma_start3A_16] : memref<2x10008x128xf32, #tpu.memory_space<hbm>> -> memref<1x10008x128xf32, #tpu.memory_space<hbm>>
        %dma_start3A_18 = tpu.memref_squeeze %dma_start3A_17 : memref<1x10008x128xf32, #tpu.memory_space<hbm>> -> memref<10008x128xf32, #tpu.memory_space<hbm>>
        tpu.enqueue_dma source(%arg8 : memref<10008x128xf32, #tpu.memory_space<vmem_shared>>) target(%dma_start3A_18 : memref<10008x128xf32, #tpu.memory_space<hbm>>) target_semaphore(%run_scoped3A : memref<!tpu.dma_semaphore, #tpu.memory_space<semaphore_mem>>)
        %dma_wait3A = arith.constant 0 : i32
        %dma_wait3A_19 = arith.constant 0 : i32
        %dma_wait3A_20 = tpu.memref_slice %arg5[%arg0, %dma_wait3A, %dma_wait3A_19] : memref<2x10008x128xf32, #tpu.memory_space<hbm>> -> memref<1x10008x128xf32, #tpu.memory_space<hbm>>
        %dma_wait3A_21 = tpu.memref_squeeze %dma_wait3A_20 : memref<1x10008x128xf32, #tpu.memory_space<hbm>> -> memref<10008x128xf32, #tpu.memory_space<hbm>>
        tpu.wait_dma2 semaphore(%run_scoped3A : memref<!tpu.dma_semaphore, #tpu.memory_space<semaphore_mem>>) src(%arg8 : memref<10008x128xf32, #tpu.memory_space<vmem_shared>>) dst(%dma_wait3A_21 : memref<10008x128xf32, #tpu.memory_space<hbm>>)
        tpu.yield
      }) : () -> ()
    } else {
    }
    return
  }
}

#map = affine_map<(d0, d1) -> (0)>
#map1 = affine_map<(d0, d1) -> (0, 0)>
#map2 = affine_map<(d0, d1) -> (0, 0, 0)>
module attributes {stable_mosaic.version = 14 : i64} {
  func.func @k(%arg0: i32, %arg1: i32, %arg2: memref<10000xf32, #tpu.memory_space<hbm>>, %arg3: memref<10000xf32, #tpu.memory_space<hbm>>, %arg4: memref<10000xf32, #tpu.memory_space<hbm>>, %arg5: memref<320000xi32, #tpu.memory_space<hbm>>, %arg6: memref<320000xi32, #tpu.memory_space<hbm>>, %arg7: memref<128x128xf32, #tpu.memory_space<hbm>>, %arg8: memref<10008x128xf32, #tpu.memory_space<hbm>>, %arg9: memref<320000xf32, #tpu.memory_space<hbm>>, %arg10: memref<2x10008x128xf32, #tpu.memory_space<hbm>>, %arg11: memref<128xi32, #tpu.memory_space<vmem>>, %arg12: memref<128xi32, #tpu.memory_space<vmem>>, %arg13: memref<128xf32, #tpu.memory_space<vmem>>, %arg14: memref<128xf32, #tpu.memory_space<vmem>>, %arg15: memref<128xf32, #tpu.memory_space<vmem>>, %arg16: memref<128xf32, #tpu.memory_space<vmem>>, %arg17: memref<128xf32, #tpu.memory_space<vmem>>, %arg18: memref<128xf32, #tpu.memory_space<vmem>>, %arg19: memref<128xf32, #tpu.memory_space<vmem>>, %arg20: memref<128x128xf32, #tpu.memory_space<vmem>>, %arg21: memref<10008x128xf32, #tpu.memory_space<vmem_shared>>, %arg22: memref<!tpu.dma_semaphore, #tpu.memory_space<semaphore_mem>>) attributes {dimension_semantics = [#tpu.dimension_semantics<core_parallel>, #tpu.dimension_semantics<subcore_parallel>], iteration_bounds = array<i64: 2, 16>, scalar_prefetch = 0 : i64, scratch_operands = 12 : i64, tpu.core_type = #tpu.core_type<sc_vector_subcore>, window_params = [{transform_indices = #map}, {transform_indices = #map}, {transform_indices = #map}, {transform_indices = #map}, {transform_indices = #map}, {transform_indices = #map1}, {transform_indices = #map1}, {transform_indices = #map}, {transform_indices = #map2}]} {
    %mul3A = arith.constant 16 : i32
    %mul3A_0 = arith.muli %arg0, %mul3A : i32
    %add3A = arith.addi %mul3A_0, %arg1 : i32
    %mul3A_1 = arith.constant 10000 : i32
    %mul3A_2 = arith.muli %add3A, %mul3A_1 : i32
    %eq3A = arith.constant 0 : i32
    %eq3A_3 = arith.cmpi eq, %arg1, %eq3A : i32
    %convert_element_type3A = arith.extui %eq3A_3 : i1 to i32
    %cond3A = arith.constant 0 : i32
    %cond3A_4 = arith.cmpi ne, %convert_element_type3A, %cond3A : i32
    scf.if %cond3A_4 {
      "tpu.region"() ({
        %run_scoped3A = tpu.sem_alloc : memref<!tpu.dma_semaphore, #tpu.memory_space<semaphore_mem>>
        tpu.enqueue_dma source(%arg8 : memref<10008x128xf32, #tpu.memory_space<hbm>>) target(%arg21 : memref<10008x128xf32, #tpu.memory_space<vmem_shared>>) target_semaphore(%run_scoped3A : memref<!tpu.dma_semaphore, #tpu.memory_space<semaphore_mem>>)
        tpu.wait_dma2 semaphore(%run_scoped3A : memref<!tpu.dma_semaphore, #tpu.memory_space<semaphore_mem>>) src(%arg8 : memref<10008x128xf32, #tpu.memory_space<hbm>>) dst(%arg21 : memref<10008x128xf32, #tpu.memory_space<vmem_shared>>)
        tpu.yield
      }) : () -> ()
    } else {
    }
    "tpu.region"() ({
      %run_scoped3A = tpu.sem_alloc : memref<!tpu.dma_semaphore, #tpu.memory_space<semaphore_mem>>
      tpu.enqueue_dma source(%arg7 : memref<128x128xf32, #tpu.memory_space<hbm>>) target(%arg20 : memref<128x128xf32, #tpu.memory_space<vmem>>) target_semaphore(%run_scoped3A : memref<!tpu.dma_semaphore, #tpu.memory_space<semaphore_mem>>)
      tpu.wait_dma2 semaphore(%run_scoped3A : memref<!tpu.dma_semaphore, #tpu.memory_space<semaphore_mem>>) src(%arg7 : memref<128x128xf32, #tpu.memory_space<hbm>>) dst(%arg20 : memref<128x128xf32, #tpu.memory_space<vmem>>)
      tpu.yield
    }) : () -> ()
    %barrier3A = arith.constant 0 : index
    tpu.barrier barrier_id(%barrier3A)
    %scan3A = arith.constant 0 : i32
    %scan3A_5 = arith.constant 0 : i32
    %scan3A_6 = arith.constant 79 : i32
    %scan3A_7 = arith.addi %scan3A_5, %scan3A_6 : i32
    %scan3A_8 = arith.constant 1 : i32
    scf.for %scan3A_16 = %scan3A_5 to %scan3A_7 step %scan3A_8  : i32 {
      %mul3A_17 = arith.constant 128 : i32
      %mul3A_18 = arith.muli %scan3A_16, %mul3A_17 : i32
      %min3A = arith.constant 9872 : i32
      %min3A_19 = arith.minsi %mul3A_18, %min3A : i32
      %add3A_20 = arith.addi %mul3A_2, %min3A_19 : i32
      "tpu.region"() ({
        %run_scoped3A = tpu.sem_alloc : memref<!tpu.dma_semaphore, #tpu.memory_space<semaphore_mem>>
        %dma_start3A_285 = tpu.memref_slice %arg5[%add3A_20] : memref<320000xi32, #tpu.memory_space<hbm>> -> memref<128xi32, #tpu.memory_space<hbm>>
        %dma_start3A_286 = tpu.memref_slice %arg5[%add3A_20] : memref<320000xi32, #tpu.memory_space<hbm>> -> memref<128xi32, #tpu.memory_space<hbm>>
        tpu.enqueue_dma source(%dma_start3A_286 : memref<128xi32, #tpu.memory_space<hbm>>) target(%arg11 : memref<128xi32, #tpu.memory_space<vmem>>) target_semaphore(%run_scoped3A : memref<!tpu.dma_semaphore, #tpu.memory_space<semaphore_mem>>)
        %dma_wait3A_287 = tpu.memref_slice %arg5[%add3A_20] : memref<320000xi32, #tpu.memory_space<hbm>> -> memref<128xi32, #tpu.memory_space<hbm>>
        %dma_wait3A_288 = tpu.memref_slice %arg5[%add3A_20] : memref<320000xi32, #tpu.memory_space<hbm>> -> memref<128xi32, #tpu.memory_space<hbm>>
        tpu.wait_dma2 semaphore(%run_scoped3A : memref<!tpu.dma_semaphore, #tpu.memory_space<semaphore_mem>>) src(%dma_wait3A_288 : memref<128xi32, #tpu.memory_space<hbm>>) dst(%arg11 : memref<128xi32, #tpu.memory_space<vmem>>)
        tpu.yield
      }) : () -> ()
      "tpu.region"() ({
        %run_scoped3A = tpu.sem_alloc : memref<!tpu.dma_semaphore, #tpu.memory_space<semaphore_mem>>
        %dma_start3A_285 = tpu.memref_slice %arg6[%add3A_20] : memref<320000xi32, #tpu.memory_space<hbm>> -> memref<128xi32, #tpu.memory_space<hbm>>
        %dma_start3A_286 = tpu.memref_slice %arg6[%add3A_20] : memref<320000xi32, #tpu.memory_space<hbm>> -> memref<128xi32, #tpu.memory_space<hbm>>
        tpu.enqueue_dma source(%dma_start3A_286 : memref<128xi32, #tpu.memory_space<hbm>>) target(%arg12 : memref<128xi32, #tpu.memory_space<vmem>>) target_semaphore(%run_scoped3A : memref<!tpu.dma_semaphore, #tpu.memory_space<semaphore_mem>>)
        %dma_wait3A_287 = tpu.memref_slice %arg6[%add3A_20] : memref<320000xi32, #tpu.memory_space<hbm>> -> memref<128xi32, #tpu.memory_space<hbm>>
        %dma_wait3A_288 = tpu.memref_slice %arg6[%add3A_20] : memref<320000xi32, #tpu.memory_space<hbm>> -> memref<128xi32, #tpu.memory_space<hbm>>
        tpu.wait_dma2 semaphore(%run_scoped3A : memref<!tpu.dma_semaphore, #tpu.memory_space<semaphore_mem>>) src(%dma_wait3A_288 : memref<128xi32, #tpu.memory_space<hbm>>) dst(%arg12 : memref<128xi32, #tpu.memory_space<vmem>>)
        tpu.yield
      }) : () -> ()
      %dma_start3A = arith.constant 0 : i32
      %dma_start3A_21 = tpu.memref_slice %arg2[%dma_start3A] : memref<10000xf32, #tpu.memory_space<hbm>> -> memref<10000xf32, #tpu.memory_space<hbm>>
      tpu.enqueue_indirect_dma source(%dma_start3A_21 : memref<10000xf32, #tpu.memory_space<hbm>>) target(%arg13 : memref<128xf32, #tpu.memory_space<vmem>>) offsets(%arg11 : memref<128xi32, #tpu.memory_space<vmem>>) semaphore(%arg22 : memref<!tpu.dma_semaphore, #tpu.memory_space<semaphore_mem>>)
      %dma_wait3A = arith.constant 0 : i32
      %dma_wait3A_22 = tpu.memref_slice %arg2[%dma_wait3A] : memref<10000xf32, #tpu.memory_space<hbm>> -> memref<10000xf32, #tpu.memory_space<hbm>>
      tpu.wait_indirect_dma semaphore(%arg22 : memref<!tpu.dma_semaphore, #tpu.memory_space<semaphore_mem>>) src(%dma_wait3A_22 : memref<10000xf32, #tpu.memory_space<hbm>>) dst(%arg13 : memref<128xf32, #tpu.memory_space<vmem>>)
      %dma_start3A_23 = arith.constant 0 : i32
      %dma_start3A_24 = tpu.memref_slice %arg3[%dma_start3A_23] : memref<10000xf32, #tpu.memory_space<hbm>> -> memref<10000xf32, #tpu.memory_space<hbm>>
      tpu.enqueue_indirect_dma source(%dma_start3A_24 : memref<10000xf32, #tpu.memory_space<hbm>>) target(%arg14 : memref<128xf32, #tpu.memory_space<vmem>>) offsets(%arg11 : memref<128xi32, #tpu.memory_space<vmem>>) semaphore(%arg22 : memref<!tpu.dma_semaphore, #tpu.memory_space<semaphore_mem>>)
      %dma_wait3A_25 = arith.constant 0 : i32
      %dma_wait3A_26 = tpu.memref_slice %arg3[%dma_wait3A_25] : memref<10000xf32, #tpu.memory_space<hbm>> -> memref<10000xf32, #tpu.memory_space<hbm>>
      tpu.wait_indirect_dma semaphore(%arg22 : memref<!tpu.dma_semaphore, #tpu.memory_space<semaphore_mem>>) src(%dma_wait3A_26 : memref<10000xf32, #tpu.memory_space<hbm>>) dst(%arg14 : memref<128xf32, #tpu.memory_space<vmem>>)
      %dma_start3A_27 = arith.constant 0 : i32
      %dma_start3A_28 = tpu.memref_slice %arg4[%dma_start3A_27] : memref<10000xf32, #tpu.memory_space<hbm>> -> memref<10000xf32, #tpu.memory_space<hbm>>
      tpu.enqueue_indirect_dma source(%dma_start3A_28 : memref<10000xf32, #tpu.memory_space<hbm>>) target(%arg15 : memref<128xf32, #tpu.memory_space<vmem>>) offsets(%arg11 : memref<128xi32, #tpu.memory_space<vmem>>) semaphore(%arg22 : memref<!tpu.dma_semaphore, #tpu.memory_space<semaphore_mem>>)
      %dma_wait3A_29 = arith.constant 0 : i32
      %dma_wait3A_30 = tpu.memref_slice %arg4[%dma_wait3A_29] : memref<10000xf32, #tpu.memory_space<hbm>> -> memref<10000xf32, #tpu.memory_space<hbm>>
      tpu.wait_indirect_dma semaphore(%arg22 : memref<!tpu.dma_semaphore, #tpu.memory_space<semaphore_mem>>) src(%dma_wait3A_30 : memref<10000xf32, #tpu.memory_space<hbm>>) dst(%arg15 : memref<128xf32, #tpu.memory_space<vmem>>)
      %dma_start3A_31 = arith.constant 0 : i32
      %dma_start3A_32 = tpu.memref_slice %arg2[%dma_start3A_31] : memref<10000xf32, #tpu.memory_space<hbm>> -> memref<10000xf32, #tpu.memory_space<hbm>>
      tpu.enqueue_indirect_dma source(%dma_start3A_32 : memref<10000xf32, #tpu.memory_space<hbm>>) target(%arg16 : memref<128xf32, #tpu.memory_space<vmem>>) offsets(%arg12 : memref<128xi32, #tpu.memory_space<vmem>>) semaphore(%arg22 : memref<!tpu.dma_semaphore, #tpu.memory_space<semaphore_mem>>)
      %dma_wait3A_33 = arith.constant 0 : i32
      %dma_wait3A_34 = tpu.memref_slice %arg2[%dma_wait3A_33] : memref<10000xf32, #tpu.memory_space<hbm>> -> memref<10000xf32, #tpu.memory_space<hbm>>
      tpu.wait_indirect_dma semaphore(%arg22 : memref<!tpu.dma_semaphore, #tpu.memory_space<semaphore_mem>>) src(%dma_wait3A_34 : memref<10000xf32, #tpu.memory_space<hbm>>) dst(%arg16 : memref<128xf32, #tpu.memory_space<vmem>>)
      %dma_start3A_35 = arith.constant 0 : i32
      %dma_start3A_36 = tpu.memref_slice %arg3[%dma_start3A_35] : memref<10000xf32, #tpu.memory_space<hbm>> -> memref<10000xf32, #tpu.memory_space<hbm>>
      tpu.enqueue_indirect_dma source(%dma_start3A_36 : memref<10000xf32, #tpu.memory_space<hbm>>) target(%arg17 : memref<128xf32, #tpu.memory_space<vmem>>) offsets(%arg12 : memref<128xi32, #tpu.memory_space<vmem>>) semaphore(%arg22 : memref<!tpu.dma_semaphore, #tpu.memory_space<semaphore_mem>>)
      %dma_wait3A_37 = arith.constant 0 : i32
      %dma_wait3A_38 = tpu.memref_slice %arg3[%dma_wait3A_37] : memref<10000xf32, #tpu.memory_space<hbm>> -> memref<10000xf32, #tpu.memory_space<hbm>>
      tpu.wait_indirect_dma semaphore(%arg22 : memref<!tpu.dma_semaphore, #tpu.memory_space<semaphore_mem>>) src(%dma_wait3A_38 : memref<10000xf32, #tpu.memory_space<hbm>>) dst(%arg17 : memref<128xf32, #tpu.memory_space<vmem>>)
      %dma_start3A_39 = arith.constant 0 : i32
      %dma_start3A_40 = tpu.memref_slice %arg4[%dma_start3A_39] : memref<10000xf32, #tpu.memory_space<hbm>> -> memref<10000xf32, #tpu.memory_space<hbm>>
      tpu.enqueue_indirect_dma source(%dma_start3A_40 : memref<10000xf32, #tpu.memory_space<hbm>>) target(%arg18 : memref<128xf32, #tpu.memory_space<vmem>>) offsets(%arg12 : memref<128xi32, #tpu.memory_space<vmem>>) semaphore(%arg22 : memref<!tpu.dma_semaphore, #tpu.memory_space<semaphore_mem>>)
      %dma_wait3A_41 = arith.constant 0 : i32
      %dma_wait3A_42 = tpu.memref_slice %arg4[%dma_wait3A_41] : memref<10000xf32, #tpu.memory_space<hbm>> -> memref<10000xf32, #tpu.memory_space<hbm>>
      tpu.wait_indirect_dma semaphore(%arg22 : memref<!tpu.dma_semaphore, #tpu.memory_space<semaphore_mem>>) src(%dma_wait3A_42 : memref<10000xf32, #tpu.memory_space<hbm>>) dst(%arg18 : memref<128xf32, #tpu.memory_space<vmem>>)
      %get3A = arith.constant 0 : index
      %get3A_43 = tpu.vector_load %arg13[%get3A] {strides = array<i32>} : memref<128xf32, #tpu.memory_space<vmem>>, vector<16xf32>,
      %get3A_44 = vector.shape_cast %get3A_43 : vector<16xf32> to vector<16xf32>
      %get3A_45 = arith.constant 0 : index
      %get3A_46 = tpu.vector_load %arg16[%get3A_45] {strides = array<i32>} : memref<128xf32, #tpu.memory_space<vmem>>, vector<16xf32>,
      %get3A_47 = vector.shape_cast %get3A_46 : vector<16xf32> to vector<16xf32>
      %sub3A = arith.subf %get3A_44, %get3A_47 : vector<16xf32>
      %get3A_48 = arith.constant 0 : index
      %get3A_49 = tpu.vector_load %arg14[%get3A_48] {strides = array<i32>} : memref<128xf32, #tpu.memory_space<vmem>>, vector<16xf32>,
      %get3A_50 = vector.shape_cast %get3A_49 : vector<16xf32> to vector<16xf32>
      %get3A_51 = arith.constant 0 : index
      %get3A_52 = tpu.vector_load %arg17[%get3A_51] {strides = array<i32>} : memref<128xf32, #tpu.memory_space<vmem>>, vector<16xf32>,
      %get3A_53 = vector.shape_cast %get3A_52 : vector<16xf32> to vector<16xf32>
      %sub3A_54 = arith.subf %get3A_50, %get3A_53 : vector<16xf32>
      %get3A_55 = arith.constant 0 : index
      %get3A_56 = tpu.vector_load %arg15[%get3A_55] {strides = array<i32>} : memref<128xf32, #tpu.memory_space<vmem>>, vector<16xf32>,
      %get3A_57 = vector.shape_cast %get3A_56 : vector<16xf32> to vector<16xf32>
      %get3A_58 = arith.constant 0 : index
      %get3A_59 = tpu.vector_load %arg18[%get3A_58] {strides = array<i32>} : memref<128xf32, #tpu.memory_space<vmem>>, vector<16xf32>,
      %get3A_60 = vector.shape_cast %get3A_59 : vector<16xf32> to vector<16xf32>
      %sub3A_61 = arith.subf %get3A_57, %get3A_60 : vector<16xf32>
      %mul3A_62 = arith.mulf %sub3A, %sub3A : vector<16xf32>
      %mul3A_63 = arith.mulf %sub3A_54, %sub3A_54 : vector<16xf32>
      %add3A_64 = arith.addf %mul3A_62, %mul3A_63 : vector<16xf32>
      %mul3A_65 = arith.mulf %sub3A_61, %sub3A_61 : vector<16xf32>
      %add3A_66 = arith.addf %add3A_64, %mul3A_65 : vector<16xf32>
      %swap3A = arith.constant 0 : index
      %swap3A_67 = tpu.vector_load %arg19[%swap3A] {strides = array<i32>} : memref<128xf32, #tpu.memory_space<vmem>>, vector<16xf32>,
      %swap3A_68 = vector.shape_cast %swap3A_67 : vector<16xf32> to vector<16xf32>
      %swap3A_69 = vector.shape_cast %add3A_66 : vector<16xf32> to vector<16xf32>
      tpu.vector_store %arg19[%swap3A], %swap3A_69 {strides = array<i32>} : memref<128xf32, #tpu.memory_space<vmem>>, vector<16xf32>,
      %get3A_70 = arith.constant 16 : index
      %get3A_71 = tpu.vector_load %arg13[%get3A_70] {strides = array<i32>} : memref<128xf32, #tpu.memory_space<vmem>>, vector<16xf32>,
      %get3A_72 = vector.shape_cast %get3A_71 : vector<16xf32> to vector<16xf32>
      %get3A_73 = arith.constant 16 : index
      %get3A_74 = tpu.vector_load %arg16[%get3A_73] {strides = array<i32>} : memref<128xf32, #tpu.memory_space<vmem>>, vector<16xf32>,
      %get3A_75 = vector.shape_cast %get3A_74 : vector<16xf32> to vector<16xf32>
      %sub3A_76 = arith.subf %get3A_72, %get3A_75 : vector<16xf32>
      %get3A_77 = arith.constant 16 : index
      %get3A_78 = tpu.vector_load %arg14[%get3A_77] {strides = array<i32>} : memref<128xf32, #tpu.memory_space<vmem>>, vector<16xf32>,
      %get3A_79 = vector.shape_cast %get3A_78 : vector<16xf32> to vector<16xf32>
      %get3A_80 = arith.constant 16 : index
      %get3A_81 = tpu.vector_load %arg17[%get3A_80] {strides = array<i32>} : memref<128xf32, #tpu.memory_space<vmem>>, vector<16xf32>,
      %get3A_82 = vector.shape_cast %get3A_81 : vector<16xf32> to vector<16xf32>
      %sub3A_83 = arith.subf %get3A_79, %get3A_82 : vector<16xf32>
      %get3A_84 = arith.constant 16 : index
      %get3A_85 = tpu.vector_load %arg15[%get3A_84] {strides = array<i32>} : memref<128xf32, #tpu.memory_space<vmem>>, vector<16xf32>,
      %get3A_86 = vector.shape_cast %get3A_85 : vector<16xf32> to vector<16xf32>
      %get3A_87 = arith.constant 16 : index
      %get3A_88 = tpu.vector_load %arg18[%get3A_87] {strides = array<i32>} : memref<128xf32, #tpu.memory_space<vmem>>, vector<16xf32>,
      %get3A_89 = vector.shape_cast %get3A_88 : vector<16xf32> to vector<16xf32>
      %sub3A_90 = arith.subf %get3A_86, %get3A_89 : vector<16xf32>
      %mul3A_91 = arith.mulf %sub3A_76, %sub3A_76 : vector<16xf32>
      %mul3A_92 = arith.mulf %sub3A_83, %sub3A_83 : vector<16xf32>
      %add3A_93 = arith.addf %mul3A_91, %mul3A_92 : vector<16xf32>
      %mul3A_94 = arith.mulf %sub3A_90, %sub3A_90 : vector<16xf32>
      %add3A_95 = arith.addf %add3A_93, %mul3A_94 : vector<16xf32>
      %swap3A_96 = arith.constant 16 : index
      %swap3A_97 = tpu.vector_load %arg19[%swap3A_96] {strides = array<i32>} : memref<128xf32, #tpu.memory_space<vmem>>, vector<16xf32>,
      %swap3A_98 = vector.shape_cast %swap3A_97 : vector<16xf32> to vector<16xf32>
      %swap3A_99 = vector.shape_cast %add3A_95 : vector<16xf32> to vector<16xf32>
      tpu.vector_store %arg19[%swap3A_96], %swap3A_99 {strides = array<i32>} : memref<128xf32, #tpu.memory_space<vmem>>, vector<16xf32>,
      %get3A_100 = arith.constant 32 : index
      %get3A_101 = tpu.vector_load %arg13[%get3A_100] {strides = array<i32>} : memref<128xf32, #tpu.memory_space<vmem>>, vector<16xf32>,
      %get3A_102 = vector.shape_cast %get3A_101 : vector<16xf32> to vector<16xf32>
      %get3A_103 = arith.constant 32 : index
      %get3A_104 = tpu.vector_load %arg16[%get3A_103] {strides = array<i32>} : memref<128xf32, #tpu.memory_space<vmem>>, vector<16xf32>,
      %get3A_105 = vector.shape_cast %get3A_104 : vector<16xf32> to vector<16xf32>
      %sub3A_106 = arith.subf %get3A_102, %get3A_105 : vector<16xf32>
      %get3A_107 = arith.constant 32 : index
      %get3A_108 = tpu.vector_load %arg14[%get3A_107] {strides = array<i32>} : memref<128xf32, #tpu.memory_space<vmem>>, vector<16xf32>,
      %get3A_109 = vector.shape_cast %get3A_108 : vector<16xf32> to vector<16xf32>
      %get3A_110 = arith.constant 32 : index
      %get3A_111 = tpu.vector_load %arg17[%get3A_110] {strides = array<i32>} : memref<128xf32, #tpu.memory_space<vmem>>, vector<16xf32>,
      %get3A_112 = vector.shape_cast %get3A_111 : vector<16xf32> to vector<16xf32>
      %sub3A_113 = arith.subf %get3A_109, %get3A_112 : vector<16xf32>
      %get3A_114 = arith.constant 32 : index
      %get3A_115 = tpu.vector_load %arg15[%get3A_114] {strides = array<i32>} : memref<128xf32, #tpu.memory_space<vmem>>, vector<16xf32>,
      %get3A_116 = vector.shape_cast %get3A_115 : vector<16xf32> to vector<16xf32>
      %get3A_117 = arith.constant 32 : index
      %get3A_118 = tpu.vector_load %arg18[%get3A_117] {strides = array<i32>} : memref<128xf32, #tpu.memory_space<vmem>>, vector<16xf32>,
      %get3A_119 = vector.shape_cast %get3A_118 : vector<16xf32> to vector<16xf32>
      %sub3A_120 = arith.subf %get3A_116, %get3A_119 : vector<16xf32>
      %mul3A_121 = arith.mulf %sub3A_106, %sub3A_106 : vector<16xf32>
      %mul3A_122 = arith.mulf %sub3A_113, %sub3A_113 : vector<16xf32>
      %add3A_123 = arith.addf %mul3A_121, %mul3A_122 : vector<16xf32>
      %mul3A_124 = arith.mulf %sub3A_120, %sub3A_120 : vector<16xf32>
      %add3A_125 = arith.addf %add3A_123, %mul3A_124 : vector<16xf32>
      %swap3A_126 = arith.constant 32 : index
      %swap3A_127 = tpu.vector_load %arg19[%swap3A_126] {strides = array<i32>} : memref<128xf32, #tpu.memory_space<vmem>>, vector<16xf32>,
      %swap3A_128 = vector.shape_cast %swap3A_127 : vector<16xf32> to vector<16xf32>
      %swap3A_129 = vector.shape_cast %add3A_125 : vector<16xf32> to vector<16xf32>
      tpu.vector_store %arg19[%swap3A_126], %swap3A_129 {strides = array<i32>} : memref<128xf32, #tpu.memory_space<vmem>>, vector<16xf32>,
      %get3A_130 = arith.constant 48 : index
      %get3A_131 = tpu.vector_load %arg13[%get3A_130] {strides = array<i32>} : memref<128xf32, #tpu.memory_space<vmem>>, vector<16xf32>,
      %get3A_132 = vector.shape_cast %get3A_131 : vector<16xf32> to vector<16xf32>
      %get3A_133 = arith.constant 48 : index
      %get3A_134 = tpu.vector_load %arg16[%get3A_133] {strides = array<i32>} : memref<128xf32, #tpu.memory_space<vmem>>, vector<16xf32>,
      %get3A_135 = vector.shape_cast %get3A_134 : vector<16xf32> to vector<16xf32>
      %sub3A_136 = arith.subf %get3A_132, %get3A_135 : vector<16xf32>
      %get3A_137 = arith.constant 48 : index
      %get3A_138 = tpu.vector_load %arg14[%get3A_137] {strides = array<i32>} : memref<128xf32, #tpu.memory_space<vmem>>, vector<16xf32>,
      %get3A_139 = vector.shape_cast %get3A_138 : vector<16xf32> to vector<16xf32>
      %get3A_140 = arith.constant 48 : index
      %get3A_141 = tpu.vector_load %arg17[%get3A_140] {strides = array<i32>} : memref<128xf32, #tpu.memory_space<vmem>>, vector<16xf32>,
      %get3A_142 = vector.shape_cast %get3A_141 : vector<16xf32> to vector<16xf32>
      %sub3A_143 = arith.subf %get3A_139, %get3A_142 : vector<16xf32>
      %get3A_144 = arith.constant 48 : index
      %get3A_145 = tpu.vector_load %arg15[%get3A_144] {strides = array<i32>} : memref<128xf32, #tpu.memory_space<vmem>>, vector<16xf32>,
      %get3A_146 = vector.shape_cast %get3A_145 : vector<16xf32> to vector<16xf32>
      %get3A_147 = arith.constant 48 : index
      %get3A_148 = tpu.vector_load %arg18[%get3A_147] {strides = array<i32>} : memref<128xf32, #tpu.memory_space<vmem>>, vector<16xf32>,
      %get3A_149 = vector.shape_cast %get3A_148 : vector<16xf32> to vector<16xf32>
      %sub3A_150 = arith.subf %get3A_146, %get3A_149 : vector<16xf32>
      %mul3A_151 = arith.mulf %sub3A_136, %sub3A_136 : vector<16xf32>
      %mul3A_152 = arith.mulf %sub3A_143, %sub3A_143 : vector<16xf32>
      %add3A_153 = arith.addf %mul3A_151, %mul3A_152 : vector<16xf32>
      %mul3A_154 = arith.mulf %sub3A_150, %sub3A_150 : vector<16xf32>
      %add3A_155 = arith.addf %add3A_153, %mul3A_154 : vector<16xf32>
      %swap3A_156 = arith.constant 48 : index
      %swap3A_157 = tpu.vector_load %arg19[%swap3A_156] {strides = array<i32>} : memref<128xf32, #tpu.memory_space<vmem>>, vector<16xf32>,
      %swap3A_158 = vector.shape_cast %swap3A_157 : vector<16xf32> to vector<16xf32>
      %swap3A_159 = vector.shape_cast %add3A_155 : vector<16xf32> to vector<16xf32>
      tpu.vector_store %arg19[%swap3A_156], %swap3A_159 {strides = array<i32>} : memref<128xf32, #tpu.memory_space<vmem>>, vector<16xf32>,
      %get3A_160 = arith.constant 64 : index
      %get3A_161 = tpu.vector_load %arg13[%get3A_160] {strides = array<i32>} : memref<128xf32, #tpu.memory_space<vmem>>, vector<16xf32>,
      %get3A_162 = vector.shape_cast %get3A_161 : vector<16xf32> to vector<16xf32>
      %get3A_163 = arith.constant 64 : index
      %get3A_164 = tpu.vector_load %arg16[%get3A_163] {strides = array<i32>} : memref<128xf32, #tpu.memory_space<vmem>>, vector<16xf32>,
      %get3A_165 = vector.shape_cast %get3A_164 : vector<16xf32> to vector<16xf32>
      %sub3A_166 = arith.subf %get3A_162, %get3A_165 : vector<16xf32>
      %get3A_167 = arith.constant 64 : index
      %get3A_168 = tpu.vector_load %arg14[%get3A_167] {strides = array<i32>} : memref<128xf32, #tpu.memory_space<vmem>>, vector<16xf32>,
      %get3A_169 = vector.shape_cast %get3A_168 : vector<16xf32> to vector<16xf32>
      %get3A_170 = arith.constant 64 : index
      %get3A_171 = tpu.vector_load %arg17[%get3A_170] {strides = array<i32>} : memref<128xf32, #tpu.memory_space<vmem>>, vector<16xf32>,
      %get3A_172 = vector.shape_cast %get3A_171 : vector<16xf32> to vector<16xf32>
      %sub3A_173 = arith.subf %get3A_169, %get3A_172 : vector<16xf32>
      %get3A_174 = arith.constant 64 : index
      %get3A_175 = tpu.vector_load %arg15[%get3A_174] {strides = array<i32>} : memref<128xf32, #tpu.memory_space<vmem>>, vector<16xf32>,
      %get3A_176 = vector.shape_cast %get3A_175 : vector<16xf32> to vector<16xf32>
      %get3A_177 = arith.constant 64 : index
      %get3A_178 = tpu.vector_load %arg18[%get3A_177] {strides = array<i32>} : memref<128xf32, #tpu.memory_space<vmem>>, vector<16xf32>,
      %get3A_179 = vector.shape_cast %get3A_178 : vector<16xf32> to vector<16xf32>
      %sub3A_180 = arith.subf %get3A_176, %get3A_179 : vector<16xf32>
      %mul3A_181 = arith.mulf %sub3A_166, %sub3A_166 : vector<16xf32>
      %mul3A_182 = arith.mulf %sub3A_173, %sub3A_173 : vector<16xf32>
      %add3A_183 = arith.addf %mul3A_181, %mul3A_182 : vector<16xf32>
      %mul3A_184 = arith.mulf %sub3A_180, %sub3A_180 : vector<16xf32>
      %add3A_185 = arith.addf %add3A_183, %mul3A_184 : vector<16xf32>
      %swap3A_186 = arith.constant 64 : index
      %swap3A_187 = tpu.vector_load %arg19[%swap3A_186] {strides = array<i32>} : memref<128xf32, #tpu.memory_space<vmem>>, vector<16xf32>,
      %swap3A_188 = vector.shape_cast %swap3A_187 : vector<16xf32> to vector<16xf32>
      %swap3A_189 = vector.shape_cast %add3A_185 : vector<16xf32> to vector<16xf32>
      tpu.vector_store %arg19[%swap3A_186], %swap3A_189 {strides = array<i32>} : memref<128xf32, #tpu.memory_space<vmem>>, vector<16xf32>,
      %get3A_190 = arith.constant 80 : index
      %get3A_191 = tpu.vector_load %arg13[%get3A_190] {strides = array<i32>} : memref<128xf32, #tpu.memory_space<vmem>>, vector<16xf32>,
      %get3A_192 = vector.shape_cast %get3A_191 : vector<16xf32> to vector<16xf32>
      %get3A_193 = arith.constant 80 : index
      %get3A_194 = tpu.vector_load %arg16[%get3A_193] {strides = array<i32>} : memref<128xf32, #tpu.memory_space<vmem>>, vector<16xf32>,
      %get3A_195 = vector.shape_cast %get3A_194 : vector<16xf32> to vector<16xf32>
      %sub3A_196 = arith.subf %get3A_192, %get3A_195 : vector<16xf32>
      %get3A_197 = arith.constant 80 : index
      %get3A_198 = tpu.vector_load %arg14[%get3A_197] {strides = array<i32>} : memref<128xf32, #tpu.memory_space<vmem>>, vector<16xf32>,
      %get3A_199 = vector.shape_cast %get3A_198 : vector<16xf32> to vector<16xf32>
      %get3A_200 = arith.constant 80 : index
      %get3A_201 = tpu.vector_load %arg17[%get3A_200] {strides = array<i32>} : memref<128xf32, #tpu.memory_space<vmem>>, vector<16xf32>,
      %get3A_202 = vector.shape_cast %get3A_201 : vector<16xf32> to vector<16xf32>
      %sub3A_203 = arith.subf %get3A_199, %get3A_202 : vector<16xf32>
      %get3A_204 = arith.constant 80 : index
      %get3A_205 = tpu.vector_load %arg15[%get3A_204] {strides = array<i32>} : memref<128xf32, #tpu.memory_space<vmem>>, vector<16xf32>,
      %get3A_206 = vector.shape_cast %get3A_205 : vector<16xf32> to vector<16xf32>
      %get3A_207 = arith.constant 80 : index
      %get3A_208 = tpu.vector_load %arg18[%get3A_207] {strides = array<i32>} : memref<128xf32, #tpu.memory_space<vmem>>, vector<16xf32>,
      %get3A_209 = vector.shape_cast %get3A_208 : vector<16xf32> to vector<16xf32>
      %sub3A_210 = arith.subf %get3A_206, %get3A_209 : vector<16xf32>
      %mul3A_211 = arith.mulf %sub3A_196, %sub3A_196 : vector<16xf32>
      %mul3A_212 = arith.mulf %sub3A_203, %sub3A_203 : vector<16xf32>
      %add3A_213 = arith.addf %mul3A_211, %mul3A_212 : vector<16xf32>
      %mul3A_214 = arith.mulf %sub3A_210, %sub3A_210 : vector<16xf32>
      %add3A_215 = arith.addf %add3A_213, %mul3A_214 : vector<16xf32>
      %swap3A_216 = arith.constant 80 : index
      %swap3A_217 = tpu.vector_load %arg19[%swap3A_216] {strides = array<i32>} : memref<128xf32, #tpu.memory_space<vmem>>, vector<16xf32>,
      %swap3A_218 = vector.shape_cast %swap3A_217 : vector<16xf32> to vector<16xf32>
      %swap3A_219 = vector.shape_cast %add3A_215 : vector<16xf32> to vector<16xf32>
      tpu.vector_store %arg19[%swap3A_216], %swap3A_219 {strides = array<i32>} : memref<128xf32, #tpu.memory_space<vmem>>, vector<16xf32>,
      %get3A_220 = arith.constant 96 : index
      %get3A_221 = tpu.vector_load %arg13[%get3A_220] {strides = array<i32>} : memref<128xf32, #tpu.memory_space<vmem>>, vector<16xf32>,
      %get3A_222 = vector.shape_cast %get3A_221 : vector<16xf32> to vector<16xf32>
      %get3A_223 = arith.constant 96 : index
      %get3A_224 = tpu.vector_load %arg16[%get3A_223] {strides = array<i32>} : memref<128xf32, #tpu.memory_space<vmem>>, vector<16xf32>,
      %get3A_225 = vector.shape_cast %get3A_224 : vector<16xf32> to vector<16xf32>
      %sub3A_226 = arith.subf %get3A_222, %get3A_225 : vector<16xf32>
      %get3A_227 = arith.constant 96 : index
      %get3A_228 = tpu.vector_load %arg14[%get3A_227] {strides = array<i32>} : memref<128xf32, #tpu.memory_space<vmem>>, vector<16xf32>,
      %get3A_229 = vector.shape_cast %get3A_228 : vector<16xf32> to vector<16xf32>
      %get3A_230 = arith.constant 96 : index
      %get3A_231 = tpu.vector_load %arg17[%get3A_230] {strides = array<i32>} : memref<128xf32, #tpu.memory_space<vmem>>, vector<16xf32>,
      %get3A_232 = vector.shape_cast %get3A_231 : vector<16xf32> to vector<16xf32>
      %sub3A_233 = arith.subf %get3A_229, %get3A_232 : vector<16xf32>
      %get3A_234 = arith.constant 96 : index
      %get3A_235 = tpu.vector_load %arg15[%get3A_234] {strides = array<i32>} : memref<128xf32, #tpu.memory_space<vmem>>, vector<16xf32>,
      %get3A_236 = vector.shape_cast %get3A_235 : vector<16xf32> to vector<16xf32>
      %get3A_237 = arith.constant 96 : index
      %get3A_238 = tpu.vector_load %arg18[%get3A_237] {strides = array<i32>} : memref<128xf32, #tpu.memory_space<vmem>>, vector<16xf32>,
      %get3A_239 = vector.shape_cast %get3A_238 : vector<16xf32> to vector<16xf32>
      %sub3A_240 = arith.subf %get3A_236, %get3A_239 : vector<16xf32>
      %mul3A_241 = arith.mulf %sub3A_226, %sub3A_226 : vector<16xf32>
      %mul3A_242 = arith.mulf %sub3A_233, %sub3A_233 : vector<16xf32>
      %add3A_243 = arith.addf %mul3A_241, %mul3A_242 : vector<16xf32>
      %mul3A_244 = arith.mulf %sub3A_240, %sub3A_240 : vector<16xf32>
      %add3A_245 = arith.addf %add3A_243, %mul3A_244 : vector<16xf32>
      %swap3A_246 = arith.constant 96 : index
      %swap3A_247 = tpu.vector_load %arg19[%swap3A_246] {strides = array<i32>} : memref<128xf32, #tpu.memory_space<vmem>>, vector<16xf32>,
      %swap3A_248 = vector.shape_cast %swap3A_247 : vector<16xf32> to vector<16xf32>
      %swap3A_249 = vector.shape_cast %add3A_245 : vector<16xf32> to vector<16xf32>
      tpu.vector_store %arg19[%swap3A_246], %swap3A_249 {strides = array<i32>} : memref<128xf32, #tpu.memory_space<vmem>>, vector<16xf32>,
      %get3A_250 = arith.constant 112 : index
      %get3A_251 = tpu.vector_load %arg13[%get3A_250] {strides = array<i32>} : memref<128xf32, #tpu.memory_space<vmem>>, vector<16xf32>,
      %get3A_252 = vector.shape_cast %get3A_251 : vector<16xf32> to vector<16xf32>
      %get3A_253 = arith.constant 112 : index
      %get3A_254 = tpu.vector_load %arg16[%get3A_253] {strides = array<i32>} : memref<128xf32, #tpu.memory_space<vmem>>, vector<16xf32>,
      %get3A_255 = vector.shape_cast %get3A_254 : vector<16xf32> to vector<16xf32>
      %sub3A_256 = arith.subf %get3A_252, %get3A_255 : vector<16xf32>
      %get3A_257 = arith.constant 112 : index
      %get3A_258 = tpu.vector_load %arg14[%get3A_257] {strides = array<i32>} : memref<128xf32, #tpu.memory_space<vmem>>, vector<16xf32>,
      %get3A_259 = vector.shape_cast %get3A_258 : vector<16xf32> to vector<16xf32>
      %get3A_260 = arith.constant 112 : index
      %get3A_261 = tpu.vector_load %arg17[%get3A_260] {strides = array<i32>} : memref<128xf32, #tpu.memory_space<vmem>>, vector<16xf32>,
      %get3A_262 = vector.shape_cast %get3A_261 : vector<16xf32> to vector<16xf32>
      %sub3A_263 = arith.subf %get3A_259, %get3A_262 : vector<16xf32>
      %get3A_264 = arith.constant 112 : index
      %get3A_265 = tpu.vector_load %arg15[%get3A_264] {strides = array<i32>} : memref<128xf32, #tpu.memory_space<vmem>>, vector<16xf32>,
      %get3A_266 = vector.shape_cast %get3A_265 : vector<16xf32> to vector<16xf32>
      %get3A_267 = arith.constant 112 : index
      %get3A_268 = tpu.vector_load %arg18[%get3A_267] {strides = array<i32>} : memref<128xf32, #tpu.memory_space<vmem>>, vector<16xf32>,
      %get3A_269 = vector.shape_cast %get3A_268 : vector<16xf32> to vector<16xf32>
      %sub3A_270 = arith.subf %get3A_266, %get3A_269 : vector<16xf32>
      %mul3A_271 = arith.mulf %sub3A_256, %sub3A_256 : vector<16xf32>
      %mul3A_272 = arith.mulf %sub3A_263, %sub3A_263 : vector<16xf32>
      %add3A_273 = arith.addf %mul3A_271, %mul3A_272 : vector<16xf32>
      %mul3A_274 = arith.mulf %sub3A_270, %sub3A_270 : vector<16xf32>
      %add3A_275 = arith.addf %add3A_273, %mul3A_274 : vector<16xf32>
      %swap3A_276 = arith.constant 112 : index
      %swap3A_277 = tpu.vector_load %arg19[%swap3A_276] {strides = array<i32>} : memref<128xf32, #tpu.memory_space<vmem>>, vector<16xf32>,
      %swap3A_278 = vector.shape_cast %swap3A_277 : vector<16xf32> to vector<16xf32>
      %swap3A_279 = vector.shape_cast %add3A_275 : vector<16xf32> to vector<16xf32>
      tpu.vector_store %arg19[%swap3A_276], %swap3A_279 {strides = array<i32>} : memref<128xf32, #tpu.memory_space<vmem>>, vector<16xf32>,
      "tpu.region"() ({
        %run_scoped3A = tpu.sem_alloc : memref<!tpu.dma_semaphore, #tpu.memory_space<semaphore_mem>>
        %dma_start3A_285 = tpu.memref_slice %arg9[%add3A_20] : memref<320000xf32, #tpu.memory_space<hbm>> -> memref<128xf32, #tpu.memory_space<hbm>>
        %dma_start3A_286 = tpu.memref_slice %arg9[%add3A_20] : memref<320000xf32, #tpu.memory_space<hbm>> -> memref<128xf32, #tpu.memory_space<hbm>>
        tpu.enqueue_dma source(%arg19 : memref<128xf32, #tpu.memory_space<vmem>>) target(%dma_start3A_286 : memref<128xf32, #tpu.memory_space<hbm>>) target_semaphore(%run_scoped3A : memref<!tpu.dma_semaphore, #tpu.memory_space<semaphore_mem>>)
        %dma_wait3A_287 = tpu.memref_slice %arg9[%add3A_20] : memref<320000xf32, #tpu.memory_space<hbm>> -> memref<128xf32, #tpu.memory_space<hbm>>
        %dma_wait3A_288 = tpu.memref_slice %arg9[%add3A_20] : memref<320000xf32, #tpu.memory_space<hbm>> -> memref<128xf32, #tpu.memory_space<hbm>>
        tpu.wait_dma2 semaphore(%run_scoped3A : memref<!tpu.dma_semaphore, #tpu.memory_space<semaphore_mem>>) src(%arg19 : memref<128xf32, #tpu.memory_space<vmem>>) dst(%dma_wait3A_288 : memref<128xf32, #tpu.memory_space<hbm>>)
        tpu.yield
      }) : () -> ()
      %eq3A_280 = arith.constant 78 : i32
      %eq3A_281 = arith.cmpi eq, %scan3A_16, %eq3A_280 : i32
      %convert_element_type3A_282 = arith.extui %eq3A_281 : i1 to i32
      %cond3A_283 = arith.constant 0 : i32
      %cond3A_284 = arith.cmpi ne, %convert_element_type3A_282, %cond3A_283 : i32
      scf.if %cond3A_284 {
        %broadcast_in_dim3A = arith.constant 10000 : i32
        %broadcast_in_dim3A_285 = vector.broadcast %broadcast_in_dim3A : i32 to vector<16xi32>
        %swap3A_286 = arith.constant 0 : index
        %swap3A_287 = tpu.vector_load %arg11[%swap3A_286] {strides = array<i32>} : memref<128xi32, #tpu.memory_space<vmem>>, vector<16xi32>,
        %swap3A_288 = vector.shape_cast %swap3A_287 : vector<16xi32> to vector<16xi32>
        %swap3A_289 = vector.shape_cast %broadcast_in_dim3A_285 : vector<16xi32> to vector<16xi32>
        tpu.vector_store %arg11[%swap3A_286], %swap3A_289 {strides = array<i32>} : memref<128xi32, #tpu.memory_space<vmem>>, vector<16xi32>,
        %broadcast_in_dim3A_290 = arith.constant 10000 : i32
        %broadcast_in_dim3A_291 = vector.broadcast %broadcast_in_dim3A_290 : i32 to vector<16xi32>
        %swap3A_292 = arith.constant 16 : index
        %swap3A_293 = tpu.vector_load %arg11[%swap3A_292] {strides = array<i32>} : memref<128xi32, #tpu.memory_space<vmem>>, vector<16xi32>,
        %swap3A_294 = vector.shape_cast %swap3A_293 : vector<16xi32> to vector<16xi32>
        %swap3A_295 = vector.shape_cast %broadcast_in_dim3A_291 : vector<16xi32> to vector<16xi32>
        tpu.vector_store %arg11[%swap3A_292], %swap3A_295 {strides = array<i32>} : memref<128xi32, #tpu.memory_space<vmem>>, vector<16xi32>,
        %broadcast_in_dim3A_296 = arith.constant 10000 : i32
        %broadcast_in_dim3A_297 = vector.broadcast %broadcast_in_dim3A_296 : i32 to vector<16xi32>
        %swap3A_298 = arith.constant 32 : index
        %swap3A_299 = tpu.vector_load %arg11[%swap3A_298] {strides = array<i32>} : memref<128xi32, #tpu.memory_space<vmem>>, vector<16xi32>,
        %swap3A_300 = vector.shape_cast %swap3A_299 : vector<16xi32> to vector<16xi32>
        %swap3A_301 = vector.shape_cast %broadcast_in_dim3A_297 : vector<16xi32> to vector<16xi32>
        tpu.vector_store %arg11[%swap3A_298], %swap3A_301 {strides = array<i32>} : memref<128xi32, #tpu.memory_space<vmem>>, vector<16xi32>,
        %broadcast_in_dim3A_302 = arith.constant 10000 : i32
        %broadcast_in_dim3A_303 = vector.broadcast %broadcast_in_dim3A_302 : i32 to vector<16xi32>
        %swap3A_304 = arith.constant 48 : index
        %swap3A_305 = tpu.vector_load %arg11[%swap3A_304] {strides = array<i32>} : memref<128xi32, #tpu.memory_space<vmem>>, vector<16xi32>,
        %swap3A_306 = vector.shape_cast %swap3A_305 : vector<16xi32> to vector<16xi32>
        %swap3A_307 = vector.shape_cast %broadcast_in_dim3A_303 : vector<16xi32> to vector<16xi32>
        tpu.vector_store %arg11[%swap3A_304], %swap3A_307 {strides = array<i32>} : memref<128xi32, #tpu.memory_space<vmem>>, vector<16xi32>,
        %broadcast_in_dim3A_308 = arith.constant 10000 : i32
        %broadcast_in_dim3A_309 = vector.broadcast %broadcast_in_dim3A_308 : i32 to vector<16xi32>
        %swap3A_310 = arith.constant 64 : index
        %swap3A_311 = tpu.vector_load %arg11[%swap3A_310] {strides = array<i32>} : memref<128xi32, #tpu.memory_space<vmem>>, vector<16xi32>,
        %swap3A_312 = vector.shape_cast %swap3A_311 : vector<16xi32> to vector<16xi32>
        %swap3A_313 = vector.shape_cast %broadcast_in_dim3A_309 : vector<16xi32> to vector<16xi32>
        tpu.vector_store %arg11[%swap3A_310], %swap3A_313 {strides = array<i32>} : memref<128xi32, #tpu.memory_space<vmem>>, vector<16xi32>,
        %broadcast_in_dim3A_314 = arith.constant 10000 : i32
        %broadcast_in_dim3A_315 = vector.broadcast %broadcast_in_dim3A_314 : i32 to vector<16xi32>
        %swap3A_316 = arith.constant 80 : index
        %swap3A_317 = tpu.vector_load %arg11[%swap3A_316] {strides = array<i32>} : memref<128xi32, #tpu.memory_space<vmem>>, vector<16xi32>,
        %swap3A_318 = vector.shape_cast %swap3A_317 : vector<16xi32> to vector<16xi32>
        %swap3A_319 = vector.shape_cast %broadcast_in_dim3A_315 : vector<16xi32> to vector<16xi32>
        tpu.vector_store %arg11[%swap3A_316], %swap3A_319 {strides = array<i32>} : memref<128xi32, #tpu.memory_space<vmem>>, vector<16xi32>,
        %broadcast_in_dim3A_320 = arith.constant 10000 : i32
        %broadcast_in_dim3A_321 = vector.broadcast %broadcast_in_dim3A_320 : i32 to vector<16xi32>
        %swap3A_322 = arith.constant 96 : index
        %swap3A_323 = tpu.vector_load %arg11[%swap3A_322] {strides = array<i32>} : memref<128xi32, #tpu.memory_space<vmem>>, vector<16xi32>,
        %swap3A_324 = vector.shape_cast %swap3A_323 : vector<16xi32> to vector<16xi32>
        %swap3A_325 = vector.shape_cast %broadcast_in_dim3A_321 : vector<16xi32> to vector<16xi32>
        tpu.vector_store %arg11[%swap3A_322], %swap3A_325 {strides = array<i32>} : memref<128xi32, #tpu.memory_space<vmem>>, vector<16xi32>,
      } else {
      }
      "tpu.region"() ({
        %run_scoped3A = tpu.sem_alloc : memref<!tpu.dma_semaphore, #tpu.memory_space<semaphore_mem>>
        %dma_start3A_285 = arith.constant 0 : i32
        %dma_start3A_286 = arith.constant 0 : i32
        %dma_start3A_287 = tpu.memref_slice %arg21[%dma_start3A_285, %dma_start3A_286] : memref<10008x128xf32, #tpu.memory_space<vmem_shared>> -> memref<10008x128xf32, #tpu.memory_space<vmem_shared>>
        tpu.enqueue_indirect_dma source(%arg20 : memref<128x128xf32, #tpu.memory_space<vmem>>) target(%dma_start3A_287 : memref<10008x128xf32, #tpu.memory_space<vmem_shared>>) offsets(%arg11 : memref<128xi32, #tpu.memory_space<vmem>>) semaphore(%run_scoped3A : memref<!tpu.dma_semaphore, #tpu.memory_space<semaphore_mem>>) {add = true}
        %dma_wait3A_288 = arith.constant 0 : i32
        %dma_wait3A_289 = arith.constant 0 : i32
        %dma_wait3A_290 = tpu.memref_slice %arg21[%dma_wait3A_288, %dma_wait3A_289] : memref<10008x128xf32, #tpu.memory_space<vmem_shared>> -> memref<10008x128xf32, #tpu.memory_space<vmem_shared>>
        tpu.wait_indirect_dma semaphore(%run_scoped3A : memref<!tpu.dma_semaphore, #tpu.memory_space<semaphore_mem>>) src(%arg20 : memref<128x128xf32, #tpu.memory_space<vmem>>) dst(%dma_wait3A_290 : memref<10008x128xf32, #tpu.memory_space<vmem_shared>>)
        tpu.yield
      }) : () -> ()
    }
    %scan3A_9 = arith.constant 79 : i32
    %barrier3A_10 = arith.constant 0 : index
    tpu.barrier barrier_id(%barrier3A_10)
    %eq3A_11 = arith.constant 0 : i32
    %eq3A_12 = arith.cmpi eq, %arg1, %eq3A_11 : i32
    %convert_element_type3A_13 = arith.extui %eq3A_12 : i1 to i32
    %cond3A_14 = arith.constant 0 : i32
    %cond3A_15 = arith.cmpi ne, %convert_element_type3A_13, %cond3A_14 : i32
    scf.if %cond3A_15 {
      "tpu.region"() ({
        %run_scoped3A = tpu.sem_alloc : memref<!tpu.dma_semaphore, #tpu.memory_space<semaphore_mem>>
        %dma_start3A = arith.constant 0 : i32
        %dma_start3A_16 = arith.constant 0 : i32
        %dma_start3A_17 = tpu.memref_slice %arg10[%arg0, %dma_start3A, %dma_start3A_16] : memref<2x10008x128xf32, #tpu.memory_space<hbm>> -> memref<1x10008x128xf32, #tpu.memory_space<hbm>>
        %dma_start3A_18 = tpu.memref_squeeze %dma_start3A_17 : memref<1x10008x128xf32, #tpu.memory_space<hbm>> -> memref<10008x128xf32, #tpu.memory_space<hbm>>
        tpu.enqueue_dma source(%arg21 : memref<10008x128xf32, #tpu.memory_space<vmem_shared>>) target(%dma_start3A_18 : memref<10008x128xf32, #tpu.memory_space<hbm>>) target_semaphore(%run_scoped3A : memref<!tpu.dma_semaphore, #tpu.memory_space<semaphore_mem>>)
        %dma_wait3A = arith.constant 0 : i32
        %dma_wait3A_19 = arith.constant 0 : i32
        %dma_wait3A_20 = tpu.memref_slice %arg10[%arg0, %dma_wait3A, %dma_wait3A_19] : memref<2x10008x128xf32, #tpu.memory_space<hbm>> -> memref<1x10008x128xf32, #tpu.memory_space<hbm>>
        %dma_wait3A_21 = tpu.memref_squeeze %dma_wait3A_20 : memref<1x10008x128xf32, #tpu.memory_space<hbm>> -> memref<10008x128xf32, #tpu.memory_space<hbm>>
        tpu.wait_dma2 semaphore(%run_scoped3A : memref<!tpu.dma_semaphore, #tpu.memory_space<semaphore_mem>>) src(%arg21 : memref<10008x128xf32, #tpu.memory_space<vmem_shared>>) dst(%dma_wait3A_21 : memref<10008x128xf32, #tpu.memory_space<hbm>>)
        tpu.yield
      }) : () -> ()
    } else {
    }
    return
  }
}

#map = affine_map<(d0, d1) -> (0, 0)>
#map1 = affine_map<(d0, d1) -> (0)>
module attributes {stable_mosaic.version = 14 : i64} {
  func.func @k(%arg0: i32, %arg1: i32, %arg2: memref<10000x128xf32, #tpu.memory_space<hbm>>, %arg3: memref<10000x128xf32, #tpu.memory_space<hbm>>, %arg4: memref<320000xi32, #tpu.memory_space<hbm>>, %arg5: memref<320000xi32, #tpu.memory_space<hbm>>, %arg6: memref<320000x128xf32, #tpu.memory_space<hbm>>, %arg7: memref<320000x128xf32, #tpu.memory_space<hbm>>, %arg8: memref<128xi32, #tpu.memory_space<vmem>>, %arg9: memref<128xi32, #tpu.memory_space<vmem>>, %arg10: memref<128x128xf32, #tpu.memory_space<vmem>>, %arg11: memref<128x128xf32, #tpu.memory_space<vmem>>, %arg12: memref<!tpu.dma_semaphore, #tpu.memory_space<semaphore_mem>>) attributes {dimension_semantics = [#tpu.dimension_semantics<core_parallel>, #tpu.dimension_semantics<subcore_parallel>], iteration_bounds = array<i64: 2, 16>, scalar_prefetch = 0 : i64, scratch_operands = 5 : i64, tpu.core_type = #tpu.core_type<sc_vector_subcore>, window_params = [{transform_indices = #map}, {transform_indices = #map}, {transform_indices = #map1}, {transform_indices = #map1}, {transform_indices = #map}, {transform_indices = #map}]} {
    %mul3A = arith.constant 16 : i32
    %mul3A_0 = arith.muli %arg0, %mul3A : i32
    %add3A = arith.addi %mul3A_0, %arg1 : i32
    %mul3A_1 = arith.constant 10000 : i32
    %mul3A_2 = arith.muli %add3A, %mul3A_1 : i32
    %scan3A = arith.constant 0 : i32
    %scan3A_3 = arith.constant 0 : i32
    %scan3A_4 = arith.constant 79 : i32
    %scan3A_5 = arith.addi %scan3A_3, %scan3A_4 : i32
    %scan3A_6 = arith.constant 1 : i32
    scf.for %scan3A_8 = %scan3A_3 to %scan3A_5 step %scan3A_6  : i32 {
      %mul3A_9 = arith.constant 128 : i32
      %mul3A_10 = arith.muli %scan3A_8, %mul3A_9 : i32
      %min3A = arith.constant 9872 : i32
      %min3A_11 = arith.minsi %mul3A_10, %min3A : i32
      %add3A_12 = arith.addi %mul3A_2, %min3A_11 : i32
      "tpu.region"() ({
        %run_scoped3A = tpu.sem_alloc : memref<!tpu.dma_semaphore, #tpu.memory_space<semaphore_mem>>
        %dma_start3A_23 = tpu.memref_slice %arg4[%add3A_12] : memref<320000xi32, #tpu.memory_space<hbm>> -> memref<128xi32, #tpu.memory_space<hbm>>
        %dma_start3A_24 = tpu.memref_slice %arg4[%add3A_12] : memref<320000xi32, #tpu.memory_space<hbm>> -> memref<128xi32, #tpu.memory_space<hbm>>
        tpu.enqueue_dma source(%dma_start3A_24 : memref<128xi32, #tpu.memory_space<hbm>>) target(%arg8 : memref<128xi32, #tpu.memory_space<vmem>>) target_semaphore(%run_scoped3A : memref<!tpu.dma_semaphore, #tpu.memory_space<semaphore_mem>>)
        %dma_wait3A_25 = tpu.memref_slice %arg4[%add3A_12] : memref<320000xi32, #tpu.memory_space<hbm>> -> memref<128xi32, #tpu.memory_space<hbm>>
        %dma_wait3A_26 = tpu.memref_slice %arg4[%add3A_12] : memref<320000xi32, #tpu.memory_space<hbm>> -> memref<128xi32, #tpu.memory_space<hbm>>
        tpu.wait_dma2 semaphore(%run_scoped3A : memref<!tpu.dma_semaphore, #tpu.memory_space<semaphore_mem>>) src(%dma_wait3A_26 : memref<128xi32, #tpu.memory_space<hbm>>) dst(%arg8 : memref<128xi32, #tpu.memory_space<vmem>>)
        tpu.yield
      }) : () -> ()
      "tpu.region"() ({
        %run_scoped3A = tpu.sem_alloc : memref<!tpu.dma_semaphore, #tpu.memory_space<semaphore_mem>>
        %dma_start3A_23 = tpu.memref_slice %arg5[%add3A_12] : memref<320000xi32, #tpu.memory_space<hbm>> -> memref<128xi32, #tpu.memory_space<hbm>>
        %dma_start3A_24 = tpu.memref_slice %arg5[%add3A_12] : memref<320000xi32, #tpu.memory_space<hbm>> -> memref<128xi32, #tpu.memory_space<hbm>>
        tpu.enqueue_dma source(%dma_start3A_24 : memref<128xi32, #tpu.memory_space<hbm>>) target(%arg9 : memref<128xi32, #tpu.memory_space<vmem>>) target_semaphore(%run_scoped3A : memref<!tpu.dma_semaphore, #tpu.memory_space<semaphore_mem>>)
        %dma_wait3A_25 = tpu.memref_slice %arg5[%add3A_12] : memref<320000xi32, #tpu.memory_space<hbm>> -> memref<128xi32, #tpu.memory_space<hbm>>
        %dma_wait3A_26 = tpu.memref_slice %arg5[%add3A_12] : memref<320000xi32, #tpu.memory_space<hbm>> -> memref<128xi32, #tpu.memory_space<hbm>>
        tpu.wait_dma2 semaphore(%run_scoped3A : memref<!tpu.dma_semaphore, #tpu.memory_space<semaphore_mem>>) src(%dma_wait3A_26 : memref<128xi32, #tpu.memory_space<hbm>>) dst(%arg9 : memref<128xi32, #tpu.memory_space<vmem>>)
        tpu.yield
      }) : () -> ()
      %dma_start3A = arith.constant 0 : i32
      %dma_start3A_13 = arith.constant 0 : i32
      %dma_start3A_14 = tpu.memref_slice %arg2[%dma_start3A, %dma_start3A_13] : memref<10000x128xf32, #tpu.memory_space<hbm>> -> memref<10000x128xf32, #tpu.memory_space<hbm>>
      tpu.enqueue_indirect_dma source(%dma_start3A_14 : memref<10000x128xf32, #tpu.memory_space<hbm>>) target(%arg10 : memref<128x128xf32, #tpu.memory_space<vmem>>) offsets(%arg8 : memref<128xi32, #tpu.memory_space<vmem>>) semaphore(%arg12 : memref<!tpu.dma_semaphore, #tpu.memory_space<semaphore_mem>>)
      %dma_wait3A = arith.constant 0 : i32
      %dma_wait3A_15 = arith.constant 0 : i32
      %dma_wait3A_16 = tpu.memref_slice %arg2[%dma_wait3A, %dma_wait3A_15] : memref<10000x128xf32, #tpu.memory_space<hbm>> -> memref<10000x128xf32, #tpu.memory_space<hbm>>
      tpu.wait_indirect_dma semaphore(%arg12 : memref<!tpu.dma_semaphore, #tpu.memory_space<semaphore_mem>>) src(%dma_wait3A_16 : memref<10000x128xf32, #tpu.memory_space<hbm>>) dst(%arg10 : memref<128x128xf32, #tpu.memory_space<vmem>>)
      %dma_start3A_17 = arith.constant 0 : i32
      %dma_start3A_18 = arith.constant 0 : i32
      %dma_start3A_19 = tpu.memref_slice %arg3[%dma_start3A_17, %dma_start3A_18] : memref<10000x128xf32, #tpu.memory_space<hbm>> -> memref<10000x128xf32, #tpu.memory_space<hbm>>
      tpu.enqueue_indirect_dma source(%dma_start3A_19 : memref<10000x128xf32, #tpu.memory_space<hbm>>) target(%arg11 : memref<128x128xf32, #tpu.memory_space<vmem>>) offsets(%arg9 : memref<128xi32, #tpu.memory_space<vmem>>) semaphore(%arg12 : memref<!tpu.dma_semaphore, #tpu.memory_space<semaphore_mem>>)
      %dma_wait3A_20 = arith.constant 0 : i32
      %dma_wait3A_21 = arith.constant 0 : i32
      %dma_wait3A_22 = tpu.memref_slice %arg3[%dma_wait3A_20, %dma_wait3A_21] : memref<10000x128xf32, #tpu.memory_space<hbm>> -> memref<10000x128xf32, #tpu.memory_space<hbm>>
      tpu.wait_indirect_dma semaphore(%arg12 : memref<!tpu.dma_semaphore, #tpu.memory_space<semaphore_mem>>) src(%dma_wait3A_22 : memref<10000x128xf32, #tpu.memory_space<hbm>>) dst(%arg11 : memref<128x128xf32, #tpu.memory_space<vmem>>)
      "tpu.region"() ({
        %run_scoped3A = tpu.sem_alloc : memref<!tpu.dma_semaphore, #tpu.memory_space<semaphore_mem>>
        %dma_start3A_23 = arith.constant 0 : i32
        %dma_start3A_24 = tpu.memref_slice %arg6[%add3A_12, %dma_start3A_23] : memref<320000x128xf32, #tpu.memory_space<hbm>> -> memref<128x128xf32, #tpu.memory_space<hbm>>
        %dma_start3A_25 = arith.constant 0 : i32
        %dma_start3A_26 = tpu.memref_slice %arg6[%add3A_12, %dma_start3A_25] : memref<320000x128xf32, #tpu.memory_space<hbm>> -> memref<128x128xf32, #tpu.memory_space<hbm>>
        tpu.enqueue_dma source(%arg10 : memref<128x128xf32, #tpu.memory_space<vmem>>) target(%dma_start3A_26 : memref<128x128xf32, #tpu.memory_space<hbm>>) target_semaphore(%run_scoped3A : memref<!tpu.dma_semaphore, #tpu.memory_space<semaphore_mem>>)
        %dma_wait3A_27 = arith.constant 0 : i32
        %dma_wait3A_28 = tpu.memref_slice %arg6[%add3A_12, %dma_wait3A_27] : memref<320000x128xf32, #tpu.memory_space<hbm>> -> memref<128x128xf32, #tpu.memory_space<hbm>>
        %dma_wait3A_29 = arith.constant 0 : i32
        %dma_wait3A_30 = tpu.memref_slice %arg6[%add3A_12, %dma_wait3A_29] : memref<320000x128xf32, #tpu.memory_space<hbm>> -> memref<128x128xf32, #tpu.memory_space<hbm>>
        tpu.wait_dma2 semaphore(%run_scoped3A : memref<!tpu.dma_semaphore, #tpu.memory_space<semaphore_mem>>) src(%arg10 : memref<128x128xf32, #tpu.memory_space<vmem>>) dst(%dma_wait3A_30 : memref<128x128xf32, #tpu.memory_space<hbm>>)
        tpu.yield
      }) : () -> ()
      "tpu.region"() ({
        %run_scoped3A = tpu.sem_alloc : memref<!tpu.dma_semaphore, #tpu.memory_space<semaphore_mem>>
        %dma_start3A_23 = arith.constant 0 : i32
        %dma_start3A_24 = tpu.memref_slice %arg7[%add3A_12, %dma_start3A_23] : memref<320000x128xf32, #tpu.memory_space<hbm>> -> memref<128x128xf32, #tpu.memory_space<hbm>>
        %dma_start3A_25 = arith.constant 0 : i32
        %dma_start3A_26 = tpu.memref_slice %arg7[%add3A_12, %dma_start3A_25] : memref<320000x128xf32, #tpu.memory_space<hbm>> -> memref<128x128xf32, #tpu.memory_space<hbm>>
        tpu.enqueue_dma source(%arg11 : memref<128x128xf32, #tpu.memory_space<vmem>>) target(%dma_start3A_26 : memref<128x128xf32, #tpu.memory_space<hbm>>) target_semaphore(%run_scoped3A : memref<!tpu.dma_semaphore, #tpu.memory_space<semaphore_mem>>)
        %dma_wait3A_27 = arith.constant 0 : i32
        %dma_wait3A_28 = tpu.memref_slice %arg7[%add3A_12, %dma_wait3A_27] : memref<320000x128xf32, #tpu.memory_space<hbm>> -> memref<128x128xf32, #tpu.memory_space<hbm>>
        %dma_wait3A_29 = arith.constant 0 : i32
        %dma_wait3A_30 = tpu.memref_slice %arg7[%add3A_12, %dma_wait3A_29] : memref<320000x128xf32, #tpu.memory_space<hbm>> -> memref<128x128xf32, #tpu.memory_space<hbm>>
        tpu.wait_dma2 semaphore(%run_scoped3A : memref<!tpu.dma_semaphore, #tpu.memory_space<semaphore_mem>>) src(%arg11 : memref<128x128xf32, #tpu.memory_space<vmem>>) dst(%dma_wait3A_30 : memref<128x128xf32, #tpu.memory_space<hbm>>)
        tpu.yield
      }) : () -> ()
    }
    %scan3A_7 = arith.constant 79 : i32
    return
  }
}

#map = affine_map<(d0, d1) -> (0, 0)>
#map1 = affine_map<(d0, d1) -> (0)>
module attributes {stable_mosaic.version = 14 : i64} {
  func.func @k(%arg0: i32, %arg1: i32, %arg2: memref<10000x128xf32, #tpu.memory_space<hbm>>, %arg3: memref<10000x128xf32, #tpu.memory_space<hbm>>, %arg4: memref<320000xi32, #tpu.memory_space<hbm>>, %arg5: memref<320000xi32, #tpu.memory_space<hbm>>, %arg6: memref<320000x128xf32, #tpu.memory_space<hbm>>, %arg7: memref<320000x128xf32, #tpu.memory_space<hbm>>, %arg8: memref<128xi32, #tpu.memory_space<vmem>>, %arg9: memref<128xi32, #tpu.memory_space<vmem>>, %arg10: memref<128x128xf32, #tpu.memory_space<vmem>>, %arg11: memref<128x128xf32, #tpu.memory_space<vmem>>, %arg12: memref<!tpu.dma_semaphore, #tpu.memory_space<semaphore_mem>>) attributes {dimension_semantics = [#tpu.dimension_semantics<core_parallel>, #tpu.dimension_semantics<subcore_parallel>], iteration_bounds = array<i64: 2, 16>, scalar_prefetch = 0 : i64, scratch_operands = 5 : i64, tpu.core_type = #tpu.core_type<sc_vector_subcore>, window_params = [{transform_indices = #map}, {transform_indices = #map}, {transform_indices = #map1}, {transform_indices = #map1}, {transform_indices = #map}, {transform_indices = #map}]} {
    %mul3A = arith.constant 16 : i32
    %mul3A_0 = arith.muli %arg0, %mul3A : i32
    %add3A = arith.addi %mul3A_0, %arg1 : i32
    %mul3A_1 = arith.constant 10000 : i32
    %mul3A_2 = arith.muli %add3A, %mul3A_1 : i32
    %scan3A = arith.constant 0 : i32
    %scan3A_3 = arith.constant 0 : i32
    %scan3A_4 = arith.constant 79 : i32
    %scan3A_5 = arith.addi %scan3A_3, %scan3A_4 : i32
    %scan3A_6 = arith.constant 1 : i32
    scf.for %scan3A_8 = %scan3A_3 to %scan3A_5 step %scan3A_6  : i32 {
      %mul3A_9 = arith.constant 128 : i32
      %mul3A_10 = arith.muli %scan3A_8, %mul3A_9 : i32
      %min3A = arith.constant 9872 : i32
      %min3A_11 = arith.minsi %mul3A_10, %min3A : i32
      %add3A_12 = arith.addi %mul3A_2, %min3A_11 : i32
      "tpu.region"() ({
        %run_scoped3A = tpu.sem_alloc : memref<!tpu.dma_semaphore, #tpu.memory_space<semaphore_mem>>
        %dma_start3A_23 = tpu.memref_slice %arg4[%add3A_12] : memref<320000xi32, #tpu.memory_space<hbm>> -> memref<128xi32, #tpu.memory_space<hbm>>
        %dma_start3A_24 = tpu.memref_slice %arg4[%add3A_12] : memref<320000xi32, #tpu.memory_space<hbm>> -> memref<128xi32, #tpu.memory_space<hbm>>
        tpu.enqueue_dma source(%dma_start3A_24 : memref<128xi32, #tpu.memory_space<hbm>>) target(%arg8 : memref<128xi32, #tpu.memory_space<vmem>>) target_semaphore(%run_scoped3A : memref<!tpu.dma_semaphore, #tpu.memory_space<semaphore_mem>>)
        %dma_wait3A_25 = tpu.memref_slice %arg4[%add3A_12] : memref<320000xi32, #tpu.memory_space<hbm>> -> memref<128xi32, #tpu.memory_space<hbm>>
        %dma_wait3A_26 = tpu.memref_slice %arg4[%add3A_12] : memref<320000xi32, #tpu.memory_space<hbm>> -> memref<128xi32, #tpu.memory_space<hbm>>
        tpu.wait_dma2 semaphore(%run_scoped3A : memref<!tpu.dma_semaphore, #tpu.memory_space<semaphore_mem>>) src(%dma_wait3A_26 : memref<128xi32, #tpu.memory_space<hbm>>) dst(%arg8 : memref<128xi32, #tpu.memory_space<vmem>>)
        tpu.yield
      }) : () -> ()
      "tpu.region"() ({
        %run_scoped3A = tpu.sem_alloc : memref<!tpu.dma_semaphore, #tpu.memory_space<semaphore_mem>>
        %dma_start3A_23 = tpu.memref_slice %arg5[%add3A_12] : memref<320000xi32, #tpu.memory_space<hbm>> -> memref<128xi32, #tpu.memory_space<hbm>>
        %dma_start3A_24 = tpu.memref_slice %arg5[%add3A_12] : memref<320000xi32, #tpu.memory_space<hbm>> -> memref<128xi32, #tpu.memory_space<hbm>>
        tpu.enqueue_dma source(%dma_start3A_24 : memref<128xi32, #tpu.memory_space<hbm>>) target(%arg9 : memref<128xi32, #tpu.memory_space<vmem>>) target_semaphore(%run_scoped3A : memref<!tpu.dma_semaphore, #tpu.memory_space<semaphore_mem>>)
        %dma_wait3A_25 = tpu.memref_slice %arg5[%add3A_12] : memref<320000xi32, #tpu.memory_space<hbm>> -> memref<128xi32, #tpu.memory_space<hbm>>
        %dma_wait3A_26 = tpu.memref_slice %arg5[%add3A_12] : memref<320000xi32, #tpu.memory_space<hbm>> -> memref<128xi32, #tpu.memory_space<hbm>>
        tpu.wait_dma2 semaphore(%run_scoped3A : memref<!tpu.dma_semaphore, #tpu.memory_space<semaphore_mem>>) src(%dma_wait3A_26 : memref<128xi32, #tpu.memory_space<hbm>>) dst(%arg9 : memref<128xi32, #tpu.memory_space<vmem>>)
        tpu.yield
      }) : () -> ()
      %dma_start3A = arith.constant 0 : i32
      %dma_start3A_13 = arith.constant 0 : i32
      %dma_start3A_14 = tpu.memref_slice %arg2[%dma_start3A, %dma_start3A_13] : memref<10000x128xf32, #tpu.memory_space<hbm>> -> memref<10000x128xf32, #tpu.memory_space<hbm>>
      tpu.enqueue_indirect_dma source(%dma_start3A_14 : memref<10000x128xf32, #tpu.memory_space<hbm>>) target(%arg10 : memref<128x128xf32, #tpu.memory_space<vmem>>) offsets(%arg8 : memref<128xi32, #tpu.memory_space<vmem>>) semaphore(%arg12 : memref<!tpu.dma_semaphore, #tpu.memory_space<semaphore_mem>>)
      %dma_wait3A = arith.constant 0 : i32
      %dma_wait3A_15 = arith.constant 0 : i32
      %dma_wait3A_16 = tpu.memref_slice %arg2[%dma_wait3A, %dma_wait3A_15] : memref<10000x128xf32, #tpu.memory_space<hbm>> -> memref<10000x128xf32, #tpu.memory_space<hbm>>
      tpu.wait_indirect_dma semaphore(%arg12 : memref<!tpu.dma_semaphore, #tpu.memory_space<semaphore_mem>>) src(%dma_wait3A_16 : memref<10000x128xf32, #tpu.memory_space<hbm>>) dst(%arg10 : memref<128x128xf32, #tpu.memory_space<vmem>>)
      %dma_start3A_17 = arith.constant 0 : i32
      %dma_start3A_18 = arith.constant 0 : i32
      %dma_start3A_19 = tpu.memref_slice %arg3[%dma_start3A_17, %dma_start3A_18] : memref<10000x128xf32, #tpu.memory_space<hbm>> -> memref<10000x128xf32, #tpu.memory_space<hbm>>
      tpu.enqueue_indirect_dma source(%dma_start3A_19 : memref<10000x128xf32, #tpu.memory_space<hbm>>) target(%arg11 : memref<128x128xf32, #tpu.memory_space<vmem>>) offsets(%arg9 : memref<128xi32, #tpu.memory_space<vmem>>) semaphore(%arg12 : memref<!tpu.dma_semaphore, #tpu.memory_space<semaphore_mem>>)
      %dma_wait3A_20 = arith.constant 0 : i32
      %dma_wait3A_21 = arith.constant 0 : i32
      %dma_wait3A_22 = tpu.memref_slice %arg3[%dma_wait3A_20, %dma_wait3A_21] : memref<10000x128xf32, #tpu.memory_space<hbm>> -> memref<10000x128xf32, #tpu.memory_space<hbm>>
      tpu.wait_indirect_dma semaphore(%arg12 : memref<!tpu.dma_semaphore, #tpu.memory_space<semaphore_mem>>) src(%dma_wait3A_22 : memref<10000x128xf32, #tpu.memory_space<hbm>>) dst(%arg11 : memref<128x128xf32, #tpu.memory_space<vmem>>)
      "tpu.region"() ({
        %run_scoped3A = tpu.sem_alloc : memref<!tpu.dma_semaphore, #tpu.memory_space<semaphore_mem>>
        %dma_start3A_23 = arith.constant 0 : i32
        %dma_start3A_24 = tpu.memref_slice %arg6[%add3A_12, %dma_start3A_23] : memref<320000x128xf32, #tpu.memory_space<hbm>> -> memref<128x128xf32, #tpu.memory_space<hbm>>
        %dma_start3A_25 = arith.constant 0 : i32
        %dma_start3A_26 = tpu.memref_slice %arg6[%add3A_12, %dma_start3A_25] : memref<320000x128xf32, #tpu.memory_space<hbm>> -> memref<128x128xf32, #tpu.memory_space<hbm>>
        tpu.enqueue_dma source(%arg10 : memref<128x128xf32, #tpu.memory_space<vmem>>) target(%dma_start3A_26 : memref<128x128xf32, #tpu.memory_space<hbm>>) target_semaphore(%run_scoped3A : memref<!tpu.dma_semaphore, #tpu.memory_space<semaphore_mem>>)
        %dma_wait3A_27 = arith.constant 0 : i32
        %dma_wait3A_28 = tpu.memref_slice %arg6[%add3A_12, %dma_wait3A_27] : memref<320000x128xf32, #tpu.memory_space<hbm>> -> memref<128x128xf32, #tpu.memory_space<hbm>>
        %dma_wait3A_29 = arith.constant 0 : i32
        %dma_wait3A_30 = tpu.memref_slice %arg6[%add3A_12, %dma_wait3A_29] : memref<320000x128xf32, #tpu.memory_space<hbm>> -> memref<128x128xf32, #tpu.memory_space<hbm>>
        tpu.wait_dma2 semaphore(%run_scoped3A : memref<!tpu.dma_semaphore, #tpu.memory_space<semaphore_mem>>) src(%arg10 : memref<128x128xf32, #tpu.memory_space<vmem>>) dst(%dma_wait3A_30 : memref<128x128xf32, #tpu.memory_space<hbm>>)
        tpu.yield
      }) : () -> ()
      "tpu.region"() ({
        %run_scoped3A = tpu.sem_alloc : memref<!tpu.dma_semaphore, #tpu.memory_space<semaphore_mem>>
        %dma_start3A_23 = arith.constant 0 : i32
        %dma_start3A_24 = tpu.memref_slice %arg7[%add3A_12, %dma_start3A_23] : memref<320000x128xf32, #tpu.memory_space<hbm>> -> memref<128x128xf32, #tpu.memory_space<hbm>>
        %dma_start3A_25 = arith.constant 0 : i32
        %dma_start3A_26 = tpu.memref_slice %arg7[%add3A_12, %dma_start3A_25] : memref<320000x128xf32, #tpu.memory_space<hbm>> -> memref<128x128xf32, #tpu.memory_space<hbm>>
        tpu.enqueue_dma source(%arg11 : memref<128x128xf32, #tpu.memory_space<vmem>>) target(%dma_start3A_26 : memref<128x128xf32, #tpu.memory_space<hbm>>) target_semaphore(%run_scoped3A : memref<!tpu.dma_semaphore, #tpu.memory_space<semaphore_mem>>)
        %dma_wait3A_27 = arith.constant 0 : i32
        %dma_wait3A_28 = tpu.memref_slice %arg7[%add3A_12, %dma_wait3A_27] : memref<320000x128xf32, #tpu.memory_space<hbm>> -> memref<128x128xf32, #tpu.memory_space<hbm>>
        %dma_wait3A_29 = arith.constant 0 : i32
        %dma_wait3A_30 = tpu.memref_slice %arg7[%add3A_12, %dma_wait3A_29] : memref<320000x128xf32, #tpu.memory_space<hbm>> -> memref<128x128xf32, #tpu.memory_space<hbm>>
        tpu.wait_dma2 semaphore(%run_scoped3A : memref<!tpu.dma_semaphore, #tpu.memory_space<semaphore_mem>>) src(%arg11 : memref<128x128xf32, #tpu.memory_space<vmem>>) dst(%dma_wait3A_30 : memref<128x128xf32, #tpu.memory_space<hbm>>)
        tpu.yield
      }) : () -> ()
    }
    %scan3A_7 = arith.constant 79 : i32
    return
  }
}

#map = affine_map<(d0, d1) -> (0, 0)>
#map1 = affine_map<(d0, d1) -> (0)>
#map2 = affine_map<(d0, d1) -> (0, 0, 0)>
module attributes {stable_mosaic.version = 14 : i64} {
  func.func @k(%arg0: i32, %arg1: i32, %arg2: memref<320000x128xf32, #tpu.memory_space<hbm>>, %arg3: memref<320000xi32, #tpu.memory_space<hbm>>, %arg4: memref<10008x128xf32, #tpu.memory_space<hbm>>, %arg5: memref<2x10008x128xf32, #tpu.memory_space<hbm>>, %arg6: memref<128xi32, #tpu.memory_space<vmem>>, %arg7: memref<128x128xf32, #tpu.memory_space<vmem>>, %arg8: memref<10008x128xf32, #tpu.memory_space<vmem_shared>>, %arg9: memref<!tpu.dma_semaphore, #tpu.memory_space<semaphore_mem>>) attributes {dimension_semantics = [#tpu.dimension_semantics<core_parallel>, #tpu.dimension_semantics<subcore_parallel>], iteration_bounds = array<i64: 2, 16>, scalar_prefetch = 0 : i64, scratch_operands = 4 : i64, tpu.core_type = #tpu.core_type<sc_vector_subcore>, window_params = [{transform_indices = #map}, {transform_indices = #map1}, {transform_indices = #map}, {transform_indices = #map2}]} {
    %mul3A = arith.constant 16 : i32
    %mul3A_0 = arith.muli %arg0, %mul3A : i32
    %add3A = arith.addi %mul3A_0, %arg1 : i32
    %mul3A_1 = arith.constant 10000 : i32
    %mul3A_2 = arith.muli %add3A, %mul3A_1 : i32
    %eq3A = arith.constant 0 : i32
    %eq3A_3 = arith.cmpi eq, %arg1, %eq3A : i32
    %convert_element_type3A = arith.extui %eq3A_3 : i1 to i32
    %cond3A = arith.constant 0 : i32
    %cond3A_4 = arith.cmpi ne, %convert_element_type3A, %cond3A : i32
    scf.if %cond3A_4 {
      "tpu.region"() ({
        %run_scoped3A = tpu.sem_alloc : memref<!tpu.dma_semaphore, #tpu.memory_space<semaphore_mem>>
        tpu.enqueue_dma source(%arg4 : memref<10008x128xf32, #tpu.memory_space<hbm>>) target(%arg8 : memref<10008x128xf32, #tpu.memory_space<vmem_shared>>) target_semaphore(%run_scoped3A : memref<!tpu.dma_semaphore, #tpu.memory_space<semaphore_mem>>)
        tpu.wait_dma2 semaphore(%run_scoped3A : memref<!tpu.dma_semaphore, #tpu.memory_space<semaphore_mem>>) src(%arg4 : memref<10008x128xf32, #tpu.memory_space<hbm>>) dst(%arg8 : memref<10008x128xf32, #tpu.memory_space<vmem_shared>>)
        tpu.yield
      }) : () -> ()
    } else {
    }
    %barrier3A = arith.constant 0 : index
    tpu.barrier barrier_id(%barrier3A)
    %scan3A = arith.constant 0 : i32
    %scan3A_5 = arith.constant 0 : i32
    %scan3A_6 = arith.constant 79 : i32
    %scan3A_7 = arith.addi %scan3A_5, %scan3A_6 : i32
    %scan3A_8 = arith.constant 1 : i32
    scf.for %scan3A_16 = %scan3A_5 to %scan3A_7 step %scan3A_8  : i32 {
      %mul3A_17 = arith.constant 128 : i32
      %mul3A_18 = arith.muli %scan3A_16, %mul3A_17 : i32
      %min3A = arith.constant 9872 : i32
      %min3A_19 = arith.minsi %mul3A_18, %min3A : i32
      %add3A_20 = arith.addi %mul3A_2, %min3A_19 : i32
      "tpu.region"() ({
        %run_scoped3A = tpu.sem_alloc : memref<!tpu.dma_semaphore, #tpu.memory_space<semaphore_mem>>
        %dma_start3A = tpu.memref_slice %arg3[%add3A_20] : memref<320000xi32, #tpu.memory_space<hbm>> -> memref<128xi32, #tpu.memory_space<hbm>>
        %dma_start3A_26 = tpu.memref_slice %arg3[%add3A_20] : memref<320000xi32, #tpu.memory_space<hbm>> -> memref<128xi32, #tpu.memory_space<hbm>>
        tpu.enqueue_dma source(%dma_start3A_26 : memref<128xi32, #tpu.memory_space<hbm>>) target(%arg6 : memref<128xi32, #tpu.memory_space<vmem>>) target_semaphore(%run_scoped3A : memref<!tpu.dma_semaphore, #tpu.memory_space<semaphore_mem>>)
        %dma_wait3A = tpu.memref_slice %arg3[%add3A_20] : memref<320000xi32, #tpu.memory_space<hbm>> -> memref<128xi32, #tpu.memory_space<hbm>>
        %dma_wait3A_27 = tpu.memref_slice %arg3[%add3A_20] : memref<320000xi32, #tpu.memory_space<hbm>> -> memref<128xi32, #tpu.memory_space<hbm>>
        tpu.wait_dma2 semaphore(%run_scoped3A : memref<!tpu.dma_semaphore, #tpu.memory_space<semaphore_mem>>) src(%dma_wait3A_27 : memref<128xi32, #tpu.memory_space<hbm>>) dst(%arg6 : memref<128xi32, #tpu.memory_space<vmem>>)
        tpu.yield
      }) : () -> ()
      "tpu.region"() ({
        %run_scoped3A = tpu.sem_alloc : memref<!tpu.dma_semaphore, #tpu.memory_space<semaphore_mem>>
        %dma_start3A = arith.constant 0 : i32
        %dma_start3A_26 = tpu.memref_slice %arg2[%add3A_20, %dma_start3A] : memref<320000x128xf32, #tpu.memory_space<hbm>> -> memref<128x128xf32, #tpu.memory_space<hbm>>
        %dma_start3A_27 = arith.constant 0 : i32
        %dma_start3A_28 = tpu.memref_slice %arg2[%add3A_20, %dma_start3A_27] : memref<320000x128xf32, #tpu.memory_space<hbm>> -> memref<128x128xf32, #tpu.memory_space<hbm>>
        tpu.enqueue_dma source(%dma_start3A_28 : memref<128x128xf32, #tpu.memory_space<hbm>>) target(%arg7 : memref<128x128xf32, #tpu.memory_space<vmem>>) target_semaphore(%run_scoped3A : memref<!tpu.dma_semaphore, #tpu.memory_space<semaphore_mem>>)
        %dma_wait3A = arith.constant 0 : i32
        %dma_wait3A_29 = tpu.memref_slice %arg2[%add3A_20, %dma_wait3A] : memref<320000x128xf32, #tpu.memory_space<hbm>> -> memref<128x128xf32, #tpu.memory_space<hbm>>
        %dma_wait3A_30 = arith.constant 0 : i32
        %dma_wait3A_31 = tpu.memref_slice %arg2[%add3A_20, %dma_wait3A_30] : memref<320000x128xf32, #tpu.memory_space<hbm>> -> memref<128x128xf32, #tpu.memory_space<hbm>>
        tpu.wait_dma2 semaphore(%run_scoped3A : memref<!tpu.dma_semaphore, #tpu.memory_space<semaphore_mem>>) src(%dma_wait3A_31 : memref<128x128xf32, #tpu.memory_space<hbm>>) dst(%arg7 : memref<128x128xf32, #tpu.memory_space<vmem>>)
        tpu.yield
      }) : () -> ()
      %eq3A_21 = arith.constant 78 : i32
      %eq3A_22 = arith.cmpi eq, %scan3A_16, %eq3A_21 : i32
      %convert_element_type3A_23 = arith.extui %eq3A_22 : i1 to i32
      %cond3A_24 = arith.constant 0 : i32
      %cond3A_25 = arith.cmpi ne, %convert_element_type3A_23, %cond3A_24 : i32
      scf.if %cond3A_25 {
        %broadcast_in_dim3A = arith.constant 10000 : i32
        %broadcast_in_dim3A_26 = vector.broadcast %broadcast_in_dim3A : i32 to vector<16xi32>
        %swap3A = arith.constant 0 : index
        %swap3A_27 = tpu.vector_load %arg6[%swap3A] {strides = array<i32>} : memref<128xi32, #tpu.memory_space<vmem>>, vector<16xi32>,
        %swap3A_28 = vector.shape_cast %swap3A_27 : vector<16xi32> to vector<16xi32>
        %swap3A_29 = vector.shape_cast %broadcast_in_dim3A_26 : vector<16xi32> to vector<16xi32>
        tpu.vector_store %arg6[%swap3A], %swap3A_29 {strides = array<i32>} : memref<128xi32, #tpu.memory_space<vmem>>, vector<16xi32>,
        %broadcast_in_dim3A_30 = arith.constant 10000 : i32
        %broadcast_in_dim3A_31 = vector.broadcast %broadcast_in_dim3A_30 : i32 to vector<16xi32>
        %swap3A_32 = arith.constant 16 : index
        %swap3A_33 = tpu.vector_load %arg6[%swap3A_32] {strides = array<i32>} : memref<128xi32, #tpu.memory_space<vmem>>, vector<16xi32>,
        %swap3A_34 = vector.shape_cast %swap3A_33 : vector<16xi32> to vector<16xi32>
        %swap3A_35 = vector.shape_cast %broadcast_in_dim3A_31 : vector<16xi32> to vector<16xi32>
        tpu.vector_store %arg6[%swap3A_32], %swap3A_35 {strides = array<i32>} : memref<128xi32, #tpu.memory_space<vmem>>, vector<16xi32>,
        %broadcast_in_dim3A_36 = arith.constant 10000 : i32
        %broadcast_in_dim3A_37 = vector.broadcast %broadcast_in_dim3A_36 : i32 to vector<16xi32>
        %swap3A_38 = arith.constant 32 : index
        %swap3A_39 = tpu.vector_load %arg6[%swap3A_38] {strides = array<i32>} : memref<128xi32, #tpu.memory_space<vmem>>, vector<16xi32>,
        %swap3A_40 = vector.shape_cast %swap3A_39 : vector<16xi32> to vector<16xi32>
        %swap3A_41 = vector.shape_cast %broadcast_in_dim3A_37 : vector<16xi32> to vector<16xi32>
        tpu.vector_store %arg6[%swap3A_38], %swap3A_41 {strides = array<i32>} : memref<128xi32, #tpu.memory_space<vmem>>, vector<16xi32>,
        %broadcast_in_dim3A_42 = arith.constant 10000 : i32
        %broadcast_in_dim3A_43 = vector.broadcast %broadcast_in_dim3A_42 : i32 to vector<16xi32>
        %swap3A_44 = arith.constant 48 : index
        %swap3A_45 = tpu.vector_load %arg6[%swap3A_44] {strides = array<i32>} : memref<128xi32, #tpu.memory_space<vmem>>, vector<16xi32>,
        %swap3A_46 = vector.shape_cast %swap3A_45 : vector<16xi32> to vector<16xi32>
        %swap3A_47 = vector.shape_cast %broadcast_in_dim3A_43 : vector<16xi32> to vector<16xi32>
        tpu.vector_store %arg6[%swap3A_44], %swap3A_47 {strides = array<i32>} : memref<128xi32, #tpu.memory_space<vmem>>, vector<16xi32>,
        %broadcast_in_dim3A_48 = arith.constant 10000 : i32
        %broadcast_in_dim3A_49 = vector.broadcast %broadcast_in_dim3A_48 : i32 to vector<16xi32>
        %swap3A_50 = arith.constant 64 : index
        %swap3A_51 = tpu.vector_load %arg6[%swap3A_50] {strides = array<i32>} : memref<128xi32, #tpu.memory_space<vmem>>, vector<16xi32>,
        %swap3A_52 = vector.shape_cast %swap3A_51 : vector<16xi32> to vector<16xi32>
        %swap3A_53 = vector.shape_cast %broadcast_in_dim3A_49 : vector<16xi32> to vector<16xi32>
        tpu.vector_store %arg6[%swap3A_50], %swap3A_53 {strides = array<i32>} : memref<128xi32, #tpu.memory_space<vmem>>, vector<16xi32>,
        %broadcast_in_dim3A_54 = arith.constant 10000 : i32
        %broadcast_in_dim3A_55 = vector.broadcast %broadcast_in_dim3A_54 : i32 to vector<16xi32>
        %swap3A_56 = arith.constant 80 : index
        %swap3A_57 = tpu.vector_load %arg6[%swap3A_56] {strides = array<i32>} : memref<128xi32, #tpu.memory_space<vmem>>, vector<16xi32>,
        %swap3A_58 = vector.shape_cast %swap3A_57 : vector<16xi32> to vector<16xi32>
        %swap3A_59 = vector.shape_cast %broadcast_in_dim3A_55 : vector<16xi32> to vector<16xi32>
        tpu.vector_store %arg6[%swap3A_56], %swap3A_59 {strides = array<i32>} : memref<128xi32, #tpu.memory_space<vmem>>, vector<16xi32>,
        %broadcast_in_dim3A_60 = arith.constant 10000 : i32
        %broadcast_in_dim3A_61 = vector.broadcast %broadcast_in_dim3A_60 : i32 to vector<16xi32>
        %swap3A_62 = arith.constant 96 : index
        %swap3A_63 = tpu.vector_load %arg6[%swap3A_62] {strides = array<i32>} : memref<128xi32, #tpu.memory_space<vmem>>, vector<16xi32>,
        %swap3A_64 = vector.shape_cast %swap3A_63 : vector<16xi32> to vector<16xi32>
        %swap3A_65 = vector.shape_cast %broadcast_in_dim3A_61 : vector<16xi32> to vector<16xi32>
        tpu.vector_store %arg6[%swap3A_62], %swap3A_65 {strides = array<i32>} : memref<128xi32, #tpu.memory_space<vmem>>, vector<16xi32>,
      } else {
      }
      "tpu.region"() ({
        %run_scoped3A = tpu.sem_alloc : memref<!tpu.dma_semaphore, #tpu.memory_space<semaphore_mem>>
        %dma_start3A = arith.constant 0 : i32
        %dma_start3A_26 = arith.constant 0 : i32
        %dma_start3A_27 = tpu.memref_slice %arg8[%dma_start3A, %dma_start3A_26] : memref<10008x128xf32, #tpu.memory_space<vmem_shared>> -> memref<10008x128xf32, #tpu.memory_space<vmem_shared>>
        tpu.enqueue_indirect_dma source(%arg7 : memref<128x128xf32, #tpu.memory_space<vmem>>) target(%dma_start3A_27 : memref<10008x128xf32, #tpu.memory_space<vmem_shared>>) offsets(%arg6 : memref<128xi32, #tpu.memory_space<vmem>>) semaphore(%run_scoped3A : memref<!tpu.dma_semaphore, #tpu.memory_space<semaphore_mem>>) {add = true}
        %dma_wait3A = arith.constant 0 : i32
        %dma_wait3A_28 = arith.constant 0 : i32
        %dma_wait3A_29 = tpu.memref_slice %arg8[%dma_wait3A, %dma_wait3A_28] : memref<10008x128xf32, #tpu.memory_space<vmem_shared>> -> memref<10008x128xf32, #tpu.memory_space<vmem_shared>>
        tpu.wait_indirect_dma semaphore(%run_scoped3A : memref<!tpu.dma_semaphore, #tpu.memory_space<semaphore_mem>>) src(%arg7 : memref<128x128xf32, #tpu.memory_space<vmem>>) dst(%dma_wait3A_29 : memref<10008x128xf32, #tpu.memory_space<vmem_shared>>)
        tpu.yield
      }) : () -> ()
    }
    %scan3A_9 = arith.constant 79 : i32
    %barrier3A_10 = arith.constant 0 : index
    tpu.barrier barrier_id(%barrier3A_10)
    %eq3A_11 = arith.constant 0 : i32
    %eq3A_12 = arith.cmpi eq, %arg1, %eq3A_11 : i32
    %convert_element_type3A_13 = arith.extui %eq3A_12 : i1 to i32
    %cond3A_14 = arith.constant 0 : i32
    %cond3A_15 = arith.cmpi ne, %convert_element_type3A_13, %cond3A_14 : i32
    scf.if %cond3A_15 {
      "tpu.region"() ({
        %run_scoped3A = tpu.sem_alloc : memref<!tpu.dma_semaphore, #tpu.memory_space<semaphore_mem>>
        %dma_start3A = arith.constant 0 : i32
        %dma_start3A_16 = arith.constant 0 : i32
        %dma_start3A_17 = tpu.memref_slice %arg5[%arg0, %dma_start3A, %dma_start3A_16] : memref<2x10008x128xf32, #tpu.memory_space<hbm>> -> memref<1x10008x128xf32, #tpu.memory_space<hbm>>
        %dma_start3A_18 = tpu.memref_squeeze %dma_start3A_17 : memref<1x10008x128xf32, #tpu.memory_space<hbm>> -> memref<10008x128xf32, #tpu.memory_space<hbm>>
        tpu.enqueue_dma source(%arg8 : memref<10008x128xf32, #tpu.memory_space<vmem_shared>>) target(%dma_start3A_18 : memref<10008x128xf32, #tpu.memory_space<hbm>>) target_semaphore(%run_scoped3A : memref<!tpu.dma_semaphore, #tpu.memory_space<semaphore_mem>>)
        %dma_wait3A = arith.constant 0 : i32
        %dma_wait3A_19 = arith.constant 0 : i32
        %dma_wait3A_20 = tpu.memref_slice %arg5[%arg0, %dma_wait3A, %dma_wait3A_19] : memref<2x10008x128xf32, #tpu.memory_space<hbm>> -> memref<1x10008x128xf32, #tpu.memory_space<hbm>>
        %dma_wait3A_21 = tpu.memref_squeeze %dma_wait3A_20 : memref<1x10008x128xf32, #tpu.memory_space<hbm>> -> memref<10008x128xf32, #tpu.memory_space<hbm>>
        tpu.wait_dma2 semaphore(%run_scoped3A : memref<!tpu.dma_semaphore, #tpu.memory_space<semaphore_mem>>) src(%arg8 : memref<10008x128xf32, #tpu.memory_space<vmem_shared>>) dst(%dma_wait3A_21 : memref<10008x128xf32, #tpu.memory_space<hbm>>)
        tpu.yield
      }) : () -> ()
    } else {
    }
    return
  }
}

#map = affine_map<(d0, d1) -> (0, 0)>
#map1 = affine_map<(d0, d1) -> (0)>
#map2 = affine_map<(d0, d1) -> (0, 0, 0)>
module attributes {stable_mosaic.version = 14 : i64} {
  func.func @k(%arg0: i32, %arg1: i32, %arg2: memref<320000x128xf32, #tpu.memory_space<hbm>>, %arg3: memref<320000xi32, #tpu.memory_space<hbm>>, %arg4: memref<10008x128xf32, #tpu.memory_space<hbm>>, %arg5: memref<2x10008x128xf32, #tpu.memory_space<hbm>>, %arg6: memref<128xi32, #tpu.memory_space<vmem>>, %arg7: memref<128x128xf32, #tpu.memory_space<vmem>>, %arg8: memref<10008x128xf32, #tpu.memory_space<vmem_shared>>, %arg9: memref<!tpu.dma_semaphore, #tpu.memory_space<semaphore_mem>>) attributes {dimension_semantics = [#tpu.dimension_semantics<core_parallel>, #tpu.dimension_semantics<subcore_parallel>], iteration_bounds = array<i64: 2, 16>, scalar_prefetch = 0 : i64, scratch_operands = 4 : i64, tpu.core_type = #tpu.core_type<sc_vector_subcore>, window_params = [{transform_indices = #map}, {transform_indices = #map1}, {transform_indices = #map}, {transform_indices = #map2}]} {
    %mul3A = arith.constant 16 : i32
    %mul3A_0 = arith.muli %arg0, %mul3A : i32
    %add3A = arith.addi %mul3A_0, %arg1 : i32
    %mul3A_1 = arith.constant 10000 : i32
    %mul3A_2 = arith.muli %add3A, %mul3A_1 : i32
    %eq3A = arith.constant 0 : i32
    %eq3A_3 = arith.cmpi eq, %arg1, %eq3A : i32
    %convert_element_type3A = arith.extui %eq3A_3 : i1 to i32
    %cond3A = arith.constant 0 : i32
    %cond3A_4 = arith.cmpi ne, %convert_element_type3A, %cond3A : i32
    scf.if %cond3A_4 {
      "tpu.region"() ({
        %run_scoped3A = tpu.sem_alloc : memref<!tpu.dma_semaphore, #tpu.memory_space<semaphore_mem>>
        tpu.enqueue_dma source(%arg4 : memref<10008x128xf32, #tpu.memory_space<hbm>>) target(%arg8 : memref<10008x128xf32, #tpu.memory_space<vmem_shared>>) target_semaphore(%run_scoped3A : memref<!tpu.dma_semaphore, #tpu.memory_space<semaphore_mem>>)
        tpu.wait_dma2 semaphore(%run_scoped3A : memref<!tpu.dma_semaphore, #tpu.memory_space<semaphore_mem>>) src(%arg4 : memref<10008x128xf32, #tpu.memory_space<hbm>>) dst(%arg8 : memref<10008x128xf32, #tpu.memory_space<vmem_shared>>)
        tpu.yield
      }) : () -> ()
    } else {
    }
    %barrier3A = arith.constant 0 : index
    tpu.barrier barrier_id(%barrier3A)
    %scan3A = arith.constant 0 : i32
    %scan3A_5 = arith.constant 0 : i32
    %scan3A_6 = arith.constant 79 : i32
    %scan3A_7 = arith.addi %scan3A_5, %scan3A_6 : i32
    %scan3A_8 = arith.constant 1 : i32
    scf.for %scan3A_16 = %scan3A_5 to %scan3A_7 step %scan3A_8  : i32 {
      %mul3A_17 = arith.constant 128 : i32
      %mul3A_18 = arith.muli %scan3A_16, %mul3A_17 : i32
      %min3A = arith.constant 9872 : i32
      %min3A_19 = arith.minsi %mul3A_18, %min3A : i32
      %add3A_20 = arith.addi %mul3A_2, %min3A_19 : i32
      "tpu.region"() ({
        %run_scoped3A = tpu.sem_alloc : memref<!tpu.dma_semaphore, #tpu.memory_space<semaphore_mem>>
        %dma_start3A = tpu.memref_slice %arg3[%add3A_20] : memref<320000xi32, #tpu.memory_space<hbm>> -> memref<128xi32, #tpu.memory_space<hbm>>
        %dma_start3A_26 = tpu.memref_slice %arg3[%add3A_20] : memref<320000xi32, #tpu.memory_space<hbm>> -> memref<128xi32, #tpu.memory_space<hbm>>
        tpu.enqueue_dma source(%dma_start3A_26 : memref<128xi32, #tpu.memory_space<hbm>>) target(%arg6 : memref<128xi32, #tpu.memory_space<vmem>>) target_semaphore(%run_scoped3A : memref<!tpu.dma_semaphore, #tpu.memory_space<semaphore_mem>>)
        %dma_wait3A = tpu.memref_slice %arg3[%add3A_20] : memref<320000xi32, #tpu.memory_space<hbm>> -> memref<128xi32, #tpu.memory_space<hbm>>
        %dma_wait3A_27 = tpu.memref_slice %arg3[%add3A_20] : memref<320000xi32, #tpu.memory_space<hbm>> -> memref<128xi32, #tpu.memory_space<hbm>>
        tpu.wait_dma2 semaphore(%run_scoped3A : memref<!tpu.dma_semaphore, #tpu.memory_space<semaphore_mem>>) src(%dma_wait3A_27 : memref<128xi32, #tpu.memory_space<hbm>>) dst(%arg6 : memref<128xi32, #tpu.memory_space<vmem>>)
        tpu.yield
      }) : () -> ()
      "tpu.region"() ({
        %run_scoped3A = tpu.sem_alloc : memref<!tpu.dma_semaphore, #tpu.memory_space<semaphore_mem>>
        %dma_start3A = arith.constant 0 : i32
        %dma_start3A_26 = tpu.memref_slice %arg2[%add3A_20, %dma_start3A] : memref<320000x128xf32, #tpu.memory_space<hbm>> -> memref<128x128xf32, #tpu.memory_space<hbm>>
        %dma_start3A_27 = arith.constant 0 : i32
        %dma_start3A_28 = tpu.memref_slice %arg2[%add3A_20, %dma_start3A_27] : memref<320000x128xf32, #tpu.memory_space<hbm>> -> memref<128x128xf32, #tpu.memory_space<hbm>>
        tpu.enqueue_dma source(%dma_start3A_28 : memref<128x128xf32, #tpu.memory_space<hbm>>) target(%arg7 : memref<128x128xf32, #tpu.memory_space<vmem>>) target_semaphore(%run_scoped3A : memref<!tpu.dma_semaphore, #tpu.memory_space<semaphore_mem>>)
        %dma_wait3A = arith.constant 0 : i32
        %dma_wait3A_29 = tpu.memref_slice %arg2[%add3A_20, %dma_wait3A] : memref<320000x128xf32, #tpu.memory_space<hbm>> -> memref<128x128xf32, #tpu.memory_space<hbm>>
        %dma_wait3A_30 = arith.constant 0 : i32
        %dma_wait3A_31 = tpu.memref_slice %arg2[%add3A_20, %dma_wait3A_30] : memref<320000x128xf32, #tpu.memory_space<hbm>> -> memref<128x128xf32, #tpu.memory_space<hbm>>
        tpu.wait_dma2 semaphore(%run_scoped3A : memref<!tpu.dma_semaphore, #tpu.memory_space<semaphore_mem>>) src(%dma_wait3A_31 : memref<128x128xf32, #tpu.memory_space<hbm>>) dst(%arg7 : memref<128x128xf32, #tpu.memory_space<vmem>>)
        tpu.yield
      }) : () -> ()
      %eq3A_21 = arith.constant 78 : i32
      %eq3A_22 = arith.cmpi eq, %scan3A_16, %eq3A_21 : i32
      %convert_element_type3A_23 = arith.extui %eq3A_22 : i1 to i32
      %cond3A_24 = arith.constant 0 : i32
      %cond3A_25 = arith.cmpi ne, %convert_element_type3A_23, %cond3A_24 : i32
      scf.if %cond3A_25 {
        %broadcast_in_dim3A = arith.constant 10000 : i32
        %broadcast_in_dim3A_26 = vector.broadcast %broadcast_in_dim3A : i32 to vector<16xi32>
        %swap3A = arith.constant 0 : index
        %swap3A_27 = tpu.vector_load %arg6[%swap3A] {strides = array<i32>} : memref<128xi32, #tpu.memory_space<vmem>>, vector<16xi32>,
        %swap3A_28 = vector.shape_cast %swap3A_27 : vector<16xi32> to vector<16xi32>
        %swap3A_29 = vector.shape_cast %broadcast_in_dim3A_26 : vector<16xi32> to vector<16xi32>
        tpu.vector_store %arg6[%swap3A], %swap3A_29 {strides = array<i32>} : memref<128xi32, #tpu.memory_space<vmem>>, vector<16xi32>,
        %broadcast_in_dim3A_30 = arith.constant 10000 : i32
        %broadcast_in_dim3A_31 = vector.broadcast %broadcast_in_dim3A_30 : i32 to vector<16xi32>
        %swap3A_32 = arith.constant 16 : index
        %swap3A_33 = tpu.vector_load %arg6[%swap3A_32] {strides = array<i32>} : memref<128xi32, #tpu.memory_space<vmem>>, vector<16xi32>,
        %swap3A_34 = vector.shape_cast %swap3A_33 : vector<16xi32> to vector<16xi32>
        %swap3A_35 = vector.shape_cast %broadcast_in_dim3A_31 : vector<16xi32> to vector<16xi32>
        tpu.vector_store %arg6[%swap3A_32], %swap3A_35 {strides = array<i32>} : memref<128xi32, #tpu.memory_space<vmem>>, vector<16xi32>,
        %broadcast_in_dim3A_36 = arith.constant 10000 : i32
        %broadcast_in_dim3A_37 = vector.broadcast %broadcast_in_dim3A_36 : i32 to vector<16xi32>
        %swap3A_38 = arith.constant 32 : index
        %swap3A_39 = tpu.vector_load %arg6[%swap3A_38] {strides = array<i32>} : memref<128xi32, #tpu.memory_space<vmem>>, vector<16xi32>,
        %swap3A_40 = vector.shape_cast %swap3A_39 : vector<16xi32> to vector<16xi32>
        %swap3A_41 = vector.shape_cast %broadcast_in_dim3A_37 : vector<16xi32> to vector<16xi32>
        tpu.vector_store %arg6[%swap3A_38], %swap3A_41 {strides = array<i32>} : memref<128xi32, #tpu.memory_space<vmem>>, vector<16xi32>,
        %broadcast_in_dim3A_42 = arith.constant 10000 : i32
        %broadcast_in_dim3A_43 = vector.broadcast %broadcast_in_dim3A_42 : i32 to vector<16xi32>
        %swap3A_44 = arith.constant 48 : index
        %swap3A_45 = tpu.vector_load %arg6[%swap3A_44] {strides = array<i32>} : memref<128xi32, #tpu.memory_space<vmem>>, vector<16xi32>,
        %swap3A_46 = vector.shape_cast %swap3A_45 : vector<16xi32> to vector<16xi32>
        %swap3A_47 = vector.shape_cast %broadcast_in_dim3A_43 : vector<16xi32> to vector<16xi32>
        tpu.vector_store %arg6[%swap3A_44], %swap3A_47 {strides = array<i32>} : memref<128xi32, #tpu.memory_space<vmem>>, vector<16xi32>,
        %broadcast_in_dim3A_48 = arith.constant 10000 : i32
        %broadcast_in_dim3A_49 = vector.broadcast %broadcast_in_dim3A_48 : i32 to vector<16xi32>
        %swap3A_50 = arith.constant 64 : index
        %swap3A_51 = tpu.vector_load %arg6[%swap3A_50] {strides = array<i32>} : memref<128xi32, #tpu.memory_space<vmem>>, vector<16xi32>,
        %swap3A_52 = vector.shape_cast %swap3A_51 : vector<16xi32> to vector<16xi32>
        %swap3A_53 = vector.shape_cast %broadcast_in_dim3A_49 : vector<16xi32> to vector<16xi32>
        tpu.vector_store %arg6[%swap3A_50], %swap3A_53 {strides = array<i32>} : memref<128xi32, #tpu.memory_space<vmem>>, vector<16xi32>,
        %broadcast_in_dim3A_54 = arith.constant 10000 : i32
        %broadcast_in_dim3A_55 = vector.broadcast %broadcast_in_dim3A_54 : i32 to vector<16xi32>
        %swap3A_56 = arith.constant 80 : index
        %swap3A_57 = tpu.vector_load %arg6[%swap3A_56] {strides = array<i32>} : memref<128xi32, #tpu.memory_space<vmem>>, vector<16xi32>,
        %swap3A_58 = vector.shape_cast %swap3A_57 : vector<16xi32> to vector<16xi32>
        %swap3A_59 = vector.shape_cast %broadcast_in_dim3A_55 : vector<16xi32> to vector<16xi32>
        tpu.vector_store %arg6[%swap3A_56], %swap3A_59 {strides = array<i32>} : memref<128xi32, #tpu.memory_space<vmem>>, vector<16xi32>,
        %broadcast_in_dim3A_60 = arith.constant 10000 : i32
        %broadcast_in_dim3A_61 = vector.broadcast %broadcast_in_dim3A_60 : i32 to vector<16xi32>
        %swap3A_62 = arith.constant 96 : index
        %swap3A_63 = tpu.vector_load %arg6[%swap3A_62] {strides = array<i32>} : memref<128xi32, #tpu.memory_space<vmem>>, vector<16xi32>,
        %swap3A_64 = vector.shape_cast %swap3A_63 : vector<16xi32> to vector<16xi32>
        %swap3A_65 = vector.shape_cast %broadcast_in_dim3A_61 : vector<16xi32> to vector<16xi32>
        tpu.vector_store %arg6[%swap3A_62], %swap3A_65 {strides = array<i32>} : memref<128xi32, #tpu.memory_space<vmem>>, vector<16xi32>,
      } else {
      }
      "tpu.region"() ({
        %run_scoped3A = tpu.sem_alloc : memref<!tpu.dma_semaphore, #tpu.memory_space<semaphore_mem>>
        %dma_start3A = arith.constant 0 : i32
        %dma_start3A_26 = arith.constant 0 : i32
        %dma_start3A_27 = tpu.memref_slice %arg8[%dma_start3A, %dma_start3A_26] : memref<10008x128xf32, #tpu.memory_space<vmem_shared>> -> memref<10008x128xf32, #tpu.memory_space<vmem_shared>>
        tpu.enqueue_indirect_dma source(%arg7 : memref<128x128xf32, #tpu.memory_space<vmem>>) target(%dma_start3A_27 : memref<10008x128xf32, #tpu.memory_space<vmem_shared>>) offsets(%arg6 : memref<128xi32, #tpu.memory_space<vmem>>) semaphore(%run_scoped3A : memref<!tpu.dma_semaphore, #tpu.memory_space<semaphore_mem>>) {add = true}
        %dma_wait3A = arith.constant 0 : i32
        %dma_wait3A_28 = arith.constant 0 : i32
        %dma_wait3A_29 = tpu.memref_slice %arg8[%dma_wait3A, %dma_wait3A_28] : memref<10008x128xf32, #tpu.memory_space<vmem_shared>> -> memref<10008x128xf32, #tpu.memory_space<vmem_shared>>
        tpu.wait_indirect_dma semaphore(%run_scoped3A : memref<!tpu.dma_semaphore, #tpu.memory_space<semaphore_mem>>) src(%arg7 : memref<128x128xf32, #tpu.memory_space<vmem>>) dst(%dma_wait3A_29 : memref<10008x128xf32, #tpu.memory_space<vmem_shared>>)
        tpu.yield
      }) : () -> ()
    }
    %scan3A_9 = arith.constant 79 : i32
    %barrier3A_10 = arith.constant 0 : index
    tpu.barrier barrier_id(%barrier3A_10)
    %eq3A_11 = arith.constant 0 : i32
    %eq3A_12 = arith.cmpi eq, %arg1, %eq3A_11 : i32
    %convert_element_type3A_13 = arith.extui %eq3A_12 : i1 to i32
    %cond3A_14 = arith.constant 0 : i32
    %cond3A_15 = arith.cmpi ne, %convert_element_type3A_13, %cond3A_14 : i32
    scf.if %cond3A_15 {
      "tpu.region"() ({
        %run_scoped3A = tpu.sem_alloc : memref<!tpu.dma_semaphore, #tpu.memory_space<semaphore_mem>>
        %dma_start3A = arith.constant 0 : i32
        %dma_start3A_16 = arith.constant 0 : i32
        %dma_start3A_17 = tpu.memref_slice %arg5[%arg0, %dma_start3A, %dma_start3A_16] : memref<2x10008x128xf32, #tpu.memory_space<hbm>> -> memref<1x10008x128xf32, #tpu.memory_space<hbm>>
        %dma_start3A_18 = tpu.memref_squeeze %dma_start3A_17 : memref<1x10008x128xf32, #tpu.memory_space<hbm>> -> memref<10008x128xf32, #tpu.memory_space<hbm>>
        tpu.enqueue_dma source(%arg8 : memref<10008x128xf32, #tpu.memory_space<vmem_shared>>) target(%dma_start3A_18 : memref<10008x128xf32, #tpu.memory_space<hbm>>) target_semaphore(%run_scoped3A : memref<!tpu.dma_semaphore, #tpu.memory_space<semaphore_mem>>)
        %dma_wait3A = arith.constant 0 : i32
        %dma_wait3A_19 = arith.constant 0 : i32
        %dma_wait3A_20 = tpu.memref_slice %arg5[%arg0, %dma_wait3A, %dma_wait3A_19] : memref<2x10008x128xf32, #tpu.memory_space<hbm>> -> memref<1x10008x128xf32, #tpu.memory_space<hbm>>
        %dma_wait3A_21 = tpu.memref_squeeze %dma_wait3A_20 : memref<1x10008x128xf32, #tpu.memory_space<hbm>> -> memref<10008x128xf32, #tpu.memory_space<hbm>>
        tpu.wait_dma2 semaphore(%run_scoped3A : memref<!tpu.dma_semaphore, #tpu.memory_space<semaphore_mem>>) src(%arg8 : memref<10008x128xf32, #tpu.memory_space<vmem_shared>>) dst(%dma_wait3A_21 : memref<10008x128xf32, #tpu.memory_space<hbm>>)
        tpu.yield
      }) : () -> ()
    } else {
    }
    return
  }
}

module attributes {stable_mosaic.version = 14 : i64} {
  func.func @body(%arg0: i32, %arg1: memref<400x128xf32, #tpu.memory_space<vmem>>, %arg2: memref<400x128xf32, #tpu.memory_space<vmem>>, %arg3: memref<128x128xf32, #tpu.memory_space<vmem>>, %arg4: memref<128x128xf32, #tpu.memory_space<vmem>>, %arg5: memref<128x128xf32, #tpu.memory_space<vmem>>, %arg6: memref<400x128xf32, #tpu.memory_space<vmem>>, %arg7: memref<400x128xf32, #tpu.memory_space<vmem>>) attributes {dimension_semantics = [#tpu.dimension_semantics<arbitrary>], iteration_bounds = array<i64: 25>, scalar_prefetch = 0 : i64, scratch_operands = 0 : i64, tpu.core_type = #tpu.core_type<tc>, window_params = [{transform_indices = @transform_0, window_bounds = array<i64: 400, 128>}, {transform_indices = @transform_1, window_bounds = array<i64: 400, 128>}, {pipeline_mode = #tpu.pipeline_mode<synchronous>, transform_indices = @transform_2, window_bounds = array<i64: 128, 128>}, {pipeline_mode = #tpu.pipeline_mode<synchronous>, transform_indices = @transform_3, window_bounds = array<i64: 128, 128>}, {pipeline_mode = #tpu.pipeline_mode<synchronous>, transform_indices = @transform_4, window_bounds = array<i64: 128, 128>}, {transform_indices = @transform_5, window_bounds = array<i64: 400, 128>}, {transform_indices = @transform_6, window_bounds = array<i64: 400, 128>}]} {
    %get3A = arith.constant 0 : index
    %get3A_0 = arith.constant 0 : index
    %get3A_1 = vector.load %arg1[%get3A, %get3A_0] : memref<400x128xf32, #tpu.memory_space<vmem>>, vector<400x128xf32>
    %get3A_2 = arith.constant 0 : index
    %get3A_3 = arith.constant 0 : index
    %get3A_4 = vector.load %arg4[%get3A_2, %get3A_3] : memref<128x128xf32, #tpu.memory_space<vmem>>, vector<128x128xf32>
    %get3A_5 = arith.constant 0 : index
    %get3A_6 = arith.constant 0 : index
    %get3A_7 = vector.load %arg2[%get3A_5, %get3A_6] : memref<400x128xf32, #tpu.memory_space<vmem>>, vector<400x128xf32>
    %get3A_8 = arith.constant 0 : index
    %get3A_9 = arith.constant 0 : index
    %get3A_10 = vector.load %arg5[%get3A_8, %get3A_9] : memref<128x128xf32, #tpu.memory_space<vmem>>, vector<128x128xf32>
    %dot_general3A = arith.constant dense<0.000000e+00> : vector<400x128xf32>
    %dot_general3A_11 = tpu.matmul %get3A_7, %get3A_10, %dot_general3A {dimension_numbers = #tpu.dot_dimension_numbers<[1], [0], [0], [1], [0, 0, 1, 1], [], []>, transpose_lhs_hint = false} : vector<400x128xf32>, vector<128x128xf32>, vector<400x128xf32> -> vector<400x128xf32>
    %get3A_12 = arith.constant 0 : index
    %get3A_13 = arith.constant 0 : index
    %get3A_14 = vector.load %arg3[%get3A_12, %get3A_13] : memref<128x128xf32, #tpu.memory_space<vmem>>, vector<128x128xf32>
    %sub3A = arith.subf %get3A_14, %get3A_4 : vector<128x128xf32>
    %dot_general3A_15 = arith.constant dense<0.000000e+00> : vector<400x128xf32>
    %dot_general3A_16 = tpu.matmul %get3A_1, %sub3A, %dot_general3A_15 {dimension_numbers = #tpu.dot_dimension_numbers<[1], [0], [0], [1], [0, 0, 1, 1], [], []>, transpose_lhs_hint = false} : vector<400x128xf32>, vector<128x128xf32>, vector<400x128xf32> -> vector<400x128xf32>
    %add3A = arith.addf %dot_general3A_16, %dot_general3A_11 : vector<400x128xf32>
    %swap3A = arith.constant 0 : index
    %swap3A_17 = arith.constant 0 : index
    %swap3A_18 = vector.load %arg6[%swap3A, %swap3A_17] : memref<400x128xf32, #tpu.memory_space<vmem>>, vector<400x128xf32>
    tpu.vector_store %arg6[%swap3A, %swap3A_17], %add3A {strides = array<i32>} : memref<400x128xf32, #tpu.memory_space<vmem>>, vector<400x128xf32>,
    %dot_general3A_19 = arith.constant dense<0.000000e+00> : vector<400x128xf32>
    %dot_general3A_20 = tpu.matmul %get3A_1, %get3A_4, %dot_general3A_19 {dimension_numbers = #tpu.dot_dimension_numbers<[1], [0], [0], [1], [0, 0, 1, 1], [], []>, transpose_lhs_hint = false} : vector<400x128xf32>, vector<128x128xf32>, vector<400x128xf32> -> vector<400x128xf32>
    %sub3A_21 = arith.subf %dot_general3A_20, %dot_general3A_11 : vector<400x128xf32>
    %swap3A_22 = arith.constant 0 : index
    %swap3A_23 = arith.constant 0 : index
    %swap3A_24 = vector.load %arg7[%swap3A_22, %swap3A_23] : memref<400x128xf32, #tpu.memory_space<vmem>>, vector<400x128xf32>
    tpu.vector_store %arg7[%swap3A_22, %swap3A_23], %sub3A_21 {strides = array<i32>} : memref<400x128xf32, #tpu.memory_space<vmem>>, vector<400x128xf32>,
    return
  }
  func.func @transform_0(%arg0: i32) -> (i32, i32) {
    %c0_i32 = arith.constant 0 : i32
    %c0_i32_0 = arith.constant 0 : i32
    return %arg0, %c0_i32 : i32, i32
  }
  func.func @transform_1(%arg0: i32) -> (i32, i32) {
    %c0_i32 = arith.constant 0 : i32
    %c0_i32_0 = arith.constant 0 : i32
    return %arg0, %c0_i32 : i32, i32
  }
  func.func @transform_2(%arg0: i32) -> (i32, i32) {
    %c0_i32 = arith.constant 0 : i32
    %c0_i32_0 = arith.constant 0 : i32
    %c0_i32_1 = arith.constant 0 : i32
    return %c0_i32, %c0_i32_0 : i32, i32
  }
  func.func @transform_3(%arg0: i32) -> (i32, i32) {
    %c0_i32 = arith.constant 0 : i32
    %c0_i32_0 = arith.constant 0 : i32
    %c0_i32_1 = arith.constant 0 : i32
    return %c0_i32, %c0_i32_0 : i32, i32
  }
  func.func @transform_4(%arg0: i32) -> (i32, i32) {
    %c0_i32 = arith.constant 0 : i32
    %c0_i32_0 = arith.constant 0 : i32
    %c0_i32_1 = arith.constant 0 : i32
    return %c0_i32, %c0_i32_0 : i32, i32
  }
  func.func @transform_5(%arg0: i32) -> (i32, i32) {
    %c0_i32 = arith.constant 0 : i32
    %c0_i32_0 = arith.constant 0 : i32
    return %arg0, %c0_i32 : i32, i32
  }
  func.func @transform_6(%arg0: i32) -> (i32, i32) {
    %c0_i32 = arith.constant 0 : i32
    %c0_i32_0 = arith.constant 0 : i32
    return %arg0, %c0_i32 : i32, i32
  }
}

module attributes {stable_mosaic.version = 14 : i64} {
  func.func @body(%arg0: i32, %arg1: memref<1x4x128xf32, #tpu.memory_space<vmem>>, %arg2: memref<512x128xf32, #tpu.memory_space<vmem>>, %arg3: memref<512x128xf32, #tpu.memory_space<vmem>>, %arg4: memref<1x128xf32, #tpu.memory_space<vmem>>, %arg5: memref<1x128xf32, #tpu.memory_space<vmem>>, %arg6: memref<512x128xf32, #tpu.memory_space<vmem>>) attributes {dimension_semantics = [#tpu.dimension_semantics<arbitrary>], iteration_bounds = array<i64: 625>, scalar_prefetch = 0 : i64, scratch_operands = 0 : i64, tpu.core_type = #tpu.core_type<tc>, window_params = [{transform_indices = @transform_0, window_bounds = array<i64: 1, 4, 128>}, {transform_indices = @transform_1, window_bounds = array<i64: 512, 128>}, {transform_indices = @transform_2, window_bounds = array<i64: 512, 128>}, {pipeline_mode = #tpu.pipeline_mode<synchronous>, transform_indices = @transform_3, window_bounds = array<i64: 1, 128>}, {pipeline_mode = #tpu.pipeline_mode<synchronous>, transform_indices = @transform_4, window_bounds = array<i64: 1, 128>}, {transform_indices = @transform_5, window_bounds = array<i64: 512, 128>}]} {
    %get3A = arith.constant 0 : index
    %get3A_0 = arith.constant 0 : index
    %get3A_1 = arith.constant 0 : index
    %get3A_2 = vector.load %arg1[%get3A, %get3A_0, %get3A_1] : memref<1x4x128xf32, #tpu.memory_space<vmem>>, vector<1x4x128xf32>
    %get3A_3 = vector.shape_cast %get3A_2 : vector<1x4x128xf32> to vector<4x128xf32>
    %transpose3A = tpu.transpose %get3A_3, [1, 0] : vector<4x128xf32> -> vector<128x4xf32>
    %slice3A = vector.extract_strided_slice %transpose3A {offsets = [0, 0], sizes = [128, 1], strides = [1, 1]} : vector<128x4xf32> to vector<128x1xf32>
    %slice3A_4 = vector.extract_strided_slice %transpose3A {offsets = [0, 1], sizes = [128, 1], strides = [1, 1]} : vector<128x4xf32> to vector<128x1xf32>
    %slice3A_5 = vector.extract_strided_slice %transpose3A {offsets = [0, 2], sizes = [128, 1], strides = [1, 1]} : vector<128x4xf32> to vector<128x1xf32>
    %slice3A_6 = vector.extract_strided_slice %transpose3A {offsets = [0, 3], sizes = [128, 1], strides = [1, 1]} : vector<128x4xf32> to vector<128x1xf32>
    %concatenate3A = tpu.concatenate %slice3A, %slice3A_4, %slice3A_5, %slice3A_6 in 0 : vector<128x1xf32>, vector<128x1xf32>, vector<128x1xf32>, vector<128x1xf32> -> vector<512x1xf32>
    %sqrt3A = math.sqrt %concatenate3A : vector<512x1xf32>
    %get3A_7 = arith.constant 0 : index
    %get3A_8 = arith.constant 0 : index
    %get3A_9 = vector.load %arg2[%get3A_7, %get3A_8] : memref<512x128xf32, #tpu.memory_space<vmem>>, vector<512x128xf32>
    %get3A_10 = arith.constant 0 : index
    %get3A_11 = arith.constant 0 : index
    %get3A_12 = vector.load %arg3[%get3A_10, %get3A_11] : memref<512x128xf32, #tpu.memory_space<vmem>>, vector<512x128xf32>
    %add3A = arith.addf %get3A_9, %get3A_12 : vector<512x128xf32>
    %get3A_13 = arith.constant 0 : index
    %get3A_14 = arith.constant 0 : index
    %get3A_15 = vector.load %arg4[%get3A_13, %get3A_14] : memref<1x128xf32, #tpu.memory_space<vmem>>, vector<1x128xf32>
    %mul3A = vector.broadcast %sqrt3A : vector<512x1xf32> to vector<512x128xf32>
    %mul3A_16 = vector.broadcast %get3A_15 : vector<1x128xf32> to vector<512x128xf32>
    %mul3A_17 = arith.mulf %mul3A, %mul3A_16 : vector<512x128xf32>
    %add3A_18 = arith.addf %add3A, %mul3A_17 : vector<512x128xf32>
    %get3A_19 = arith.constant 0 : index
    %get3A_20 = arith.constant 0 : index
    %get3A_21 = vector.load %arg5[%get3A_19, %get3A_20] : memref<1x128xf32, #tpu.memory_space<vmem>>, vector<1x128xf32>
    %add3A_22 = vector.broadcast %get3A_21 : vector<1x128xf32> to vector<512x128xf32>
    %add3A_23 = arith.addf %add3A_18, %add3A_22 : vector<512x128xf32>
    %mul3A_24 = arith.constant 5.000000e-01 : f32
    %mul3A_25 = vector.broadcast %mul3A_24 : f32 to vector<512x128xf32>
    %mul3A_26 = arith.mulf %mul3A_25, %add3A_23 : vector<512x128xf32>
    %mul3A_27 = arith.constant 0.707106769 : f32
    %mul3A_28 = vector.broadcast %mul3A_27 : f32 to vector<512x128xf32>
    %mul3A_29 = arith.mulf %add3A_23, %mul3A_28 : vector<512x128xf32>
    %erf3A = math.erf %mul3A_29 : vector<512x128xf32>
    %add3A_30 = arith.constant 1.000000e+00 : f32
    %add3A_31 = vector.broadcast %add3A_30 : f32 to vector<512x128xf32>
    %add3A_32 = arith.addf %add3A_31, %erf3A : vector<512x128xf32>
    %mul3A_33 = arith.mulf %mul3A_26, %add3A_32 : vector<512x128xf32>
    %swap3A = arith.constant 0 : index
    %swap3A_34 = arith.constant 0 : index
    %swap3A_35 = vector.load %arg6[%swap3A, %swap3A_34] : memref<512x128xf32, #tpu.memory_space<vmem>>, vector<512x128xf32>
    tpu.vector_store %arg6[%swap3A, %swap3A_34], %mul3A_33 {strides = array<i32>} : memref<512x128xf32, #tpu.memory_space<vmem>>, vector<512x128xf32>,
    return
  }
  func.func @transform_0(%arg0: i32) -> (i32, i32, i32) {
    %c0_i32 = arith.constant 0 : i32
    %c0_i32_0 = arith.constant 0 : i32
    %c0_i32_1 = arith.constant 0 : i32
    return %arg0, %c0_i32, %c0_i32_0 : i32, i32, i32
  }
  func.func @transform_1(%arg0: i32) -> (i32, i32) {
    %c0_i32 = arith.constant 0 : i32
    %c0_i32_0 = arith.constant 0 : i32
    return %arg0, %c0_i32 : i32, i32
  }
  func.func @transform_2(%arg0: i32) -> (i32, i32) {
    %c0_i32 = arith.constant 0 : i32
    %c0_i32_0 = arith.constant 0 : i32
    return %arg0, %c0_i32 : i32, i32
  }
  func.func @transform_3(%arg0: i32) -> (i32, i32) {
    %c0_i32 = arith.constant 0 : i32
    %c0_i32_0 = arith.constant 0 : i32
    %c0_i32_1 = arith.constant 0 : i32
    return %c0_i32, %c0_i32_0 : i32, i32
  }
  func.func @transform_4(%arg0: i32) -> (i32, i32) {
    %c0_i32 = arith.constant 0 : i32
    %c0_i32_0 = arith.constant 0 : i32
    %c0_i32_1 = arith.constant 0 : i32
    return %c0_i32, %c0_i32_0 : i32, i32
  }
  func.func @transform_5(%arg0: i32) -> (i32, i32) {
    %c0_i32 = arith.constant 0 : i32
    %c0_i32_0 = arith.constant 0 : i32
    return %arg0, %c0_i32 : i32, i32
  }
}

module attributes {stable_mosaic.version = 14 : i64} {
  func.func @body(%arg0: i32, %arg1: memref<2x400x128xf32, #tpu.memory_space<vmem>>, %arg2: memref<2x400x128xf32, #tpu.memory_space<vmem>>, %arg3: memref<128x128xf32, #tpu.memory_space<vmem>>, %arg4: memref<1x128xf32, #tpu.memory_space<vmem>>, %arg5: memref<1x128xf32, #tpu.memory_space<vmem>>, %arg6: memref<1x128xf32, #tpu.memory_space<vmem>>, %arg7: memref<400x128xf32, #tpu.memory_space<vmem>>, %arg8: memref<400x128xf32, #tpu.memory_space<vmem>>) attributes {dimension_semantics = [#tpu.dimension_semantics<arbitrary>], iteration_bounds = array<i64: 25>, scalar_prefetch = 0 : i64, scratch_operands = 0 : i64, tpu.core_type = #tpu.core_type<tc>, window_params = [{transform_indices = @transform_0, window_bounds = array<i64: 2, 400, 128>}, {transform_indices = @transform_1, window_bounds = array<i64: 2, 400, 128>}, {pipeline_mode = #tpu.pipeline_mode<synchronous>, transform_indices = @transform_2, window_bounds = array<i64: 128, 128>}, {pipeline_mode = #tpu.pipeline_mode<synchronous>, transform_indices = @transform_3, window_bounds = array<i64: 1, 128>}, {pipeline_mode = #tpu.pipeline_mode<synchronous>, transform_indices = @transform_4, window_bounds = array<i64: 1, 128>}, {pipeline_mode = #tpu.pipeline_mode<synchronous>, transform_indices = @transform_5, window_bounds = array<i64: 1, 128>}, {transform_indices = @transform_6, window_bounds = array<i64: 400, 128>}, {transform_indices = @transform_7, window_bounds = array<i64: 400, 128>}]} {
    %get3A = arith.constant 0 : index
    %get3A_0 = arith.constant 0 : index
    %get3A_1 = arith.constant 0 : index
    %get3A_2 = vector.load %arg1[%get3A, %get3A_0, %get3A_1] : memref<2x400x128xf32, #tpu.memory_space<vmem>>, vector<1x400x128xf32>
    %get3A_3 = vector.shape_cast %get3A_2 : vector<1x400x128xf32> to vector<400x128xf32>
    %get3A_4 = arith.constant 1 : index
    %get3A_5 = arith.constant 0 : index
    %get3A_6 = arith.constant 0 : index
    %get3A_7 = vector.load %arg1[%get3A_4, %get3A_5, %get3A_6] : memref<2x400x128xf32, #tpu.memory_space<vmem>>, vector<1x400x128xf32>
    %get3A_8 = vector.shape_cast %get3A_7 : vector<1x400x128xf32> to vector<400x128xf32>
    %add3A = arith.addf %get3A_3, %get3A_8 : vector<400x128xf32>
    %get3A_9 = arith.constant 0 : index
    %get3A_10 = arith.constant 0 : index
    %get3A_11 = arith.constant 0 : index
    %get3A_12 = vector.load %arg2[%get3A_9, %get3A_10, %get3A_11] : memref<2x400x128xf32, #tpu.memory_space<vmem>>, vector<1x400x1xf32>
    %get3A_13 = vector.shape_cast %get3A_12 : vector<1x400x1xf32> to vector<400x1xf32>
    %get3A_14 = arith.constant 1 : index
    %get3A_15 = arith.constant 0 : index
    %get3A_16 = arith.constant 0 : index
    %get3A_17 = vector.load %arg2[%get3A_14, %get3A_15, %get3A_16] : memref<2x400x128xf32, #tpu.memory_space<vmem>>, vector<1x400x1xf32>
    %get3A_18 = vector.shape_cast %get3A_17 : vector<1x400x1xf32> to vector<400x1xf32>
    %add3A_19 = arith.addf %get3A_13, %get3A_18 : vector<400x1xf32>
    %get3A_20 = arith.constant 0 : index
    %get3A_21 = arith.constant 0 : index
    %get3A_22 = vector.load %arg3[%get3A_20, %get3A_21] : memref<128x128xf32, #tpu.memory_space<vmem>>, vector<128x128xf32>
    %dot_general3A = arith.constant dense<0.000000e+00> : vector<400x128xf32>
    %dot_general3A_23 = tpu.matmul %add3A, %get3A_22, %dot_general3A {dimension_numbers = #tpu.dot_dimension_numbers<[1], [0], [0], [1], [0, 0, 1, 1], [], []>, transpose_lhs_hint = false} : vector<400x128xf32>, vector<128x128xf32>, vector<400x128xf32> -> vector<400x128xf32>
    %get3A_24 = arith.constant 0 : index
    %get3A_25 = arith.constant 0 : index
    %get3A_26 = vector.load %arg4[%get3A_24, %get3A_25] : memref<1x128xf32, #tpu.memory_space<vmem>>, vector<1x128xf32>
    %mul3A = vector.broadcast %add3A_19 : vector<400x1xf32> to vector<400x128xf32>
    %mul3A_27 = vector.broadcast %get3A_26 : vector<1x128xf32> to vector<400x128xf32>
    %mul3A_28 = arith.mulf %mul3A, %mul3A_27 : vector<400x128xf32>
    %add3A_29 = arith.addf %dot_general3A_23, %mul3A_28 : vector<400x128xf32>
    %get3A_30 = arith.constant 0 : index
    %get3A_31 = arith.constant 0 : index
    %get3A_32 = vector.load %arg5[%get3A_30, %get3A_31] : memref<1x128xf32, #tpu.memory_space<vmem>>, vector<1x128xf32>
    %get3A_33 = arith.constant 0 : index
    %get3A_34 = arith.constant 0 : index
    %get3A_35 = vector.load %arg6[%get3A_33, %get3A_34] : memref<1x128xf32, #tpu.memory_space<vmem>>, vector<1x128xf32>
    %reduce_sum3A = arith.constant dense<0.000000e+00> : vector<400xf32>
    %reduce_sum3A_36 = vector.multi_reduction <add>, %add3A_29, %reduce_sum3A [1] : vector<400x128xf32> to vector<400xf32>
    %broadcast_in_dim3A = vector.shape_cast %reduce_sum3A_36 : vector<400xf32> to vector<400x1xf32>
    %div3A = arith.constant 1.280000e+02 : f32
    %div3A_37 = vector.broadcast %div3A : f32 to vector<400x1xf32>
    %div3A_38 = arith.divf %broadcast_in_dim3A, %div3A_37 : vector<400x1xf32>
    %sub3A = vector.broadcast %div3A_38 : vector<400x1xf32> to vector<400x128xf32>
    %sub3A_39 = arith.subf %add3A_29, %sub3A : vector<400x128xf32>
    %integer_pow3A = arith.mulf %sub3A_39, %sub3A_39 : vector<400x128xf32>
    %reduce_sum3A_40 = arith.constant dense<0.000000e+00> : vector<400xf32>
    %reduce_sum3A_41 = vector.multi_reduction <add>, %integer_pow3A, %reduce_sum3A_40 [1] : vector<400x128xf32> to vector<400xf32>
    %broadcast_in_dim3A_42 = vector.shape_cast %reduce_sum3A_41 : vector<400xf32> to vector<400x1xf32>
    %div3A_43 = arith.constant 1.280000e+02 : f32
    %div3A_44 = vector.broadcast %div3A_43 : f32 to vector<400x1xf32>
    %div3A_45 = arith.divf %broadcast_in_dim3A_42, %div3A_44 : vector<400x1xf32>
    %sub3A_46 = vector.broadcast %div3A_38 : vector<400x1xf32> to vector<400x128xf32>
    %sub3A_47 = arith.subf %add3A_29, %sub3A_46 : vector<400x128xf32>
    %add3A_48 = arith.constant 9.99999974E-6 : f32
    %add3A_49 = vector.broadcast %add3A_48 : f32 to vector<400x1xf32>
    %add3A_50 = arith.addf %div3A_45, %add3A_49 : vector<400x1xf32>
    %rsqrt3A = math.rsqrt %add3A_50 : vector<400x1xf32>
    %mul3A_51 = vector.broadcast %rsqrt3A : vector<400x1xf32> to vector<400x128xf32>
    %mul3A_52 = arith.mulf %sub3A_47, %mul3A_51 : vector<400x128xf32>
    %mul3A_53 = vector.broadcast %get3A_32 : vector<1x128xf32> to vector<400x128xf32>
    %mul3A_54 = arith.mulf %mul3A_52, %mul3A_53 : vector<400x128xf32>
    %add3A_55 = vector.broadcast %get3A_35 : vector<1x128xf32> to vector<400x128xf32>
    %add3A_56 = arith.addf %mul3A_54, %add3A_55 : vector<400x128xf32>
    %swap3A = arith.constant 0 : index
    %swap3A_57 = arith.constant 0 : index
    %swap3A_58 = vector.load %arg8[%swap3A, %swap3A_57] : memref<400x128xf32, #tpu.memory_space<vmem>>, vector<400x128xf32>
    tpu.vector_store %arg8[%swap3A, %swap3A_57], %add3A_56 {strides = array<i32>} : memref<400x128xf32, #tpu.memory_space<vmem>>, vector<400x128xf32>,
    return
  }
  func.func @transform_0(%arg0: i32) -> (i32, i32, i32) {
    %c0_i32 = arith.constant 0 : i32
    %c0_i32_0 = arith.constant 0 : i32
    %c0_i32_1 = arith.constant 0 : i32
    return %c0_i32, %arg0, %c0_i32_0 : i32, i32, i32
  }
  func.func @transform_1(%arg0: i32) -> (i32, i32, i32) {
    %c0_i32 = arith.constant 0 : i32
    %c0_i32_0 = arith.constant 0 : i32
    %c0_i32_1 = arith.constant 0 : i32
    return %c0_i32, %arg0, %c0_i32_0 : i32, i32, i32
  }
  func.func @transform_2(%arg0: i32) -> (i32, i32) {
    %c0_i32 = arith.constant 0 : i32
    %c0_i32_0 = arith.constant 0 : i32
    %c0_i32_1 = arith.constant 0 : i32
    return %c0_i32, %c0_i32_0 : i32, i32
  }
  func.func @transform_3(%arg0: i32) -> (i32, i32) {
    %c0_i32 = arith.constant 0 : i32
    %c0_i32_0 = arith.constant 0 : i32
    %c0_i32_1 = arith.constant 0 : i32
    return %c0_i32, %c0_i32_0 : i32, i32
  }
  func.func @transform_4(%arg0: i32) -> (i32, i32) {
    %c0_i32 = arith.constant 0 : i32
    %c0_i32_0 = arith.constant 0 : i32
    %c0_i32_1 = arith.constant 0 : i32
    return %c0_i32, %c0_i32_0 : i32, i32
  }
  func.func @transform_5(%arg0: i32) -> (i32, i32) {
    %c0_i32 = arith.constant 0 : i32
    %c0_i32_0 = arith.constant 0 : i32
    %c0_i32_1 = arith.constant 0 : i32
    return %c0_i32, %c0_i32_0 : i32, i32
  }
  func.func @transform_6(%arg0: i32) -> (i32, i32) {
    %c0_i32 = arith.constant 0 : i32
    %c0_i32_0 = arith.constant 0 : i32
    return %arg0, %c0_i32 : i32, i32
  }
  func.func @transform_7(%arg0: i32) -> (i32, i32) {
    %c0_i32 = arith.constant 0 : i32
    %c0_i32_0 = arith.constant 0 : i32
    return %arg0, %c0_i32 : i32, i32
  }
}

module attributes {stable_mosaic.version = 14 : i64} {
  func.func @body(%arg0: i32, %arg1: memref<2x400x128xf32, #tpu.memory_space<vmem>>, %arg2: memref<2x400x128xf32, #tpu.memory_space<vmem>>, %arg3: memref<128x128xf32, #tpu.memory_space<vmem>>, %arg4: memref<1x128xf32, #tpu.memory_space<vmem>>, %arg5: memref<1x128xf32, #tpu.memory_space<vmem>>, %arg6: memref<1x128xf32, #tpu.memory_space<vmem>>, %arg7: memref<400x128xf32, #tpu.memory_space<vmem>>, %arg8: memref<400x128xf32, #tpu.memory_space<vmem>>) attributes {dimension_semantics = [#tpu.dimension_semantics<arbitrary>], iteration_bounds = array<i64: 25>, scalar_prefetch = 0 : i64, scratch_operands = 0 : i64, tpu.core_type = #tpu.core_type<tc>, window_params = [{transform_indices = @transform_0, window_bounds = array<i64: 2, 400, 128>}, {transform_indices = @transform_1, window_bounds = array<i64: 2, 400, 128>}, {pipeline_mode = #tpu.pipeline_mode<synchronous>, transform_indices = @transform_2, window_bounds = array<i64: 128, 128>}, {pipeline_mode = #tpu.pipeline_mode<synchronous>, transform_indices = @transform_3, window_bounds = array<i64: 1, 128>}, {pipeline_mode = #tpu.pipeline_mode<synchronous>, transform_indices = @transform_4, window_bounds = array<i64: 1, 128>}, {pipeline_mode = #tpu.pipeline_mode<synchronous>, transform_indices = @transform_5, window_bounds = array<i64: 1, 128>}, {transform_indices = @transform_6, window_bounds = array<i64: 400, 128>}, {transform_indices = @transform_7, window_bounds = array<i64: 400, 128>}]} {
    %get3A = arith.constant 0 : index
    %get3A_0 = arith.constant 0 : index
    %get3A_1 = arith.constant 0 : index
    %get3A_2 = vector.load %arg1[%get3A, %get3A_0, %get3A_1] : memref<2x400x128xf32, #tpu.memory_space<vmem>>, vector<1x400x128xf32>
    %get3A_3 = vector.shape_cast %get3A_2 : vector<1x400x128xf32> to vector<400x128xf32>
    %get3A_4 = arith.constant 1 : index
    %get3A_5 = arith.constant 0 : index
    %get3A_6 = arith.constant 0 : index
    %get3A_7 = vector.load %arg1[%get3A_4, %get3A_5, %get3A_6] : memref<2x400x128xf32, #tpu.memory_space<vmem>>, vector<1x400x128xf32>
    %get3A_8 = vector.shape_cast %get3A_7 : vector<1x400x128xf32> to vector<400x128xf32>
    %add3A = arith.addf %get3A_3, %get3A_8 : vector<400x128xf32>
    %get3A_9 = arith.constant 0 : index
    %get3A_10 = arith.constant 0 : index
    %get3A_11 = arith.constant 0 : index
    %get3A_12 = vector.load %arg2[%get3A_9, %get3A_10, %get3A_11] : memref<2x400x128xf32, #tpu.memory_space<vmem>>, vector<1x400x1xf32>
    %get3A_13 = vector.shape_cast %get3A_12 : vector<1x400x1xf32> to vector<400x1xf32>
    %get3A_14 = arith.constant 1 : index
    %get3A_15 = arith.constant 0 : index
    %get3A_16 = arith.constant 0 : index
    %get3A_17 = vector.load %arg2[%get3A_14, %get3A_15, %get3A_16] : memref<2x400x128xf32, #tpu.memory_space<vmem>>, vector<1x400x1xf32>
    %get3A_18 = vector.shape_cast %get3A_17 : vector<1x400x1xf32> to vector<400x1xf32>
    %add3A_19 = arith.addf %get3A_13, %get3A_18 : vector<400x1xf32>
    %get3A_20 = arith.constant 0 : index
    %get3A_21 = arith.constant 0 : index
    %get3A_22 = vector.load %arg3[%get3A_20, %get3A_21] : memref<128x128xf32, #tpu.memory_space<vmem>>, vector<128x128xf32>
    %dot_general3A = arith.constant dense<0.000000e+00> : vector<400x128xf32>
    %dot_general3A_23 = tpu.matmul %add3A, %get3A_22, %dot_general3A {dimension_numbers = #tpu.dot_dimension_numbers<[1], [0], [0], [1], [0, 0, 1, 1], [], []>, transpose_lhs_hint = false} : vector<400x128xf32>, vector<128x128xf32>, vector<400x128xf32> -> vector<400x128xf32>
    %get3A_24 = arith.constant 0 : index
    %get3A_25 = arith.constant 0 : index
    %get3A_26 = vector.load %arg4[%get3A_24, %get3A_25] : memref<1x128xf32, #tpu.memory_space<vmem>>, vector<1x128xf32>
    %mul3A = vector.broadcast %add3A_19 : vector<400x1xf32> to vector<400x128xf32>
    %mul3A_27 = vector.broadcast %get3A_26 : vector<1x128xf32> to vector<400x128xf32>
    %mul3A_28 = arith.mulf %mul3A, %mul3A_27 : vector<400x128xf32>
    %add3A_29 = arith.addf %dot_general3A_23, %mul3A_28 : vector<400x128xf32>
    %get3A_30 = arith.constant 0 : index
    %get3A_31 = arith.constant 0 : index
    %get3A_32 = vector.load %arg5[%get3A_30, %get3A_31] : memref<1x128xf32, #tpu.memory_space<vmem>>, vector<1x128xf32>
    %get3A_33 = arith.constant 0 : index
    %get3A_34 = arith.constant 0 : index
    %get3A_35 = vector.load %arg6[%get3A_33, %get3A_34] : memref<1x128xf32, #tpu.memory_space<vmem>>, vector<1x128xf32>
    %reduce_sum3A = arith.constant dense<0.000000e+00> : vector<400xf32>
    %reduce_sum3A_36 = vector.multi_reduction <add>, %add3A_29, %reduce_sum3A [1] : vector<400x128xf32> to vector<400xf32>
    %broadcast_in_dim3A = vector.shape_cast %reduce_sum3A_36 : vector<400xf32> to vector<400x1xf32>
    %div3A = arith.constant 1.280000e+02 : f32
    %div3A_37 = vector.broadcast %div3A : f32 to vector<400x1xf32>
    %div3A_38 = arith.divf %broadcast_in_dim3A, %div3A_37 : vector<400x1xf32>
    %sub3A = vector.broadcast %div3A_38 : vector<400x1xf32> to vector<400x128xf32>
    %sub3A_39 = arith.subf %add3A_29, %sub3A : vector<400x128xf32>
    %integer_pow3A = arith.mulf %sub3A_39, %sub3A_39 : vector<400x128xf32>
    %reduce_sum3A_40 = arith.constant dense<0.000000e+00> : vector<400xf32>
    %reduce_sum3A_41 = vector.multi_reduction <add>, %integer_pow3A, %reduce_sum3A_40 [1] : vector<400x128xf32> to vector<400xf32>
    %broadcast_in_dim3A_42 = vector.shape_cast %reduce_sum3A_41 : vector<400xf32> to vector<400x1xf32>
    %div3A_43 = arith.constant 1.280000e+02 : f32
    %div3A_44 = vector.broadcast %div3A_43 : f32 to vector<400x1xf32>
    %div3A_45 = arith.divf %broadcast_in_dim3A_42, %div3A_44 : vector<400x1xf32>
    %sub3A_46 = vector.broadcast %div3A_38 : vector<400x1xf32> to vector<400x128xf32>
    %sub3A_47 = arith.subf %add3A_29, %sub3A_46 : vector<400x128xf32>
    %add3A_48 = arith.constant 9.99999974E-6 : f32
    %add3A_49 = vector.broadcast %add3A_48 : f32 to vector<400x1xf32>
    %add3A_50 = arith.addf %div3A_45, %add3A_49 : vector<400x1xf32>
    %rsqrt3A = math.rsqrt %add3A_50 : vector<400x1xf32>
    %mul3A_51 = vector.broadcast %rsqrt3A : vector<400x1xf32> to vector<400x128xf32>
    %mul3A_52 = arith.mulf %sub3A_47, %mul3A_51 : vector<400x128xf32>
    %mul3A_53 = vector.broadcast %get3A_32 : vector<1x128xf32> to vector<400x128xf32>
    %mul3A_54 = arith.mulf %mul3A_52, %mul3A_53 : vector<400x128xf32>
    %add3A_55 = vector.broadcast %get3A_35 : vector<1x128xf32> to vector<400x128xf32>
    %add3A_56 = arith.addf %mul3A_54, %add3A_55 : vector<400x128xf32>
    %get3A_57 = arith.constant 0 : index
    %get3A_58 = arith.constant 0 : index
    %get3A_59 = vector.load %arg7[%get3A_57, %get3A_58] : memref<400x128xf32, #tpu.memory_space<vmem>>, vector<400x128xf32>
    %add3A_60 = arith.addf %add3A_56, %get3A_59 : vector<400x128xf32>
    %swap3A = arith.constant 0 : index
    %swap3A_61 = arith.constant 0 : index
    %swap3A_62 = vector.load %arg8[%swap3A, %swap3A_61] : memref<400x128xf32, #tpu.memory_space<vmem>>, vector<400x128xf32>
    tpu.vector_store %arg8[%swap3A, %swap3A_61], %add3A_60 {strides = array<i32>} : memref<400x128xf32, #tpu.memory_space<vmem>>, vector<400x128xf32>,
    return
  }
  func.func @transform_0(%arg0: i32) -> (i32, i32, i32) {
    %c0_i32 = arith.constant 0 : i32
    %c0_i32_0 = arith.constant 0 : i32
    %c0_i32_1 = arith.constant 0 : i32
    return %c0_i32, %arg0, %c0_i32_0 : i32, i32, i32
  }
  func.func @transform_1(%arg0: i32) -> (i32, i32, i32) {
    %c0_i32 = arith.constant 0 : i32
    %c0_i32_0 = arith.constant 0 : i32
    %c0_i32_1 = arith.constant 0 : i32
    return %c0_i32, %arg0, %c0_i32_0 : i32, i32, i32
  }
  func.func @transform_2(%arg0: i32) -> (i32, i32) {
    %c0_i32 = arith.constant 0 : i32
    %c0_i32_0 = arith.constant 0 : i32
    %c0_i32_1 = arith.constant 0 : i32
    return %c0_i32, %c0_i32_0 : i32, i32
  }
  func.func @transform_3(%arg0: i32) -> (i32, i32) {
    %c0_i32 = arith.constant 0 : i32
    %c0_i32_0 = arith.constant 0 : i32
    %c0_i32_1 = arith.constant 0 : i32
    return %c0_i32, %c0_i32_0 : i32, i32
  }
  func.func @transform_4(%arg0: i32) -> (i32, i32) {
    %c0_i32 = arith.constant 0 : i32
    %c0_i32_0 = arith.constant 0 : i32
    %c0_i32_1 = arith.constant 0 : i32
    return %c0_i32, %c0_i32_0 : i32, i32
  }
  func.func @transform_5(%arg0: i32) -> (i32, i32) {
    %c0_i32 = arith.constant 0 : i32
    %c0_i32_0 = arith.constant 0 : i32
    %c0_i32_1 = arith.constant 0 : i32
    return %c0_i32, %c0_i32_0 : i32, i32
  }
  func.func @transform_6(%arg0: i32) -> (i32, i32) {
    %c0_i32 = arith.constant 0 : i32
    %c0_i32_0 = arith.constant 0 : i32
    return %arg0, %c0_i32 : i32, i32
  }
  func.func @transform_7(%arg0: i32) -> (i32, i32) {
    %c0_i32 = arith.constant 0 : i32
    %c0_i32_0 = arith.constant 0 : i32
    return %arg0, %c0_i32 : i32, i32
  }
}

module attributes {stable_mosaic.version = 14 : i64} {
  func.func @body(%arg0: i32, %arg1: memref<400x128xf32, #tpu.memory_space<vmem>>, %arg2: memref<1x128xf32, #tpu.memory_space<vmem>>, %arg3: memref<1x128xf32, #tpu.memory_space<vmem>>, %arg4: memref<128x128xf32, #tpu.memory_space<vmem>>, %arg5: memref<1x128xf32, #tpu.memory_space<vmem>>, %arg6: memref<128x128xf32, #tpu.memory_space<vmem>>, %arg7: memref<1x128xf32, #tpu.memory_space<vmem>>, %arg8: memref<400x128xf32, #tpu.memory_space<vmem>>) attributes {dimension_semantics = [#tpu.dimension_semantics<arbitrary>], iteration_bounds = array<i64: 25>, scalar_prefetch = 0 : i64, scratch_operands = 0 : i64, tpu.core_type = #tpu.core_type<tc>, window_params = [{transform_indices = @transform_0, window_bounds = array<i64: 400, 128>}, {pipeline_mode = #tpu.pipeline_mode<synchronous>, transform_indices = @transform_1, window_bounds = array<i64: 1, 128>}, {pipeline_mode = #tpu.pipeline_mode<synchronous>, transform_indices = @transform_2, window_bounds = array<i64: 1, 128>}, {pipeline_mode = #tpu.pipeline_mode<synchronous>, transform_indices = @transform_3, window_bounds = array<i64: 128, 128>}, {pipeline_mode = #tpu.pipeline_mode<synchronous>, transform_indices = @transform_4, window_bounds = array<i64: 1, 128>}, {pipeline_mode = #tpu.pipeline_mode<synchronous>, transform_indices = @transform_5, window_bounds = array<i64: 128, 128>}, {pipeline_mode = #tpu.pipeline_mode<synchronous>, transform_indices = @transform_6, window_bounds = array<i64: 1, 128>}, {transform_indices = @transform_7, window_bounds = array<i64: 400, 128>}]} {
    %get3A = arith.constant 0 : index
    %get3A_0 = arith.constant 0 : index
    %get3A_1 = vector.load %arg1[%get3A, %get3A_0] : memref<400x128xf32, #tpu.memory_space<vmem>>, vector<400x128xf32>
    %get3A_2 = arith.constant 0 : index
    %get3A_3 = arith.constant 0 : index
    %get3A_4 = vector.load %arg2[%get3A_2, %get3A_3] : memref<1x128xf32, #tpu.memory_space<vmem>>, vector<1x128xf32>
    %get3A_5 = arith.constant 0 : index
    %get3A_6 = arith.constant 0 : index
    %get3A_7 = vector.load %arg3[%get3A_5, %get3A_6] : memref<1x128xf32, #tpu.memory_space<vmem>>, vector<1x128xf32>
    %reduce_sum3A = arith.constant dense<0.000000e+00> : vector<400xf32>
    %reduce_sum3A_8 = vector.multi_reduction <add>, %get3A_1, %reduce_sum3A [1] : vector<400x128xf32> to vector<400xf32>
    %broadcast_in_dim3A = vector.shape_cast %reduce_sum3A_8 : vector<400xf32> to vector<400x1xf32>
    %div3A = arith.constant 1.280000e+02 : f32
    %div3A_9 = vector.broadcast %div3A : f32 to vector<400x1xf32>
    %div3A_10 = arith.divf %broadcast_in_dim3A, %div3A_9 : vector<400x1xf32>
    %sub3A = vector.broadcast %div3A_10 : vector<400x1xf32> to vector<400x128xf32>
    %sub3A_11 = arith.subf %get3A_1, %sub3A : vector<400x128xf32>
    %integer_pow3A = arith.mulf %sub3A_11, %sub3A_11 : vector<400x128xf32>
    %reduce_sum3A_12 = arith.constant dense<0.000000e+00> : vector<400xf32>
    %reduce_sum3A_13 = vector.multi_reduction <add>, %integer_pow3A, %reduce_sum3A_12 [1] : vector<400x128xf32> to vector<400xf32>
    %broadcast_in_dim3A_14 = vector.shape_cast %reduce_sum3A_13 : vector<400xf32> to vector<400x1xf32>
    %div3A_15 = arith.constant 1.280000e+02 : f32
    %div3A_16 = vector.broadcast %div3A_15 : f32 to vector<400x1xf32>
    %div3A_17 = arith.divf %broadcast_in_dim3A_14, %div3A_16 : vector<400x1xf32>
    %sub3A_18 = vector.broadcast %div3A_10 : vector<400x1xf32> to vector<400x128xf32>
    %sub3A_19 = arith.subf %get3A_1, %sub3A_18 : vector<400x128xf32>
    %add3A = arith.constant 9.99999974E-6 : f32
    %add3A_20 = vector.broadcast %add3A : f32 to vector<400x1xf32>
    %add3A_21 = arith.addf %div3A_17, %add3A_20 : vector<400x1xf32>
    %rsqrt3A = math.rsqrt %add3A_21 : vector<400x1xf32>
    %mul3A = vector.broadcast %rsqrt3A : vector<400x1xf32> to vector<400x128xf32>
    %mul3A_22 = arith.mulf %sub3A_19, %mul3A : vector<400x128xf32>
    %mul3A_23 = vector.broadcast %get3A_4 : vector<1x128xf32> to vector<400x128xf32>
    %mul3A_24 = arith.mulf %mul3A_22, %mul3A_23 : vector<400x128xf32>
    %add3A_25 = vector.broadcast %get3A_7 : vector<1x128xf32> to vector<400x128xf32>
    %add3A_26 = arith.addf %mul3A_24, %add3A_25 : vector<400x128xf32>
    %get3A_27 = arith.constant 0 : index
    %get3A_28 = arith.constant 0 : index
    %get3A_29 = vector.load %arg4[%get3A_27, %get3A_28] : memref<128x128xf32, #tpu.memory_space<vmem>>, vector<128x128xf32>
    %dot_general3A = arith.constant dense<0.000000e+00> : vector<400x128xf32>
    %dot_general3A_30 = tpu.matmul %add3A_26, %get3A_29, %dot_general3A {dimension_numbers = #tpu.dot_dimension_numbers<[1], [0], [0], [1], [0, 0, 1, 1], [], []>, transpose_lhs_hint = false} : vector<400x128xf32>, vector<128x128xf32>, vector<400x128xf32> -> vector<400x128xf32>
    %get3A_31 = arith.constant 0 : index
    %get3A_32 = arith.constant 0 : index
    %get3A_33 = vector.load %arg5[%get3A_31, %get3A_32] : memref<1x128xf32, #tpu.memory_space<vmem>>, vector<1x128xf32>
    %add3A_34 = vector.broadcast %get3A_33 : vector<1x128xf32> to vector<400x128xf32>
    %add3A_35 = arith.addf %dot_general3A_30, %add3A_34 : vector<400x128xf32>
    %mul3A_36 = arith.constant 5.000000e-01 : f32
    %mul3A_37 = vector.broadcast %mul3A_36 : f32 to vector<400x128xf32>
    %mul3A_38 = arith.mulf %mul3A_37, %add3A_35 : vector<400x128xf32>
    %mul3A_39 = arith.constant 0.707106769 : f32
    %mul3A_40 = vector.broadcast %mul3A_39 : f32 to vector<400x128xf32>
    %mul3A_41 = arith.mulf %add3A_35, %mul3A_40 : vector<400x128xf32>
    %erf3A = math.erf %mul3A_41 : vector<400x128xf32>
    %add3A_42 = arith.constant 1.000000e+00 : f32
    %add3A_43 = vector.broadcast %add3A_42 : f32 to vector<400x128xf32>
    %add3A_44 = arith.addf %add3A_43, %erf3A : vector<400x128xf32>
    %mul3A_45 = arith.mulf %mul3A_38, %add3A_44 : vector<400x128xf32>
    %get3A_46 = arith.constant 0 : index
    %get3A_47 = arith.constant 0 : index
    %get3A_48 = vector.load %arg6[%get3A_46, %get3A_47] : memref<128x128xf32, #tpu.memory_space<vmem>>, vector<128x128xf32>
    %dot_general3A_49 = arith.constant dense<0.000000e+00> : vector<400x128xf32>
    %dot_general3A_50 = tpu.matmul %mul3A_45, %get3A_48, %dot_general3A_49 {dimension_numbers = #tpu.dot_dimension_numbers<[1], [0], [0], [1], [0, 0, 1, 1], [], []>, transpose_lhs_hint = false} : vector<400x128xf32>, vector<128x128xf32>, vector<400x128xf32> -> vector<400x128xf32>
    %get3A_51 = arith.constant 0 : index
    %get3A_52 = arith.constant 0 : index
    %get3A_53 = vector.load %arg7[%get3A_51, %get3A_52] : memref<1x128xf32, #tpu.memory_space<vmem>>, vector<1x128xf32>
    %add3A_54 = vector.broadcast %get3A_53 : vector<1x128xf32> to vector<400x128xf32>
    %add3A_55 = arith.addf %dot_general3A_50, %add3A_54 : vector<400x128xf32>
    %swap3A = arith.constant 0 : index
    %swap3A_56 = arith.constant 0 : index
    %swap3A_57 = vector.load %arg8[%swap3A, %swap3A_56] : memref<400x128xf32, #tpu.memory_space<vmem>>, vector<400x128xf32>
    tpu.vector_store %arg8[%swap3A, %swap3A_56], %add3A_55 {strides = array<i32>} : memref<400x128xf32, #tpu.memory_space<vmem>>, vector<400x128xf32>,
    return
  }
  func.func @transform_0(%arg0: i32) -> (i32, i32) {
    %c0_i32 = arith.constant 0 : i32
    %c0_i32_0 = arith.constant 0 : i32
    return %arg0, %c0_i32 : i32, i32
  }
  func.func @transform_1(%arg0: i32) -> (i32, i32) {
    %c0_i32 = arith.constant 0 : i32
    %c0_i32_0 = arith.constant 0 : i32
    %c0_i32_1 = arith.constant 0 : i32
    return %c0_i32, %c0_i32_0 : i32, i32
  }
  func.func @transform_2(%arg0: i32) -> (i32, i32) {
    %c0_i32 = arith.constant 0 : i32
    %c0_i32_0 = arith.constant 0 : i32
    %c0_i32_1 = arith.constant 0 : i32
    return %c0_i32, %c0_i32_0 : i32, i32
  }
  func.func @transform_3(%arg0: i32) -> (i32, i32) {
    %c0_i32 = arith.constant 0 : i32
    %c0_i32_0 = arith.constant 0 : i32
    %c0_i32_1 = arith.constant 0 : i32
    return %c0_i32, %c0_i32_0 : i32, i32
  }
  func.func @transform_4(%arg0: i32) -> (i32, i32) {
    %c0_i32 = arith.constant 0 : i32
    %c0_i32_0 = arith.constant 0 : i32
    %c0_i32_1 = arith.constant 0 : i32
    return %c0_i32, %c0_i32_0 : i32, i32
  }
  func.func @transform_5(%arg0: i32) -> (i32, i32) {
    %c0_i32 = arith.constant 0 : i32
    %c0_i32_0 = arith.constant 0 : i32
    %c0_i32_1 = arith.constant 0 : i32
    return %c0_i32, %c0_i32_0 : i32, i32
  }
  func.func @transform_6(%arg0: i32) -> (i32, i32) {
    %c0_i32 = arith.constant 0 : i32
    %c0_i32_0 = arith.constant 0 : i32
    %c0_i32_1 = arith.constant 0 : i32
    return %c0_i32, %c0_i32_0 : i32, i32
  }
  func.func @transform_7(%arg0: i32) -> (i32, i32) {
    %c0_i32 = arith.constant 0 : i32
    %c0_i32_0 = arith.constant 0 : i32
    return %arg0, %c0_i32 : i32, i32
  }
}

</mosaic_0001>

<sc_bundles>
// kernel: kernel.19.cloned.1.call-start
scs
__scs_entry_jumppad:
0x0: {  	(pc) =	sbr.rel $0x88, $3  }
0x1: {  	(tag) =	ssettag $0x0;
	lr =	simm.s32 $0x1  }
0x2: {  	[smem:$0x3F86] =	sst lr;
	_ =	strace $0xD0000000  }
0x3: {  	_ = 	snop  }
0x4: {  	_ = 	snop  }
0x5: {  	_ = 	snop  }
0x6: {  	_ = 	snop  }
0x7: {  	_ = 	snop  }
__scs_overlays_trampoline_lowered:
0x8: {  	[smem:$0x3F95] =	sst s0  }
0x9: {  	[smem:$0x3F96] =	sst s1  }
0xa: {  	[smem:$0x3F97] =	sst s2  }
0xb: {  	[smem:$0x3F98] =	sst s3  }
0xc: {  	[smem:$0x3F99] =	sst s4  }
0xd: {  	[smem:$0x3F9A] =	sst s5  }
0xe: {  	[smem:$0x3F9B] =	sst s6  }
0xf: {  	[smem:$0x3F9C] =	sst s7  }
0x10: {  	[smem:$0x3F9D] =	sst s8  }
0x11: {  	[smem:$0x3F9E] =	sst s9;
	s0 =	simm.s32 @!p0 $0x0  }
0x12: {  	s1 =	sld [smem:$0x3F84];
	s0 =	simm.s32 @p0 $0x1  }
0x13: {  	[smem:$0x3F9F] =	sst s0;
	s0 =	simm.s32 @!p1 $0x0  }
0x14: {  	s2 =	sld [smem:$0x3F83];
	s0 =	simm.s32 @p1 $0x1  }
0x15: {  	[smem:$0x3FA0] =	sst s0;
	s0 =	simm.s32 @!p2 $0x0  }
0x16: {  	s3 =	sld [smem:$0x3FDB];
	s0 =	simm.s32 @p2 $0x1  }
0x17: {  	s4 =	simm.s32 $0x1BF5;
	[smem:$0x3FA2] =	sst s0  }
0x18: {  	s0 =	sld [smem:$0x3F85];
	_ =	swait.ge [sflag:s4], $0x0  }
0x19: {  	s7 =	sld [smem:$0x3F86]  }
0x1a: {  	s8 =	sadd.s32 $0xFFFFE003, lr  }
0x1b: {  	s9 =	sadd.s32 $0xFFFFFEF7, lr;
	s5 =	simm.s32 $0xFFFFFFFF;
	p2 =	slt.u32 s8, $0xFFFFF086  }
0x1c: {  	p1 =	slt.u32 s9, $0xF7A;
	s5 =	simm.s32 @!p2 $0x0  }
0x1d: {  	s5 =	simm.s32 @p1 $0x1;
	p0 =	seq.s32 s7, s2  }
0x1e: {  	s7 =	smul.u32 @!p0 $0xF7A, s2;
	p2 =	seq.s32 @!p0 s5, $0x0  }
0x1f: {  	s9 =	smul.u32 $0xF7A, s1;
	s8 =	simm.s32 @!p0 $0x1BF5;
	p2 =	por !p2, p0  }
0x20: {  	[sflag:s8] =	ssyncset.s32 @!p0 $0xFFFFF086;
	s6 =	sadd.s32 @!p0 s3, s7;
	s7 =	simm.s32 @!p0 $0x108  }
0x21: {  	s3 =	sadd.s32 s3, s9;
	s6 =	sadd.s32 @!p0 $0x88, s6;
	s7 =	simm.s32 @p2 $0x1082  }
0x22: {  	[simem:s7], [sflag:s8] =	dma.local @!p0 [hbm:s6], $0xF7A  }
0x23: {  	s9 =	sor.u32 $0xD0000000, s2;
	s6 =	simm.s32 $0x108;
	_ =	swait.ge @!p0 [sflag:s8], $0x0  }
0x24: {  	s3 =	sadd.s32 $0x88, s3;
	s6 =	simm.s32 @!p1 $0x1082;
	[sflag:s4] =	ssyncset.s32 $0xFFFFF086  }
0x25: {  	[simem:s6], [sflag:s4] =	dma.local [hbm:s3], $0xF7A  }
0x26: {  	[smem:$0x3F86] =	sst s1;
	(tag) =	ssettag s2;
	_ =	strace s9  }
0x27: {  	s1 =	sld [smem:$0x3F96]  }
0x28: {  	s2 =	sld [smem:$0x3F97]  }
0x29: {  	s4 =	sld [smem:$0x3F99]  }
0x2a: {  	p0 =	seq.s32 s5, $0x0;
	s5 =	sld [smem:$0x3F9A]  }
0x2b: {  	s6 =	sld [smem:$0x3F9B]  }
0x2c: {  	s7 =	sld [smem:$0x3F9C]  }
0x2d: {  	s3 =	simm.s32 $0x108;
	s8 =	sld [smem:$0x3F9D]  }
0x2e: {  	s3 =	simm.s32 @!p0 $0x1082;
	s9 =	sld [smem:$0x3F9E]  }
0x2f: {  	lr =	sadd.s32 s0, s3;
	s0 =	sld [smem:$0x3F95]  }
0x30: {  	s3 =	sld [smem:$0x3F98]  }
0x31: {  	[smem:$0x3FA1] =	sst s10  }
0x32: {  	s10 =	sld [smem:$0x3F9F];
	_ =	sdelay $0x3  }
0x33: {  	p0 =	seq.s32 s10, $0x1;
	s10 =	sld [smem:$0x3FA1];
	_ =	sdelay $0x3  }
0x34: {  	[smem:$0x3FA1] =	sst s10  }
0x35: {  	s10 =	sld [smem:$0x3FA0];
	_ =	sdelay $0x3  }
0x36: {  	p1 =	seq.s32 s10, $0x1;
	s10 =	sld [smem:$0x3FA1];
	_ =	sdelay $0x3  }
0x37: {  	[smem:$0x3FA1] =	sst s10  }
0x38: {  	s10 =	sld [smem:$0x3FA2]  }
0x39: {  	_ = 	snop;
	(pc) =	sbr.ind lr, $3  }
0x3a: {  	_ = 	snop  }
0x3b: {  	_ = 	snop  }
0x3c: {  	p2 =	seq.s32 s10, $0x1;
	s10 =	sld [smem:$0x3FA1]  }
0x3d: {  	_ =	shalt  }
0x3e: {  	_ =	shalt  }
0x3f: {  	_ =	shalt  }
0x40: {  	_ =	shalt  }
0x41: {  	_ =	shalt  }
0x42: {  	_ =	shalt  }
0x43: {  	_ =	shalt  }
0x44: {  	_ =	shalt  }
0x45: {  	_ =	shalt  }
0x46: {  	_ =	shalt  }
0x47: {  	_ =	shalt  }
0x48: {  	_ =	shalt  }
0x49: {  	_ =	shalt  }
0x4a: {  	_ =	shalt  }
0x4b: {  	_ =	shalt  }
0x4c: {  	_ =	shalt  }
0x4d: {  	_ =	shalt  }
0x4e: {  	_ =	shalt  }
0x4f: {  	_ =	shalt  }
0x50: {  	_ =	shalt  }
0x51: {  	_ =	shalt  }
0x52: {  	_ =	shalt  }
0x53: {  	_ =	shalt  }
0x54: {  	_ =	shalt  }
0x55: {  	_ =	shalt  }
0x56: {  	_ =	shalt  }
0x57: {  	_ =	shalt  }
0x58: {  	_ =	shalt  }
0x59: {  	_ =	shalt  }
0x5a: {  	_ =	shalt  }
0x5b: {  	_ =	shalt  }
0x5c: {  	_ =	shalt  }
0x5d: {  	_ =	shalt  }
0x5e: {  	_ =	shalt  }
0x5f: {  	_ =	shalt  }
0x60: {  	_ =	shalt  }
0x61: {  	_ =	shalt  }
0x62: {  	_ =	shalt  }
0x63: {  	_ =	shalt  }
0x64: {  	_ =	shalt  }
0x65: {  	_ =	shalt  }
0x66: {  	_ =	shalt  }
0x67: {  	_ =	shalt  }
0x68: {  	_ =	shalt  }
0x69: {  	_ =	shalt  }
0x6a: {  	_ =	shalt  }
0x6b: {  	_ =	shalt  }
0x6c: {  	_ =	shalt  }
0x6d: {  	_ =	shalt  }
0x6e: {  	_ =	shalt  }
0x6f: {  	_ =	shalt  }
0x70: {  	_ =	shalt  }
0x71: {  	_ =	shalt  }
0x72: {  	_ =	shalt  }
0x73: {  	_ =	shalt  }
0x74: {  	_ =	shalt  }
0x75: {  	_ =	shalt  }
0x76: {  	_ =	shalt  }
0x77: {  	_ =	shalt  }
0x78: {  	_ =	shalt  }
0x79: {  	_ =	shalt  }
0x7a: {  	_ =	shalt  }
0x7b: {  	_ =	shalt  }
0x7c: {  	_ =	shalt  }
0x7d: {  	_ =	shalt  }
0x7e: {  	_ =	shalt  }
0x7f: {  	_ =	shalt  }
0x80: {  	_ =	shalt  }
0x81: {  	_ =	shalt  }
0x82: {  	_ =	shalt  }
0x83: {  	_ =	shalt  }
0x84: {  	_ =	shalt  }
0x85: {  	_ =	shalt  }
0x86: {  	_ =	shalt  }
0x87: {  	_ =	shalt  }
.Lfunc_end0:
.L_simem_size_0:
called_computation_lowered:
.L_overlay_start_0:
0x88: {  	s2 =	sld [smem:$0x3FD9]  }
0x89: {  	s3 =	sld [smem:$0x3FFE];
	_ =	sdelay $0x1  }
0x8a: {  	s1 =	srdreg.scid  }
0x8b: {  	s0 =	sand.u32 $0x1, s1  }
0x8c: {  	s17 =	sshll.u32 s0, $0xA;
	s2 =	sadd.s32 s3, s2  }
0x8d: {  	s2 =	sadd.s32 s2, s17  }
0x8e: {  	[smem:$0x3FAD] =	sst s2  }
0x8f: {  	_ = 	snop  }
0x90: {  	s2 =	sld [smem:$0x3FD0];
	(tm) =	ssettm $0x1  }
0x91: {  	s18 =	sld [smem:$0x3FFB];
	_ =	sdelay $0x3  }
0x92: {  	_ =	strace s18  }
0x93: {  	s3 =	sld [smem:$0x3FFC];
	_ =	sdelay $0x3  }
0x94: {  	_ =	strace s3  }
0x95: {  	s3 =	sld [smem:$0x3FFD];
	_ =	sdelay $0x3  }
0x96: {  	_ =	strace s3  }
0x97: {  	_ =	strace $0x8FFFFFFF  }
0x98: {  	s19 =	sld [smem:$0x3FDB];
	_ =	sdelay $0x1  }
0x99: {  	s4 =	simm.s32 $_scs_section_size  }
0x9a: {  	s5 =	simm.s32 $_size__tile_overlayer_lowered;
	s6 =	simm.s32 $_tile_overlayer_lowered  }
0x9b: {  	s22 =	simm.s32 $0x1BFF;
	s21 =	sshll.u32 s6, $0x1;
	s3 =	sadd.s32 s4, s19  }
0x9c: {  	s7 =	simm.s32 $0x0;
	s20 =	sshll.u32 s5, $0x1;
	s5 =	sadd.s32 s21, s3  }
0x9d: {  	[timem:s7], [sflag:s22] =	dma.local [hbm:s5], s20  }
0x9e: {  	_ =	swait.ge [sflag:s22], s20  }
0x9f: {  	s4 =	ssub.s32 $0x0, s20;
	[sflag:s22] =	ssyncset.done $0x0  }
0xa0: {  	[sflag:s22] =	ssyncadd.s32 s4;
	_ =	sdelay $0x1  }
0xa1: {  	s23 =	simm.s32 $0x1B8B  }
0xa2: {  	_ =	swait.ge [sflag:s23], $0x1  }
0xa3: {  	[sflag:s23] =	ssyncset.done $0x0  }
0xa4: {  	s25 =	simm.s32 $0x1B8E;
	s24 =	sld [smem:$0x3FFE];
	[sflag:s23] =	ssyncadd.s32 $0xFFFFFFFF  }
0xa5: {  	s26 =	simm.s32 $execute0_lowered;
	[smem:$0x3FD2] =	sst s25  }
0xa6: {  	s5 =	sshll.u32 s26, $0x1;
	_ =	strace $0x80000046;
	[dreg:$0x1] =	wrdreg $0xFFFFFFFF  }
0xa7: {  	s28 =	simm.s32 $_size_execute0_lowered;
	s3 =	sadd.s32 s3, s5;
	[dreg:$0x0] =	wrdreg $0x0  }
0xa8: {  	s5 =	sshll.u32 s28, $0x1;
	[dreg:$0x2] =	wrdreg s3  }
0xa9: {  	[dreg:$0x3] =	wrdreg s5  }
0xaa: {  	[dreg:$0x4] =	wrdreg $0xC0  }
0xab: {  	_ =	task [dreg:s7], $0x5FFFF  }
0xac: {  	[dreg:$0x1] =	wrdreg $0xFFFFFFFF  }
0xad: {  	[dreg:$0x0] =	wrdreg $0x60  }
0xae: {  	[dreg:$0x2] =	wrdreg s24  }
0xaf: {  	[dreg:$0x3] =	wrdreg s2  }
0xb0: {  	[dreg:$0x4] =	wrdreg $0x44800  }
0xb1: {  	[dreg:$0x5] =	wrdreg $0x9  }
0xb2: {  	_ =	task.clear_ibuf [dreg:s7], $0x6FFFF;
	_ =	strace $0x90000046  }
0xb3: {  	s29 =	simm.s32 $0x9;
	_ =	strace $0x80000048  }
0xb4: {  	_ =	swait.ge [sflag:s29], $0x1  }
0xb5: {  	[sflag:s29] =	ssyncadd.s32 $0xFFFFFFFF  }
0xb6: {  	_ =	strace $0x90000048  }
0xb7: {  	_ =	sfence  }
0xb8: {  	s30 =	sld [smem:$0x0];
	_ =	sdelay $0x2  }
0xb9: {  	s31 =	sshll.u32 s1, $0xD;
	s1 =	sshrl.u32 s1, $0x2  }
0xba: {  	s3 =	sand.u32 $0x4000, s31;
	s1 =	sadd.s32 s1, s30  }
0xbb: {  	s0 =	sor.u32 s3, s0;
	s1 =	sshll.u32 s1, $0x11  }
0xbc: {  	s0 =	sor.u32 s1, s0  }
0xbd: {  	s0 =	sadd.s32 $0x8F2B, s0  }
0xbe: {  	[sflag:s0] =	ssyncadd.remote.s32 $0x1  }
0xbf: {  	_ =	sfence.sel $0xFFFF  }
0xc0: {  	[dreg:$0x0] =	wrdreg $0xFFFFFFFF;
	(pc) =	sbr.abs _section_cstart, $3  }
0xc1: {  	[dreg:$0x1] =	wrdreg $0xFFFFFFFF  }
0xc2: {  	_ =	task.clear_ibuf [dreg:s7], $0x2FFFF;
	_ =	strace $0x9FFFFFFF  }
0xc3: {  	(tm) =	ssettm $0x7FFFFFFF  }
tec
execute0_lowered:
.L_overlay_start_1:
0x0: {  	(tag) =	ssettag $0x1  }
0x1: {  	s11 =	rddreg [dreg:$0x0]  }
0x2: {  	s1 =	rddreg [dreg:$0x1]  }
0x3: {  	s2 =	rddreg [dreg:$0x2]  }
0x4: {  	s0 =	rddreg [dreg:$0x3];
	s3 =	simm.s32 $0x0  }
0x5: {  	s9 =	srdreg.scid;
	s14 =	stileid.u32;
	s16 =	simm.s32 $0x2  }
0x6: {  	s17 =	simm.s32 $0x80;
	s18 =	simm.s32 $0x100;
	s19 =	simm.s32 $0x1  }
0x7: {  	s20 =	simm.s32 $0x180;
	s21 =	simm.s32 $0x200;
	s22 =	simm.s32 $0x280  }
0x8: {  	s23 =	simm.s32 $0x300;
	s24 =	simm.s32 $0x380;
	s25 =	simm.s32 $0x400  }
0x9: {  	s26 =	simm.s32 $0x0;
	[smem:$0x7FF] =	sst s3;
	s4 =	sadd.s32 $0x1DC00, s11  }
0xa: {  	s5 =	sadd.s32 $0x1D600, s11;
	s6 =	sadd.s32 $0x1D000, s11;
	s7 =	sadd.s32 $0x13200, s11  }
0xb: {  	s8 =	sadd.s32 $0x9400, s11;
	s12 =	sand.u32 $0x1, s9;
	s9 =	sadd.s32 $0x1E200, s11  }
0xc: {  	s10 =	sadd.s32 $0x45400, s11;
	p0 =	sne.s32 s14, $0x0;
	_ =	strace $0x80000047  }
0xd: {  	s13 =	smul.u32 $0x27180, s12;
	s15 =	ssub.s32 $0x2, s12;
	s12 =	sshll.u32 s12, $0x4  }
0xe: {  	s31 =	sshrl.u32 s15, $0x1;
	s12 =	sor.u32 s14, s12;
	s14 =	sshrl.u32 @!p0 s2, $0x3  }
0xf: {  	s13 =	sadd.s32 s13, s11;
	s15 =	ssub.s32 s15, s31;
	s11 =	smul.u32 $0x2710, s12  }
0x10: {  	s12 =	sadd.s32 $0x4F200, s13;
	s13 =	smax.u32 s15, $0x1;
	s15 =	simm.s32 $0x480  }
.LBB2_1:
0x11: {  	s28 =	simm.s32 @!p0 $0x1C02  }
0x12: {  	[spmem:s14], [sflag:s28] =	dma.local @!p0 [hbm:s9], $0x27180  }
0x13: {  	s28 =	simm.s32 @!p0 $0x2  }
0x14: {  	_ =	swait.ge @!p0 [sflag:s28], $0x27180  }
0x15: {  	[sflag:s28] =	ssyncset.done @!p0 $0x0  }
0x16: {  	[sflag:s28] =	ssyncadd.s32 @!p0 $0xFFFD8E80  }
0x17: {  	[tilespmem:s15], [sflag:$0x2] =	stream.linear.gather [hbm4b:s1+s3], $0x4000, $0x38;
	[tilespmem:$0x17D40] =	vst v63  }
0x18: {  	_ =	swait.ge [sflag:s16], $0x4000  }
0x19: {  	[sflag:s16] =	ssyncset.done $0x0  }
0x1a: {  	[sflag:s16] =	ssyncadd.s32 $0xFFFFC000  }
0x1b: {  	s28 =	simm.s32 $0x0;
	[bflag:$0x0] =	sbarrier.arrive $0xFFFF  }
.LBB2_2:
0x1c: {  	s29 =	smin.u32 s28, $0x2690  }
0x1d: {  	s29 =	sadd.s32 s11, s29  }
0x1e: {  	s29 =	sshrl.u32 s29, $0x3  }
0x1f: {  	s30 =	sadd.s32 s7, s29  }
0x20: {  	[tilespmem:s3], [sflag:$0x2] =	stream.linear.gather [hbm4b:s30+s3], $0x80, $0x38;
	[tilespmem:$0x17D40] =	vst v63  }
0x21: {  	_ =	swait.ge [sflag:s16], $0x80  }
0x22: {  	[sflag:s16] =	ssyncset.done $0x0  }
0x23: {  	s31 =	sadd.s32 s8, s29;
	[sflag:s16] =	ssyncadd.s32 $0xFFFFFF80  }
0x24: {  	[tilespmem:s17], [sflag:$0x2] =	stream.linear.gather [hbm4b:s31+s3], $0x80, $0x38;
	[tilespmem:$0x17D40] =	vst v63  }
0x25: {  	_ =	swait.ge [sflag:s16], $0x80  }
0x26: {  	[sflag:s16] =	ssyncset.done $0x0  }
0x27: {  	[sflag:s16] =	ssyncadd.s32 $0xFFFFFF80  }
0x28: {  	[tilespmem:s18], [sflag:$0x1] =	stream.indirect.gather [hbm4b:s4+s17], $0x1, s3, s17, $0xb8;
	[tilespmem:$0x17D40] =	vst v63  }
0x29: {  	_ =	swait.ge [sflag:s19], $0x80  }
0x2a: {  	[sflag:s19] =	ssyncset.done $0x0  }
0x2b: {  	[sflag:s19] =	ssyncadd.s32 $0xFFFFFF80  }
0x2c: {  	[tilespmem:s20], [sflag:$0x1] =	stream.indirect.gather [hbm4b:s5+s17], $0x1, s3, s17, $0xb8;
	[tilespmem:$0x17D40] =	vst v63  }
0x2d: {  	_ =	swait.ge [sflag:s19], $0x80  }
0x2e: {  	[sflag:s19] =	ssyncset.done $0x0  }
0x2f: {  	[sflag:s19] =	ssyncadd.s32 $0xFFFFFF80  }
0x30: {  	[tilespmem:s21], [sflag:$0x1] =	stream.indirect.gather [hbm4b:s6+s17], $0x1, s3, s17, $0xb8;
	[tilespmem:$0x17D40] =	vst v63  }
0x31: {  	_ =	swait.ge [sflag:s19], $0x80  }
0x32: {  	[sflag:s19] =	ssyncset.done $0x0  }
0x33: {  	[sflag:s19] =	ssyncadd.s32 $0xFFFFFF80  }
0x34: {  	[tilespmem:s22], [sflag:$0x1] =	stream.indirect.gather [hbm4b:s4+s17], $0x1, s17, s17, $0xb8;
	[tilespmem:$0x17D40] =	vst v63  }
0x35: {  	_ =	swait.ge [sflag:s19], $0x80  }
0x36: {  	[sflag:s19] =	ssyncset.done $0x0  }
0x37: {  	[sflag:s19] =	ssyncadd.s32 $0xFFFFFF80  }
0x38: {  	[tilespmem:s23], [sflag:$0x1] =	stream.indirect.gather [hbm4b:s5+s17], $0x1, s17, s17, $0xb8;
	[tilespmem:$0x17D40] =	vst v63  }
0x39: {  	_ =	swait.ge [sflag:s19], $0x80  }
0x3a: {  	[sflag:s19] =	ssyncset.done $0x0  }
0x3b: {  	[sflag:s19] =	ssyncadd.s32 $0xFFFFFF80  }
0x3c: {  	[tilespmem:s24], [sflag:$0x1] =	stream.indirect.gather [hbm4b:s6+s17], $0x1, s17, s17, $0xb8;
	[tilespmem:$0x17D40] =	vst v63  }
0x3d: {  	_ =	swait.ge [sflag:s19], $0x80  }
0x3e: {  	[sflag:s19] =	ssyncset.done $0x0  }
0x3f: {  	[sflag:s19] =	ssyncadd.s32 $0xFFFFFF80  }
0x40: {  	v0 =	vld [tilespmem:$0x100]  }
0x41: {  	v1 =	vld [tilespmem:$0x280]  }
0x42: {  	v2 =	vld [tilespmem:$0x180]  }
0x43: {  	v3 =	vld [tilespmem:$0x300]  }
0x44: {  	v4 =	vld [tilespmem:$0x200]  }
0x45: {  	v5 =	vld [tilespmem:$0x380]  }
0x46: {  	v6 =	vld [tilespmem:$0x110]  }
0x47: {  	v7 =	vld [tilespmem:$0x290]  }
0x48: {  	v8 =	vld [tilespmem:$0x190]  }
0x49: {  	v9 =	vld [tilespmem:$0x310]  }
0x4a: {  	v10 =	vld [tilespmem:$0x210]  }
0x4b: {  	v11 =	vld [tilespmem:$0x390]  }
0x4c: {  	v12 =	vld [tilespmem:$0x120]  }
0x4d: {  	v13 =	vld [tilespmem:$0x2A0]  }
0x4e: {  	v14 =	vld [tilespmem:$0x1A0]  }
0x4f: {  	v15 =	vld [tilespmem:$0x320]  }
0x50: {  	v16 =	vld [tilespmem:$0x220]  }
0x51: {  	v17 =	vld [tilespmem:$0x3A0]  }
0x52: {  	v18 =	vld [tilespmem:$0x130]  }
0x53: {  	v19 =	vld [tilespmem:$0x2B0]  }
0x54: {  	v20 =	vld [tilespmem:$0x1B0]  }
0x55: {  	v21 =	vld [tilespmem:$0x330]  }
0x56: {  	v22 =	vld [tilespmem:$0x230]  }
0x57: {  	v23 =	vld [tilespmem:$0x3B0]  }
0x58: {  	v24 =	vld [tilespmem:$0x140]  }
0x59: {  	v25 =	vld [tilespmem:$0x2C0]  }
0x5a: {  	v26 =	vld [tilespmem:$0x1C0]  }
0x5b: {  	v55 =	vld [tilespmem:$0x340]  }
0x5c: {  	v56 =	vld [tilespmem:$0x240]  }
0x5d: {  	v57 =	vld [tilespmem:$0x3C0]  }
0x5e: {  	v27 =	vld [tilespmem:$0x150]  }
0x5f: {  	v59 =	vld [tilespmem:$0x2D0]  }
0x60: {  	v62 =	vld [tilespmem:$0x250];
	v0 =	vsub.f32 v0, v1  }
0x61: {  	v30 =	vld [tilespmem:$0x3D0];
	v54 =	vsub.f32 v2, v3;
	v4 =	vsub.f32 v4, v5  }
0x62: {  	v33 =	vld [tilespmem:$0x160];
	v6 =	vsub.f32 v6, v7;
	v61 =	vsub.f32 v8, v9  }
0x63: {  	v35 =	vld [tilespmem:$0x2E0];
	v63 =	vsub.f32 v10, v11;
	v29 =	vsub.f32 v12, v13  }
0x64: {  	v37 =	vld [tilespmem:$0x1E0];
	v31 =	vsub.f32 v14, v15;
	v32 =	vsub.f32 v16, v17  }
0x65: {  	v40 =	vld [tilespmem:$0x360];
	v34 =	vsub.f32 v18, v19;
	v36 =	vsub.f32 v20, v21  }
0x66: {  	v50 =	vld [tilespmem:$0x1F0];
	v44 =	vsub.f32 v22, v23;
	v48 =	vsub.f32 v24, v25;
	v0 =	vmul.f32 v0, v0  }
0x67: {  	v52 =	vld [tilespmem:$0x370];
	v2 =	vsub.f32 v26, v55;
	v1 =	vmul.f32 v54, v54;
	v58 =	vmul.f32 v4, v4  }
0x68: {  	v28 =	vld [tilespmem:$0x1D0];
	v3 =	vsub.f32 v56, v57;
	v6 =	vmul.f32 v6, v6;
	v7 =	vmul.f32 v61, v61  }
0x69: {  	v60 =	vld [tilespmem:$0x350];
	v8 =	vsub.f32 v62, v30;
	v10 =	vmul.f32 v29, v29;
	v12 =	vmul.f32 v31, v31  }
0x6a: {  	v43 =	vld [tilespmem:$0x260];
	v55 =	vsub.f32 v33, v35;
	v38 =	vmul.f32 v63, v63;
	v39 =	vmul.f32 v32, v32  }
0x6b: {  	v47 =	vld [tilespmem:$0x170];
	v56 =	vsub.f32 v37, v40;
	v41 =	vmul.f32 v34, v34;
	v42 =	vmul.f32 v36, v36  }
0x6c: {  	v49 =	vld [tilespmem:$0x2F0];
	v57 =	vsub.f32 v50, v52;
	v51 =	vmul.f32 v48, v48;
	v2 =	vmul.f32 v2, v2  }
0x6d: {  	v53 =	vld [tilespmem:$0x270];
	v4 =	vsub.f32 v27, v59;
	v3 =	vmul.f32 v3, v3;
	v8 =	vmul.f32 v8, v8  }
0x6e: {  	v54 =	vld [tilespmem:$0x3F0];
	v11 =	vmul.f32 v56, v56;
	v0 =	vadd.f32 v1, v0;
	v6 =	vadd.f32 v7, v6  }
0x6f: {  	v45 =	vld [tilespmem:$0x3E0];
	v10 =	vadd.f32 v12, v10;
	v46 =	vadd.f32 v42, v41;
	v7 =	vmul.f32 v44, v44  }
0x70: {  	v1 =	vsub.f32 v28, v60;
	v4 =	vmul.f32 v4, v4;
	v2 =	vadd.f32 v2, v51  }
0x71: {  	v12 =	vsub.f32 v47, v49;
	v60 =	vmul.f32 v57, v57;
	v0 =	vadd.f32 v58, v0  }
0x72: {  	v6 =	vadd.f32 v38, v6;
	v9 =	vadd.f32 v39, v10;
	v1 =	vmul.f32 v1, v1  }
0x73: {  	v7 =	vadd.f32 v7, v46;
	v59 =	vmul.f32 v12, v12;
	v5 =	vsub.f32 v53, v54;
	[tilespmem:$0x400] =	vst v0  }
0x74: {  	v58 =	vsub.f32 v43, v45;
	v1 =	vadd.f32 v1, v4;
	v4 =	vmul.f32 v55, v55;
	[tilespmem:$0x410] =	vst v6  }
0x75: {  	v2 =	vadd.f32 v3, v2;
	[tilespmem:$0x420] =	vst v9;
	v62 =	vadd.f32 v60, v59;
	v5 =	vmul.f32 v5, v5  }
0x76: {  	v0 =	vmul.f32 v58, v58;
	[tilespmem:$0x430] =	vst v7;
	v61 =	vadd.f32 v11, v4;
	v1 =	vadd.f32 v8, v1  }
0x77: {  	[tilespmem:$0x440] =	vst v2;
	v63 =	vadd.f32 v5, v62  }
0x78: {  	v0 =	vadd.f32 v0, v61;
	[tilespmem:$0x450] =	vst v1  }
0x79: {  	[tilespmem:$0x470] =	vst v63  }
0x7a: {  	s29 =	sadd.s32 s10, s29;
	[tilespmem:$0x460] =	vst v0  }
0x7b: {  	[hbm4b:s29+s3] =	stream.linear.scatter [tilespmem:s25], [sflag:$0x2], $0x80, $0x38;
	[tilespmem:$0x17D40] =	vst v63  }
0x7c: {  	_ =	swait.ge [sflag:s16], $0x80  }
0x7d: {  	p1 =	sne.s32 s28, $0x2700;
	[sflag:s16] =	ssyncset.done $0x0  }
0x7e: {  	v0 =	vimm.s32 @!p1 $0x2710;
	[sflag:s16] =	ssyncadd.s32 $0xFFFFFF80  }
0x7f: {  	[tilespmem:$0x0] =	vst @!p1 v0  }
0x80: {  	[tilespmem:$0x10] =	vst @!p1 v0  }
0x81: {  	[tilespmem:$0x20] =	vst @!p1 v0  }
0x82: {  	[tilespmem:$0x30] =	vst @!p1 v0  }
0x83: {  	[tilespmem:$0x40] =	vst @!p1 v0  }
0x84: {  	s28 =	sadd.s32 $0x80, s28;
	[tilespmem:$0x50] =	vst @!p1 v0  }
0x85: {  	[tilespmem:$0x60] =	vst @!p1 v0;
	p1 =	sne.s32 s28, $0x2780  }
.Ltmp0:
0x86: {  	_ = 	snop;
	(pc) =	sbr.rel @p1 .LBB2_2-.Ltmp0, $4  }
0x87: {  	[spmem:s2] =	stream.indirect.scatter.add.f32 [tilespmem:s15], [sflag:$0x2], $0x80, s3, s17, $0xb8;
	[tilespmem:$0x17D40] =	vst v63  }
0x88: {  	_ =	swait.ge [sflag:s16], $0x4000  }
0x89: {  	[sflag:s16] =	ssyncset.done $0x0  }
0x8a: {  	[sflag:s16] =	ssyncadd.s32 $0xFFFFC000  }
0x8b: {  	[bflag:$0x0] =	sbarrier.arrive $0xFFFF;
	s28 =	simm.s32 @!p0 $0x1C02;
	s26 =	sadd.s32 $0x1, s26  }
0x8c: {  	[hbm:s12], [sflag:s28] =	dma.local @!p0 [spmem:s14], $0x27180  }
0x8d: {  	p1 =	sne.s32 s26, s13  }
.Ltmp1:
0x8e: {  	_ = 	snop;
	(pc) =	sbr.rel @p1 .LBB2_1-.Ltmp1, $4  }
0x8f: {  	s28 =	simm.s32 @!p0 $0x2  }
0x90: {  	_ =	swait.ge @!p0 [sflag:s28], $0x27180  }
0x91: {  	[sflag:s28] =	ssyncset.done @!p0 $0x0  }
0x92: {  	[sflag:s28] =	ssyncadd.s32 @!p0 $0xFFFD8E80  }
0x93: {  	_ =	sfence.sel $0x180000  }
0x94: {  	[bflag:$0x0] =	sbarrier.arrive $0xFFFF  }
0x95: {  	_ =	strace $0x90000047  }
0x96: {  	s0 =	sadd.s32 @!p0 $0x100000, s0;
	[bflag:$0x2] =	sbarrier.arrive $0xFFFF  }
0x97: {  	[sflag:s0] =	ssyncadd.tile.s32 @!p0 $0x1;
	_ =	shalt  }
.Lfunc_end2:
_tile_overlayer_lowered:
.L_overlay_start_2:
0x98: {  	(tag) =	ssettag $0x2  }
0x99: {  	s0 =	rddreg [dreg:$0x0];
	s2 =	stileid.u32  }
0x9a: {  	s1 =	rddreg [dreg:$0x1];
	p0 =	sne.s32 s2, $0x0  }
0x9b: {  	s3 =	rddreg [dreg:$0x2];
	[bflag:$0x3] =	sbarrier.arrive $0xFFFF;
	s2 =	simm.s32 @!p0 $0x1C02  }
0x9c: {  	[timem:s3], [sflag:s2] =	dma.local @!p0 [hbm:s0], s1  }
0x9d: {  	s0 =	simm.s32 @!p0 $0x2  }
0x9e: {  	_ =	swait.ge @!p0 [sflag:s0], s1  }
0x9f: {  	s1 =	ssub.s32 @!p0 $0x0, s1;
	[sflag:s0] =	ssyncset.done @!p0 $0x0  }
0xa0: {  	[sflag:s0] =	ssyncadd.s32 @!p0 s1  }
0xa1: {  	[bflag:$0x3] =	sbarrier.arrive $0xFFFF  }
0xa2: {  	_ =	shalt  }

// kernel: kernel.22.cloned.1.call-start
scs
__scs_entry_jumppad:
0x0: {  	(pc) =	sbr.rel $0x88, $3  }
0x1: {  	(tag) =	ssettag $0x0;
	lr =	simm.s32 $0x1  }
0x2: {  	[smem:$0x3F86] =	sst lr;
	_ =	strace $0xD0000000  }
0x3: {  	_ = 	snop  }
0x4: {  	_ = 	snop  }
0x5: {  	_ = 	snop  }
0x6: {  	_ = 	snop  }
0x7: {  	_ = 	snop  }
__scs_overlays_trampoline_lowered:
0x8: {  	[smem:$0x3F95] =	sst s0  }
0x9: {  	[smem:$0x3F96] =	sst s1  }
0xa: {  	[smem:$0x3F97] =	sst s2  }
0xb: {  	[smem:$0x3F98] =	sst s3  }
0xc: {  	[smem:$0x3F99] =	sst s4  }
0xd: {  	[smem:$0x3F9A] =	sst s5  }
0xe: {  	[smem:$0x3F9B] =	sst s6  }
0xf: {  	[smem:$0x3F9C] =	sst s7  }
0x10: {  	[smem:$0x3F9D] =	sst s8  }
0x11: {  	[smem:$0x3F9E] =	sst s9;
	s0 =	simm.s32 @!p0 $0x0  }
0x12: {  	s1 =	sld [smem:$0x3F84];
	s0 =	simm.s32 @p0 $0x1  }
0x13: {  	[smem:$0x3F9F] =	sst s0;
	s0 =	simm.s32 @!p1 $0x0  }
0x14: {  	s2 =	sld [smem:$0x3F83];
	s0 =	simm.s32 @p1 $0x1  }
0x15: {  	[smem:$0x3FA0] =	sst s0;
	s0 =	simm.s32 @!p2 $0x0  }
0x16: {  	s3 =	sld [smem:$0x3FDB];
	s0 =	simm.s32 @p2 $0x1  }
0x17: {  	s4 =	simm.s32 $0x1BF5;
	[smem:$0x3FA2] =	sst s0  }
0x18: {  	s0 =	sld [smem:$0x3F85];
	_ =	swait.ge [sflag:s4], $0x0  }
0x19: {  	s7 =	sld [smem:$0x3F86]  }
0x1a: {  	s8 =	sadd.s32 $0xFFFFE003, lr  }
0x1b: {  	s9 =	sadd.s32 $0xFFFFFEF7, lr;
	s5 =	simm.s32 $0xFFFFFFFF;
	p2 =	slt.u32 s8, $0xFFFFF086  }
0x1c: {  	p1 =	slt.u32 s9, $0xF7A;
	s5 =	simm.s32 @!p2 $0x0  }
0x1d: {  	s5 =	simm.s32 @p1 $0x1;
	p0 =	seq.s32 s7, s2  }
0x1e: {  	s7 =	smul.u32 @!p0 $0xF7A, s2;
	p2 =	seq.s32 @!p0 s5, $0x0  }
0x1f: {  	s9 =	smul.u32 $0xF7A, s1;
	s8 =	simm.s32 @!p0 $0x1BF5;
	p2 =	por !p2, p0  }
0x20: {  	[sflag:s8] =	ssyncset.s32 @!p0 $0xFFFFF086;
	s6 =	sadd.s32 @!p0 s3, s7;
	s7 =	simm.s32 @!p0 $0x108  }
0x21: {  	s3 =	sadd.s32 s3, s9;
	s6 =	sadd.s32 @!p0 $0x88, s6;
	s7 =	simm.s32 @p2 $0x1082  }
0x22: {  	[simem:s7], [sflag:s8] =	dma.local @!p0 [hbm:s6], $0xF7A  }
0x23: {  	s9 =	sor.u32 $0xD0000000, s2;
	s6 =	simm.s32 $0x108;
	_ =	swait.ge @!p0 [sflag:s8], $0x0  }
0x24: {  	s3 =	sadd.s32 $0x88, s3;
	s6 =	simm.s32 @!p1 $0x1082;
	[sflag:s4] =	ssyncset.s32 $0xFFFFF086  }
0x25: {  	[simem:s6], [sflag:s4] =	dma.local [hbm:s3], $0xF7A  }
0x26: {  	[smem:$0x3F86] =	sst s1;
	(tag) =	ssettag s2;
	_ =	strace s9  }
0x27: {  	s1 =	sld [smem:$0x3F96]  }
0x28: {  	s2 =	sld [smem:$0x3F97]  }
0x29: {  	s4 =	sld [smem:$0x3F99]  }
0x2a: {  	p0 =	seq.s32 s5, $0x0;
	s5 =	sld [smem:$0x3F9A]  }
0x2b: {  	s6 =	sld [smem:$0x3F9B]  }
0x2c: {  	s7 =	sld [smem:$0x3F9C]  }
0x2d: {  	s3 =	simm.s32 $0x108;
	s8 =	sld [smem:$0x3F9D]  }
0x2e: {  	s3 =	simm.s32 @!p0 $0x1082;
	s9 =	sld [smem:$0x3F9E]  }
0x2f: {  	lr =	sadd.s32 s0, s3;
	s0 =	sld [smem:$0x3F95]  }
0x30: {  	s3 =	sld [smem:$0x3F98]  }
0x31: {  	[smem:$0x3FA1] =	sst s10  }
0x32: {  	s10 =	sld [smem:$0x3F9F];
	_ =	sdelay $0x3  }
0x33: {  	p0 =	seq.s32 s10, $0x1;
	s10 =	sld [smem:$0x3FA1];
	_ =	sdelay $0x3  }
0x34: {  	[smem:$0x3FA1] =	sst s10  }
0x35: {  	s10 =	sld [smem:$0x3FA0];
	_ =	sdelay $0x3  }
0x36: {  	p1 =	seq.s32 s10, $0x1;
	s10 =	sld [smem:$0x3FA1];
	_ =	sdelay $0x3  }
0x37: {  	[smem:$0x3FA1] =	sst s10  }
0x38: {  	s10 =	sld [smem:$0x3FA2]  }
0x39: {  	_ = 	snop;
	(pc) =	sbr.ind lr, $3  }
0x3a: {  	_ = 	snop  }
0x3b: {  	_ = 	snop  }
0x3c: {  	p2 =	seq.s32 s10, $0x1;
	s10 =	sld [smem:$0x3FA1]  }
0x3d: {  	_ =	shalt  }
0x3e: {  	_ =	shalt  }
0x3f: {  	_ =	shalt  }
0x40: {  	_ =	shalt  }
0x41: {  	_ =	shalt  }
0x42: {  	_ =	shalt  }
0x43: {  	_ =	shalt  }
0x44: {  	_ =	shalt  }
0x45: {  	_ =	shalt  }
0x46: {  	_ =	shalt  }
0x47: {  	_ =	shalt  }
0x48: {  	_ =	shalt  }
0x49: {  	_ =	shalt  }
0x4a: {  	_ =	shalt  }
0x4b: {  	_ =	shalt  }
0x4c: {  	_ =	shalt  }
0x4d: {  	_ =	shalt  }
0x4e: {  	_ =	shalt  }
0x4f: {  	_ =	shalt  }
0x50: {  	_ =	shalt  }
0x51: {  	_ =	shalt  }
0x52: {  	_ =	shalt  }
0x53: {  	_ =	shalt  }
0x54: {  	_ =	shalt  }
0x55: {  	_ =	shalt  }
0x56: {  	_ =	shalt  }
0x57: {  	_ =	shalt  }
0x58: {  	_ =	shalt  }
0x59: {  	_ =	shalt  }
0x5a: {  	_ =	shalt  }
0x5b: {  	_ =	shalt  }
0x5c: {  	_ =	shalt  }
0x5d: {  	_ =	shalt  }
0x5e: {  	_ =	shalt  }
0x5f: {  	_ =	shalt  }
0x60: {  	_ =	shalt  }
0x61: {  	_ =	shalt  }
0x62: {  	_ =	shalt  }
0x63: {  	_ =	shalt  }
0x64: {  	_ =	shalt  }
0x65: {  	_ =	shalt  }
0x66: {  	_ =	shalt  }
0x67: {  	_ =	shalt  }
0x68: {  	_ =	shalt  }
0x69: {  	_ =	shalt  }
0x6a: {  	_ =	shalt  }
0x6b: {  	_ =	shalt  }
0x6c: {  	_ =	shalt  }
0x6d: {  	_ =	shalt  }
0x6e: {  	_ =	shalt  }
0x6f: {  	_ =	shalt  }
0x70: {  	_ =	shalt  }
0x71: {  	_ =	shalt  }
0x72: {  	_ =	shalt  }
0x73: {  	_ =	shalt  }
0x74: {  	_ =	shalt  }
0x75: {  	_ =	shalt  }
0x76: {  	_ =	shalt  }
0x77: {  	_ =	shalt  }
0x78: {  	_ =	shalt  }
0x79: {  	_ =	shalt  }
0x7a: {  	_ =	shalt  }
0x7b: {  	_ =	shalt  }
0x7c: {  	_ =	shalt  }
0x7d: {  	_ =	shalt  }
0x7e: {  	_ =	shalt  }
0x7f: {  	_ =	shalt  }
0x80: {  	_ =	shalt  }
0x81: {  	_ =	shalt  }
0x82: {  	_ =	shalt  }
0x83: {  	_ =	shalt  }
0x84: {  	_ =	shalt  }
0x85: {  	_ =	shalt  }
0x86: {  	_ =	shalt  }
0x87: {  	_ =	shalt  }
.Lfunc_end0:
.L_simem_size_0:
called_computation.1_lowered:
.L_overlay_start_0:
0x88: {  	s2 =	sld [smem:$0x3FD9]  }
0x89: {  	s3 =	sld [smem:$0x3FFE];
	_ =	sdelay $0x1  }
0x8a: {  	s1 =	srdreg.scid  }
0x8b: {  	s0 =	sand.u32 $0x1, s1  }
0x8c: {  	s17 =	sshll.u32 s0, $0xA;
	s2 =	sadd.s32 s3, s2  }
0x8d: {  	s2 =	sadd.s32 s2, s17  }
0x8e: {  	[smem:$0x3FAD] =	sst s2  }
0x8f: {  	_ = 	snop  }
0x90: {  	(tm) =	ssettm $0x1  }
0x91: {  	s18 =	sld [smem:$0x3FFB];
	_ =	sdelay $0x3  }
0x92: {  	_ =	strace s18  }
0x93: {  	s2 =	sld [smem:$0x3FFC];
	_ =	sdelay $0x3  }
0x94: {  	_ =	strace s2  }
0x95: {  	s2 =	sld [smem:$0x3FFD];
	_ =	sdelay $0x3  }
0x96: {  	_ =	strace s2  }
0x97: {  	_ =	strace $0x8FFFFFFF  }
0x98: {  	s19 =	sld [smem:$0x3FDB];
	_ =	sdelay $0x1  }
0x99: {  	s20 =	simm.s32 $_scs_section_size  }
0x9a: {  	s4 =	simm.s32 $_size__tile_overlayer_lowered;
	s5 =	simm.s32 $_tile_overlayer_lowered  }
0x9b: {  	s6 =	simm.s32 $0x1BFF;
	s21 =	sshll.u32 s5, $0x1;
	s3 =	sadd.s32 s20, s19  }
0x9c: {  	s22 =	simm.s32 $0x0;
	s4 =	sshll.u32 s4, $0x1;
	s5 =	sadd.s32 s21, s3  }
0x9d: {  	[timem:s22], [sflag:s6] =	dma.local [hbm:s5], s4  }
0x9e: {  	_ =	swait.ge [sflag:s6], s4  }
0x9f: {  	s4 =	ssub.s32 $0x0, s4;
	[sflag:s6] =	ssyncset.done $0x0  }
0xa0: {  	[sflag:s6] =	ssyncadd.s32 s4;
	_ =	sdelay $0x1  }
0xa1: {  	s23 =	simm.s32 $0x1B8B  }
0xa2: {  	_ =	swait.ge [sflag:s23], $0x1  }
0xa3: {  	[sflag:s23] =	ssyncset.done $0x0  }
0xa4: {  	[sflag:s23] =	ssyncadd.s32 $0xFFFFFFFF  }
0xa5: {  	s4 =	sld [smem:$0x0]  }
0xa6: {  	s5 =	sand.u32 $0xFFFFFFFE, s1  }
0xa7: {  	p0 =	sne.s32 s1, s5  }
0xa8: {  	s5 =	sshll.u32 @p0 s5, $0xE  }
0xa9: {  	s5 =	sadd.s32 @p0 $0x11B8D, s5;
	s6 =	sshll.u32 @p0 s4, $0x11  }
0xaa: {  	s5 =	sor.u32 @p0 s6, s5  }
0xab: {  	[sflag:s5] =	ssyncadd.remote.s32 @p0 $0x1;
	_ =	sdelay $0x1  }
0xac: {  	s5 =	simm.s32 @p0 $0x1B8D  }
0xad: {  	_ =	swait.eq @p0 [sflag:s5], $0x1  }
0xae: {  	[sflag:s5] =	ssyncadd.s32 @p0 $0xFFFFFFFF  }
0xaf: {  	s6 =	sshll.u32 @!p0 s1, $0xE  }
0xb0: {  	s6 =	sor.u32 @!p0 $0x4000, s6;
	s5 =	simm.s32 @!p0 $0x1B8D  }
0xb1: {  	s4 =	sshll.u32 @!p0 s4, $0x11;
	s6 =	sadd.s32 @!p0 $0x11B8D, s6;
	_ =	swait.eq @!p0 [sflag:s5], $0x1  }
0xb2: {  	s4 =	sor.u32 @!p0 s4, s6;
	[sflag:s5] =	ssyncadd.s32 @!p0 $0xFFFFFFFF  }
0xb3: {  	s25 =	simm.s32 $0x1B8E;
	s24 =	sld [smem:$0x3FFE];
	[sflag:s4] =	ssyncadd.remote.s32 @!p0 $0x1  }
0xb4: {  	s26 =	simm.s32 $execute0_lowered;
	[smem:$0x3FD2] =	sst s25  }
0xb5: {  	s5 =	sshll.u32 s26, $0x1;
	_ =	strace $0x80000049;
	[dreg:$0x1] =	wrdreg $0xFFFFFFFF  }
0xb6: {  	s28 =	simm.s32 $_size_execute0_lowered;
	s3 =	sadd.s32 s3, s5;
	[dreg:$0x0] =	wrdreg $0x0  }
0xb7: {  	s5 =	sshll.u32 s28, $0x1;
	[dreg:$0x2] =	wrdreg s3  }
0xb8: {  	[dreg:$0x3] =	wrdreg s5  }
0xb9: {  	[dreg:$0x4] =	wrdreg $0xC0  }
0xba: {  	_ =	task [dreg:s22], $0x5FFFF  }
0xbb: {  	[dreg:$0x1] =	wrdreg $0xFFFFFFFF  }
0xbc: {  	[dreg:$0x0] =	wrdreg $0x60  }
0xbd: {  	[dreg:$0x2] =	wrdreg s24  }
0xbe: {  	[dreg:$0x3] =	wrdreg $0xA  }
0xbf: {  	_ =	task.clear_ibuf [dreg:s22], $0x4FFFF;
	_ =	strace $0x90000049  }
0xc0: {  	s29 =	simm.s32 $0xA;
	_ =	strace $0x8000004B  }
0xc1: {  	_ =	swait.ge [sflag:s29], $0x1  }
0xc2: {  	[sflag:s29] =	ssyncadd.s32 $0xFFFFFFFF  }
0xc3: {  	_ =	strace $0x9000004B  }
0xc4: {  	_ =	sfence  }
0xc5: {  	s30 =	sld [smem:$0x0];
	_ =	sdelay $0x2  }
0xc6: {  	s31 =	sshll.u32 s1, $0xD;
	s1 =	sshrl.u32 s1, $0x2  }
0xc7: {  	s4 =	sand.u32 $0x4000, s31;
	s1 =	sadd.s32 s1, s30  }
0xc8: {  	s0 =	sor.u32 s4, s0;
	s1 =	sshll.u32 s1, $0x11  }
0xc9: {  	s0 =	sor.u32 s1, s0  }
0xca: {  	s0 =	sadd.s32 $0x8F2B, s0  }
0xcb: {  	[sflag:s0] =	ssyncadd.remote.s32 $0x1  }
0xcc: {  	_ =	sfence.sel $0xFFFF  }
0xcd: {  	[dreg:$0x0] =	wrdreg $0xFFFFFFFF;
	(pc) =	sbr.abs _section_cstart, $3  }
0xce: {  	[dreg:$0x1] =	wrdreg $0xFFFFFFFF  }
0xcf: {  	_ =	task.clear_ibuf [dreg:s22], $0x2FFFF;
	_ =	strace $0x9FFFFFFF  }
0xd0: {  	(tm) =	ssettm $0x7FFFFFFF  }
0xd1: {  	_ =	shalt  }
tec
execute0_lowered:
.L_overlay_start_1:
0x0: {  	(tag) =	ssettag $0x1  }
0x1: {  	s5 =	rddreg [dreg:$0x0]  }
0x2: {  	s0 =	rddreg [dreg:$0x1];
	s1 =	simm.s32 $0x0;
	s2 =	srdreg.scid  }
0x3: {  	s18 =	simm.s32 $0x4100;
	s19 =	simm.s32 $0x0;
	[smem:$0x7FF] =	sst s1  }
0x4: {  	s6 =	sand.u32 $0x1, s2;
	s3 =	sadd.s32 $0xC4A00, s5;
	s2 =	stileid.u32  }
0x5: {  	s4 =	sadd.s32 $0xEBC00, s5;
	s13 =	sadd.s32 $0x13200, s5;
	s14 =	smul.u32 $0x271000, s6  }
0x6: {  	s12 =	sadd.s32 $0x9400, s5;
	s10 =	sadd.s32 $0x112E00, s5;
	s15 =	smul.u32 $0x27100, s6  }
0x7: {  	s11 =	sadd.s32 $0x5F4E00, s5;
	s7 =	sshll.u32 s6, $0x4;
	s16 =	smul.u32 $0x2710, s2  }
0x8: {  	s8 =	ssub.s32 $0x2, s6;
	s17 =	smul.u32 $0x27100, s2;
	s7 =	sor.u32 s2, s7  }
0x9: {  	_ =	strace $0x8000004A;
	s29 =	sshrl.u32 s8, $0x1;
	s7 =	smul.u32 $0x2710, s7  }
0xa: {  	s5 =	ssub.s32 s8, s29;
	s15 =	sadd.s32 s16, s15;
	s16 =	simm.s32 $0x100  }
0xb: {  	s5 =	smax.u32 s5, $0x1;
	s31 =	sshrl.u32 s15, $0x3;
	s7 =	sadd.s32 $0x2690, s7  }
0xc: {  	s15 =	simm.s32 $0x80;
	s30 =	sshrl.u32 s7, $0x3;
	s9 =	sshll.u32 s7, $0x4  }
0xd: {  	s6 =	sadd.s32 s13, s30;
	s7 =	sadd.s32 s12, s30;
	s8 =	sadd.s32 s10, s9  }
0xe: {  	s9 =	sadd.s32 s11, s9;
	s10 =	sadd.s32 s14, s10;
	s11 =	sadd.s32 s14, s11  }
0xf: {  	s12 =	sadd.s32 s31, s12;
	s13 =	sadd.s32 s31, s13;
	s14 =	simm.s32 $0x2  }
0x10: {  	s10 =	sadd.s32 s17, s10;
	s11 =	sadd.s32 s17, s11;
	s17 =	simm.s32 $0x1  }
.LBB2_1:
0x11: {  	s20 =	sadd.s32 $0x0, s13  }
0x12: {  	[tilespmem:s1], [sflag:$0x2] =	stream.linear.gather [hbm4b:s20+s1], $0x80, $0x38;
	[tilespmem:$0x8100] =	vst v63  }
0x13: {  	_ =	swait.ge [sflag:s14], $0x80  }
0x14: {  	[sflag:s14] =	ssyncset.done $0x0  }
0x15: {  	s31 =	sadd.s32 $0x0, s12;
	[sflag:s14] =	ssyncadd.s32 $0xFFFFFF80  }
0x16: {  	[tilespmem:s15], [sflag:$0x2] =	stream.linear.gather [hbm4b:s31+s1], $0x80, $0x38;
	[tilespmem:$0x8100] =	vst v63  }
0x17: {  	_ =	swait.ge [sflag:s14], $0x80  }
0x18: {  	[sflag:s14] =	ssyncset.done $0x0  }
0x19: {  	[sflag:s14] =	ssyncadd.s32 $0xFFFFFF80  }
0x1a: {  	[tilespmem:s16], [sflag:$0x1] =	stream.indirect.gather [hbm4b:s3+s15], $0x80, s1, s15, $0xb8;
	[tilespmem:$0x8100] =	vst v63  }
0x1b: {  	_ =	swait.ge [sflag:s17], $0x4000  }
0x1c: {  	[sflag:s17] =	ssyncset.done $0x0  }
0x1d: {  	[sflag:s17] =	ssyncadd.s32 $0xFFFFC000  }
0x1e: {  	[tilespmem:s18], [sflag:$0x1] =	stream.indirect.gather [hbm4b:s4+s15], $0x80, s15, s15, $0xb8;
	[tilespmem:$0x8100] =	vst v63  }
0x1f: {  	_ =	swait.ge [sflag:s17], $0x4000  }
0x20: {  	[sflag:s17] =	ssyncset.done $0x0  }
0x21: {  	[sflag:s17] =	ssyncadd.s32 $0xFFFFC000  }
0x22: {  	[hbm4b:s10+s1] =	stream.linear.scatter [tilespmem:s16], [sflag:$0x2], $0x4000, $0x38;
	[tilespmem:$0x8100] =	vst v63  }
0x23: {  	_ =	swait.ge [sflag:s14], $0x4000  }
0x24: {  	[sflag:s14] =	ssyncset.done $0x0  }
0x25: {  	[sflag:s14] =	ssyncadd.s32 $0xFFFFC000  }
0x26: {  	[hbm4b:s11+s1] =	stream.linear.scatter [tilespmem:s18], [sflag:$0x2], $0x4000, $0x38;
	[tilespmem:$0x8100] =	vst v63  }
0x27: {  	s22 =	simm.s32 $0x10;
	s23 =	simm.s32 $0x20;
	_ =	swait.ge [sflag:s14], $0x4000  }
0x28: {  	s21 =	sadd.s32 $0x800, s10;
	s20 =	sadd.s32 $0x800, s11;
	[sflag:s14] =	ssyncset.done $0x0  }
.LBB2_2:
0x29: {  	s24 =	sadd.s32 s22, s13  }
0x2a: {  	[sflag:s14] =	ssyncadd.s32 $0xFFFFC000;
	s25 =	smov.u32 s23;
	s26 =	sadd.s32 $0x10, s23  }
0x2b: {  	[tilespmem:s1], [sflag:$0x2] =	stream.linear.gather [hbm4b:s24+s1], $0x80, $0x38;
	[tilespmem:$0x8100] =	vst v63  }
0x2c: {  	p0 =	sne.s32 s23, $0x4D0;
	_ =	swait.ge [sflag:s14], $0x80  }
0x2d: {  	[sflag:s14] =	ssyncset.done $0x0  }
0x2e: {  	s23 =	sadd.s32 s22, s12;
	s22 =	smov.u32 s25;
	[sflag:s14] =	ssyncadd.s32 $0xFFFFFF80  }
0x2f: {  	[tilespmem:s15], [sflag:$0x2] =	stream.linear.gather [hbm4b:s23+s1], $0x80, $0x38;
	[tilespmem:$0x8100] =	vst v63  }
0x30: {  	_ =	swait.ge [sflag:s14], $0x80  }
0x31: {  	[sflag:s14] =	ssyncset.done $0x0  }
0x32: {  	[sflag:s14] =	ssyncadd.s32 $0xFFFFFF80  }
0x33: {  	[tilespmem:s16], [sflag:$0x1] =	stream.indirect.gather [hbm4b:s3+s15], $0x80, s1, s15, $0xb8;
	[tilespmem:$0x8100] =	vst v63  }
0x34: {  	_ =	swait.ge [sflag:s17], $0x4000  }
0x35: {  	[sflag:s17] =	ssyncset.done $0x0  }
0x36: {  	[sflag:s17] =	ssyncadd.s32 $0xFFFFC000  }
0x37: {  	[tilespmem:s18], [sflag:$0x1] =	stream.indirect.gather [hbm4b:s4+s15], $0x80, s15, s15, $0xb8;
	[tilespmem:$0x8100] =	vst v63  }
0x38: {  	_ =	swait.ge [sflag:s17], $0x4000  }
0x39: {  	[sflag:s17] =	ssyncset.done $0x0  }
0x3a: {  	[sflag:s17] =	ssyncadd.s32 $0xFFFFC000  }
0x3b: {  	[hbm4b:s21+s1] =	stream.linear.scatter [tilespmem:s16], [sflag:$0x2], $0x4000, $0x38;
	[tilespmem:$0x8100] =	vst v63  }
0x3c: {  	_ =	swait.ge [sflag:s14], $0x4000  }
.Ltmp0:
0x3d: {  	[sflag:s14] =	ssyncset.done $0x0;
	(pc) =	sbr.rel @p0 .LBB2_2-.Ltmp0, $4  }
0x3e: {  	[sflag:s14] =	ssyncadd.s32 $0xFFFFC000  }
0x3f: {  	[hbm4b:s20+s1] =	stream.linear.scatter [tilespmem:s18], [sflag:$0x2], $0x4000, $0x38;
	[tilespmem:$0x8100] =	vst v63  }
0x40: {  	s23 =	smov.u32 s26;
	_ =	swait.ge [sflag:s14], $0x4000  }
0x41: {  	s21 =	sadd.s32 $0x800, s21;
	s20 =	sadd.s32 $0x800, s20;
	[sflag:s14] =	ssyncset.done $0x0  }
0x42: {  	s23 =	sadd.s32 s22, s13;
	[sflag:s14] =	ssyncadd.s32 $0xFFFFC000  }
0x43: {  	[tilespmem:s1], [sflag:$0x2] =	stream.linear.gather [hbm4b:s23+s1], $0x80, $0x38;
	[tilespmem:$0x8100] =	vst v63  }
0x44: {  	_ =	swait.ge [sflag:s14], $0x80  }
0x45: {  	[sflag:s14] =	ssyncset.done $0x0  }
0x46: {  	s31 =	sadd.s32 s22, s12;
	[sflag:s14] =	ssyncadd.s32 $0xFFFFFF80  }
0x47: {  	[tilespmem:s15], [sflag:$0x2] =	stream.linear.gather [hbm4b:s31+s1], $0x80, $0x38;
	[tilespmem:$0x8100] =	vst v63  }
0x48: {  	_ =	swait.ge [sflag:s14], $0x80  }
0x49: {  	[sflag:s14] =	ssyncset.done $0x0  }
0x4a: {  	[sflag:s14] =	ssyncadd.s32 $0xFFFFFF80  }
0x4b: {  	[tilespmem:s16], [sflag:$0x1] =	stream.indirect.gather [hbm4b:s3+s15], $0x80, s1, s15, $0xb8;
	[tilespmem:$0x8100] =	vst v63  }
0x4c: {  	_ =	swait.ge [sflag:s17], $0x4000  }
0x4d: {  	[sflag:s17] =	ssyncset.done $0x0  }
0x4e: {  	[sflag:s17] =	ssyncadd.s32 $0xFFFFC000  }
0x4f: {  	[tilespmem:s18], [sflag:$0x1] =	stream.indirect.gather [hbm4b:s4+s15], $0x80, s15, s15, $0xb8;
	[tilespmem:$0x8100] =	vst v63  }
0x50: {  	_ =	swait.ge [sflag:s17], $0x4000  }
0x51: {  	[sflag:s17] =	ssyncset.done $0x0  }
0x52: {  	[sflag:s17] =	ssyncadd.s32 $0xFFFFC000  }
0x53: {  	[hbm4b:s21+s1] =	stream.linear.scatter [tilespmem:s16], [sflag:$0x2], $0x4000, $0x38;
	[tilespmem:$0x8100] =	vst v63  }
0x54: {  	_ =	swait.ge [sflag:s14], $0x4000  }
0x55: {  	[sflag:s14] =	ssyncset.done $0x0  }
0x56: {  	[sflag:s14] =	ssyncadd.s32 $0xFFFFC000  }
0x57: {  	[hbm4b:s20+s1] =	stream.linear.scatter [tilespmem:s18], [sflag:$0x2], $0x4000, $0x38;
	[tilespmem:$0x8100] =	vst v63  }
0x58: {  	_ =	swait.ge [sflag:s14], $0x4000  }
0x59: {  	[sflag:s14] =	ssyncset.done $0x0  }
0x5a: {  	[sflag:s14] =	ssyncadd.s32 $0xFFFFC000  }
0x5b: {  	[tilespmem:s1], [sflag:$0x2] =	stream.linear.gather [hbm4b:s6+s1], $0x80, $0x38;
	[tilespmem:$0x8100] =	vst v63  }
0x5c: {  	_ =	swait.ge [sflag:s14], $0x80  }
0x5d: {  	[sflag:s14] =	ssyncset.done $0x0  }
0x5e: {  	[sflag:s14] =	ssyncadd.s32 $0xFFFFFF80  }
0x5f: {  	[tilespmem:s15], [sflag:$0x2] =	stream.linear.gather [hbm4b:s7+s1], $0x80, $0x38;
	[tilespmem:$0x8100] =	vst v63  }
0x60: {  	_ =	swait.ge [sflag:s14], $0x80  }
0x61: {  	[sflag:s14] =	ssyncset.done $0x0  }
0x62: {  	[sflag:s14] =	ssyncadd.s32 $0xFFFFFF80  }
0x63: {  	[tilespmem:s16], [sflag:$0x1] =	stream.indirect.gather [hbm4b:s3+s15], $0x80, s1, s15, $0xb8;
	[tilespmem:$0x8100] =	vst v63  }
0x64: {  	_ =	swait.ge [sflag:s17], $0x4000  }
0x65: {  	[sflag:s17] =	ssyncset.done $0x0  }
0x66: {  	[sflag:s17] =	ssyncadd.s32 $0xFFFFC000  }
0x67: {  	[tilespmem:s18], [sflag:$0x1] =	stream.indirect.gather [hbm4b:s4+s15], $0x80, s15, s15, $0xb8;
	[tilespmem:$0x8100] =	vst v63  }
0x68: {  	_ =	swait.ge [sflag:s17], $0x4000  }
0x69: {  	[sflag:s17] =	ssyncset.done $0x0  }
0x6a: {  	[sflag:s17] =	ssyncadd.s32 $0xFFFFC000  }
0x6b: {  	[hbm4b:s8+s1] =	stream.linear.scatter [tilespmem:s16], [sflag:$0x2], $0x4000, $0x38;
	[tilespmem:$0x8100] =	vst v63  }
0x6c: {  	s19 =	sadd.s32 $0x1, s19;
	_ =	swait.ge [sflag:s14], $0x4000  }
0x6d: {  	p0 =	sne.s32 s19, s5;
	[sflag:s14] =	ssyncset.done $0x0  }
.Ltmp1:
0x6e: {  	[sflag:s14] =	ssyncadd.s32 $0xFFFFC000;
	(pc) =	sbr.rel @p0 .LBB2_1-.Ltmp1, $4  }
0x6f: {  	[hbm4b:s9+s1] =	stream.linear.scatter [tilespmem:s18], [sflag:$0x2], $0x4000, $0x38;
	[tilespmem:$0x8100] =	vst v63  }
0x70: {  	_ =	swait.ge [sflag:s14], $0x4000  }
0x71: {  	[sflag:s14] =	ssyncset.done $0x0  }
0x72: {  	[sflag:s14] =	ssyncadd.s32 $0xFFFFC000  }
0x73: {  	_ =	sfence.sel $0x180000  }
0x74: {  	[bflag:$0x0] =	sbarrier.arrive $0xFFFF  }
0x75: {  	p0 =	sne.s32 s2, $0x0;
	_ =	strace $0x9000004A  }
0x76: {  	s0 =	sadd.s32 @!p0 $0x100000, s0;
	[bflag:$0x2] =	sbarrier.arrive $0xFFFF  }
0x77: {  	[sflag:s0] =	ssyncadd.tile.s32 @!p0 $0x1;
	_ =	shalt  }
.Lfunc_end2:
_tile_overlayer_lowered:
.L_overlay_start_2:
0x78: {  	(tag) =	ssettag $0x2  }
0x79: {  	s0 =	rddreg [dreg:$0x0];
	s2 =	stileid.u32  }
0x7a: {  	s1 =	rddreg [dreg:$0x1];
	p0 =	sne.s32 s2, $0x0  }
0x7b: {  	s3 =	rddreg [dreg:$0x2];
	[bflag:$0x3] =	sbarrier.arrive $0xFFFF;
	s2 =	simm.s32 @!p0 $0x1C02  }
0x7c: {  	[timem:s3], [sflag:s2] =	dma.local @!p0 [hbm:s0], s1  }
0x7d: {  	s0 =	simm.s32 @!p0 $0x2  }
0x7e: {  	_ =	swait.ge @!p0 [sflag:s0], s1  }
0x7f: {  	s1 =	ssub.s32 @!p0 $0x0, s1;
	[sflag:s0] =	ssyncset.done @!p0 $0x0  }
0x80: {  	[sflag:s0] =	ssyncadd.s32 @!p0 s1  }
0x81: {  	[bflag:$0x3] =	sbarrier.arrive $0xFFFF  }
0x82: {  	_ =	shalt  }

// kernel: kernel.25.cloned.1.call-start
scs
__scs_entry_jumppad:
0x0: {  	(pc) =	sbr.rel $0x88, $3  }
0x1: {  	(tag) =	ssettag $0x0;
	lr =	simm.s32 $0x1  }
0x2: {  	[smem:$0x3F86] =	sst lr;
	_ =	strace $0xD0000000  }
0x3: {  	_ = 	snop  }
0x4: {  	_ = 	snop  }
0x5: {  	_ = 	snop  }
0x6: {  	_ = 	snop  }
0x7: {  	_ = 	snop  }
__scs_overlays_trampoline_lowered:
0x8: {  	[smem:$0x3F95] =	sst s0  }
0x9: {  	[smem:$0x3F96] =	sst s1  }
0xa: {  	[smem:$0x3F97] =	sst s2  }
0xb: {  	[smem:$0x3F98] =	sst s3  }
0xc: {  	[smem:$0x3F99] =	sst s4  }
0xd: {  	[smem:$0x3F9A] =	sst s5  }
0xe: {  	[smem:$0x3F9B] =	sst s6  }
0xf: {  	[smem:$0x3F9C] =	sst s7  }
0x10: {  	[smem:$0x3F9D] =	sst s8  }
0x11: {  	[smem:$0x3F9E] =	sst s9;
	s0 =	simm.s32 @!p0 $0x0  }
0x12: {  	s1 =	sld [smem:$0x3F84];
	s0 =	simm.s32 @p0 $0x1  }
0x13: {  	[smem:$0x3F9F] =	sst s0;
	s0 =	simm.s32 @!p1 $0x0  }
0x14: {  	s2 =	sld [smem:$0x3F83];
	s0 =	simm.s32 @p1 $0x1  }
0x15: {  	[smem:$0x3FA0] =	sst s0;
	s0 =	simm.s32 @!p2 $0x0  }
0x16: {  	s3 =	sld [smem:$0x3FDB];
	s0 =	simm.s32 @p2 $0x1  }
0x17: {  	s4 =	simm.s32 $0x1BF5;
	[smem:$0x3FA2] =	sst s0  }
0x18: {  	s0 =	sld [smem:$0x3F85];
	_ =	swait.ge [sflag:s4], $0x0  }
0x19: {  	s7 =	sld [smem:$0x3F86]  }
0x1a: {  	s8 =	sadd.s32 $0xFFFFE003, lr  }
0x1b: {  	s9 =	sadd.s32 $0xFFFFFEF7, lr;
	s5 =	simm.s32 $0xFFFFFFFF;
	p2 =	slt.u32 s8, $0xFFFFF086  }
0x1c: {  	p1 =	slt.u32 s9, $0xF7A;
	s5 =	simm.s32 @!p2 $0x0  }
0x1d: {  	s5 =	simm.s32 @p1 $0x1;
	p0 =	seq.s32 s7, s2  }
0x1e: {  	s7 =	smul.u32 @!p0 $0xF7A, s2;
	p2 =	seq.s32 @!p0 s5, $0x0  }
0x1f: {  	s9 =	smul.u32 $0xF7A, s1;
	s8 =	simm.s32 @!p0 $0x1BF5;
	p2 =	por !p2, p0  }
0x20: {  	[sflag:s8] =	ssyncset.s32 @!p0 $0xFFFFF086;
	s6 =	sadd.s32 @!p0 s3, s7;
	s7 =	simm.s32 @!p0 $0x108  }
0x21: {  	s3 =	sadd.s32 s3, s9;
	s6 =	sadd.s32 @!p0 $0x88, s6;
	s7 =	simm.s32 @p2 $0x1082  }
0x22: {  	[simem:s7], [sflag:s8] =	dma.local @!p0 [hbm:s6], $0xF7A  }
0x23: {  	s9 =	sor.u32 $0xD0000000, s2;
	s6 =	simm.s32 $0x108;
	_ =	swait.ge @!p0 [sflag:s8], $0x0  }
0x24: {  	s3 =	sadd.s32 $0x88, s3;
	s6 =	simm.s32 @!p1 $0x1082;
	[sflag:s4] =	ssyncset.s32 $0xFFFFF086  }
0x25: {  	[simem:s6], [sflag:s4] =	dma.local [hbm:s3], $0xF7A  }
0x26: {  	[smem:$0x3F86] =	sst s1;
	(tag) =	ssettag s2;
	_ =	strace s9  }
0x27: {  	s1 =	sld [smem:$0x3F96]  }
0x28: {  	s2 =	sld [smem:$0x3F97]  }
0x29: {  	s4 =	sld [smem:$0x3F99]  }
0x2a: {  	p0 =	seq.s32 s5, $0x0;
	s5 =	sld [smem:$0x3F9A]  }
0x2b: {  	s6 =	sld [smem:$0x3F9B]  }
0x2c: {  	s7 =	sld [smem:$0x3F9C]  }
0x2d: {  	s3 =	simm.s32 $0x108;
	s8 =	sld [smem:$0x3F9D]  }
0x2e: {  	s3 =	simm.s32 @!p0 $0x1082;
	s9 =	sld [smem:$0x3F9E]  }
0x2f: {  	lr =	sadd.s32 s0, s3;
	s0 =	sld [smem:$0x3F95]  }
0x30: {  	s3 =	sld [smem:$0x3F98]  }
0x31: {  	[smem:$0x3FA1] =	sst s10  }
0x32: {  	s10 =	sld [smem:$0x3F9F];
	_ =	sdelay $0x3  }
0x33: {  	p0 =	seq.s32 s10, $0x1;
	s10 =	sld [smem:$0x3FA1];
	_ =	sdelay $0x3  }
0x34: {  	[smem:$0x3FA1] =	sst s10  }
0x35: {  	s10 =	sld [smem:$0x3FA0];
	_ =	sdelay $0x3  }
0x36: {  	p1 =	seq.s32 s10, $0x1;
	s10 =	sld [smem:$0x3FA1];
	_ =	sdelay $0x3  }
0x37: {  	[smem:$0x3FA1] =	sst s10  }
0x38: {  	s10 =	sld [smem:$0x3FA2]  }
0x39: {  	_ = 	snop;
	(pc) =	sbr.ind lr, $3  }
0x3a: {  	_ = 	snop  }
0x3b: {  	_ = 	snop  }
0x3c: {  	p2 =	seq.s32 s10, $0x1;
	s10 =	sld [smem:$0x3FA1]  }
0x3d: {  	_ =	shalt  }
0x3e: {  	_ =	shalt  }
0x3f: {  	_ =	shalt  }
0x40: {  	_ =	shalt  }
0x41: {  	_ =	shalt  }
0x42: {  	_ =	shalt  }
0x43: {  	_ =	shalt  }
0x44: {  	_ =	shalt  }
0x45: {  	_ =	shalt  }
0x46: {  	_ =	shalt  }
0x47: {  	_ =	shalt  }
0x48: {  	_ =	shalt  }
0x49: {  	_ =	shalt  }
0x4a: {  	_ =	shalt  }
0x4b: {  	_ =	shalt  }
0x4c: {  	_ =	shalt  }
0x4d: {  	_ =	shalt  }
0x4e: {  	_ =	shalt  }
0x4f: {  	_ =	shalt  }
0x50: {  	_ =	shalt  }
0x51: {  	_ =	shalt  }
0x52: {  	_ =	shalt  }
0x53: {  	_ =	shalt  }
0x54: {  	_ =	shalt  }
0x55: {  	_ =	shalt  }
0x56: {  	_ =	shalt  }
0x57: {  	_ =	shalt  }
0x58: {  	_ =	shalt  }
0x59: {  	_ =	shalt  }
0x5a: {  	_ =	shalt  }
0x5b: {  	_ =	shalt  }
0x5c: {  	_ =	shalt  }
0x5d: {  	_ =	shalt  }
0x5e: {  	_ =	shalt  }
0x5f: {  	_ =	shalt  }
0x60: {  	_ =	shalt  }
0x61: {  	_ =	shalt  }
0x62: {  	_ =	shalt  }
0x63: {  	_ =	shalt  }
0x64: {  	_ =	shalt  }
0x65: {  	_ =	shalt  }
0x66: {  	_ =	shalt  }
0x67: {  	_ =	shalt  }
0x68: {  	_ =	shalt  }
0x69: {  	_ =	shalt  }
0x6a: {  	_ =	shalt  }
0x6b: {  	_ =	shalt  }
0x6c: {  	_ =	shalt  }
0x6d: {  	_ =	shalt  }
0x6e: {  	_ =	shalt  }
0x6f: {  	_ =	shalt  }
0x70: {  	_ =	shalt  }
0x71: {  	_ =	shalt  }
0x72: {  	_ =	shalt  }
0x73: {  	_ =	shalt  }
0x74: {  	_ =	shalt  }
0x75: {  	_ =	shalt  }
0x76: {  	_ =	shalt  }
0x77: {  	_ =	shalt  }
0x78: {  	_ =	shalt  }
0x79: {  	_ =	shalt  }
0x7a: {  	_ =	shalt  }
0x7b: {  	_ =	shalt  }
0x7c: {  	_ =	shalt  }
0x7d: {  	_ =	shalt  }
0x7e: {  	_ =	shalt  }
0x7f: {  	_ =	shalt  }
0x80: {  	_ =	shalt  }
0x81: {  	_ =	shalt  }
0x82: {  	_ =	shalt  }
0x83: {  	_ =	shalt  }
0x84: {  	_ =	shalt  }
0x85: {  	_ =	shalt  }
0x86: {  	_ =	shalt  }
0x87: {  	_ =	shalt  }
.Lfunc_end0:
.L_simem_size_0:
called_computation.2_lowered:
.L_overlay_start_0:
0x88: {  	s2 =	sld [smem:$0x3FD9]  }
0x89: {  	s3 =	sld [smem:$0x3FFE];
	_ =	sdelay $0x1  }
0x8a: {  	s1 =	srdreg.scid  }
0x8b: {  	s0 =	sand.u32 $0x1, s1  }
0x8c: {  	s16 =	sshll.u32 s0, $0xA;
	s2 =	sadd.s32 s3, s2  }
0x8d: {  	s2 =	sadd.s32 s2, s16  }
0x8e: {  	[smem:$0x3FAD] =	sst s2  }
0x8f: {  	_ = 	snop  }
0x90: {  	(tm) =	ssettm $0x1  }
0x91: {  	s17 =	sld [smem:$0x3FFB];
	_ =	sdelay $0x3  }
0x92: {  	_ =	strace s17  }
0x93: {  	s2 =	sld [smem:$0x3FFC];
	_ =	sdelay $0x3  }
0x94: {  	_ =	strace s2  }
0x95: {  	s2 =	sld [smem:$0x3FFD];
	_ =	sdelay $0x3  }
0x96: {  	_ =	strace s2  }
0x97: {  	_ =	strace $0x8FFFFFFF  }
0x98: {  	s18 =	sld [smem:$0x3FDB];
	_ =	sdelay $0x1  }
0x99: {  	s19 =	simm.s32 $_scs_section_size  }
0x9a: {  	s4 =	simm.s32 $_size__tile_overlayer_lowered;
	s5 =	simm.s32 $_tile_overlayer_lowered  }
0x9b: {  	s22 =	simm.s32 $0x1BFF;
	s21 =	sshll.u32 s5, $0x1;
	s2 =	sadd.s32 s19, s18  }
0x9c: {  	s6 =	simm.s32 $0x0;
	s20 =	sshll.u32 s4, $0x1;
	s4 =	sadd.s32 s21, s2  }
0x9d: {  	[timem:s6], [sflag:s22] =	dma.local [hbm:s4], s20  }
0x9e: {  	_ =	swait.ge [sflag:s22], s20  }
0x9f: {  	s3 =	ssub.s32 $0x0, s20;
	[sflag:s22] =	ssyncset.done $0x0  }
0xa0: {  	[sflag:s22] =	ssyncadd.s32 s3;
	_ =	sdelay $0x1  }
0xa1: {  	s23 =	simm.s32 $0x1B8B  }
0xa2: {  	_ =	swait.ge [sflag:s23], $0x1  }
0xa3: {  	[sflag:s23] =	ssyncset.done $0x0  }
0xa4: {  	s25 =	simm.s32 $0x1B8E;
	s24 =	sld [smem:$0x3FFE];
	[sflag:s23] =	ssyncadd.s32 $0xFFFFFFFF  }
0xa5: {  	s26 =	simm.s32 $execute0_lowered;
	[smem:$0x3FD2] =	sst s25  }
0xa6: {  	s4 =	sshll.u32 s26, $0x1;
	_ =	strace $0x8000004C;
	[dreg:$0x1] =	wrdreg $0xFFFFFFFF  }
0xa7: {  	s28 =	simm.s32 $_size_execute0_lowered;
	s2 =	sadd.s32 s2, s4;
	[dreg:$0x0] =	wrdreg $0x0  }
0xa8: {  	s4 =	sshll.u32 s28, $0x1;
	[dreg:$0x2] =	wrdreg s2  }
0xa9: {  	[dreg:$0x3] =	wrdreg s4  }
0xaa: {  	[dreg:$0x4] =	wrdreg $0xC0  }
0xab: {  	_ =	task [dreg:s6], $0x5FFFF  }
0xac: {  	[dreg:$0x1] =	wrdreg $0xFFFFFFFF  }
0xad: {  	[dreg:$0x0] =	wrdreg $0x60  }
0xae: {  	[dreg:$0x2] =	wrdreg s24  }
0xaf: {  	[dreg:$0x3] =	wrdreg $0x40800  }
0xb0: {  	[dreg:$0x4] =	wrdreg $0x9  }
0xb1: {  	_ =	task.clear_ibuf [dreg:s6], $0x5FFFF;
	_ =	strace $0x9000004C  }
0xb2: {  	s29 =	simm.s32 $0x9;
	_ =	strace $0x8000004E  }
0xb3: {  	_ =	swait.ge [sflag:s29], $0x1  }
0xb4: {  	[sflag:s29] =	ssyncadd.s32 $0xFFFFFFFF  }
0xb5: {  	_ =	strace $0x9000004E  }
0xb6: {  	_ =	sfence  }
0xb7: {  	s30 =	sld [smem:$0x0];
	_ =	sdelay $0x2  }
0xb8: {  	s31 =	sshll.u32 s1, $0xD;
	s1 =	sshrl.u32 s1, $0x2  }
0xb9: {  	s3 =	sand.u32 $0x4000, s31;
	s1 =	sadd.s32 s1, s30  }
0xba: {  	s0 =	sor.u32 s3, s0;
	s1 =	sshll.u32 s1, $0x11  }
0xbb: {  	s0 =	sor.u32 s1, s0  }
0xbc: {  	s0 =	sadd.s32 $0x8F2B, s0  }
0xbd: {  	[sflag:s0] =	ssyncadd.remote.s32 $0x1  }
0xbe: {  	_ =	sfence.sel $0xFFFF  }
0xbf: {  	[dreg:$0x0] =	wrdreg $0xFFFFFFFF;
	(pc) =	sbr.abs _section_cstart, $3  }
0xc0: {  	[dreg:$0x1] =	wrdreg $0xFFFFFFFF  }
0xc1: {  	_ =	task.clear_ibuf [dreg:s6], $0x2FFFF;
	_ =	strace $0x9FFFFFFF  }
0xc2: {  	(tm) =	ssettm $0x7FFFFFFF  }
0xc3: {  	_ =	shalt  }
tec
execute0_lowered:
.L_overlay_start_1:
0x0: {  	(tag) =	ssettag $0x1  }
0x1: {  	s4 =	rddreg [dreg:$0x0]  }
0x2: {  	s1 =	rddreg [dreg:$0x1]  }
0x3: {  	s0 =	rddreg [dreg:$0x2]  }
0x4: {  	s2 =	simm.s32 $0x0;
	s3 =	srdreg.scid;
	s9 =	stileid.u32  }
0x5: {  	[smem:$0x7FF] =	sst s2;
	s13 =	smul.u32 $0x2710, s9  }
0x6: {  	s7 =	sand.u32 $0x1, s3;
	s8 =	sadd.s32 $0xAD6E00, s4;
	s31 =	smul.u32 $0x27100, s9  }
0x7: {  	s10 =	sadd.s32 $0x13200, s4;
	p0 =	sne.s32 s9, $0x0;
	s5 =	smul.u32 $0x27180, s7  }
0x8: {  	_ =	strace $0x8000004D;
	s3 =	sshll.u32 s7, $0x4;
	s28 =	smul.u32 $0x27100, s7  }
0x9: {  	s6 =	ssub.s32 $0x2, s7;
	s14 =	smul.u32 $0x271000, s7;
	s3 =	sor.u32 s9, s3  }
0xa: {  	s11 =	sshrl.u32 s6, $0x1;
	s12 =	smul.u32 $0x2710, s3;
	s3 =	sadd.s32 $0x1E200, s4  }
0xb: {  	s4 =	sadd.s32 s5, s4;
	s25 =	ssub.s32 s6, s11;
	s30 =	sadd.s32 s13, s28  }
0xc: {  	s13 =	simm.s32 $0x0;
	s4 =	sadd.s32 $0xC4A00, s4;
	s26 =	sadd.s32 $0x2690, s12  }
0xd: {  	s5 =	smax.u32 s25, $0x1;
	s12 =	simm.s32 $0x80;
	s11 =	sshll.u32 s26, $0x4  }
0xe: {  	s29 =	sshrl.u32 s26, $0x3;
	s7 =	sadd.s32 s8, s11;
	s8 =	sadd.s32 s14, s8  }
0xf: {  	s6 =	sadd.s32 s10, s29;
	s11 =	sshrl.u32 s30, $0x3;
	s8 =	sadd.s32 s31, s8  }
0x10: {  	v0 =	vimm.s32 $0x2710;
	s9 =	sadd.s32 s11, s10;
	s10 =	sshrl.u32 @!p0 s1, $0x3;
	s11 =	simm.s32 $0x1  }
.LBB2_1:
0x11: {  	s14 =	simm.s32 @!p0 $0x1C01  }
0x12: {  	[spmem:s10], [sflag:s14] =	dma.local @!p0 [hbm:s3], $0x27180  }
0x13: {  	s14 =	simm.s32 @!p0 $0x1  }
0x14: {  	_ =	swait.ge @!p0 [sflag:s14], $0x27180  }
0x15: {  	[sflag:s14] =	ssyncset.done @!p0 $0x0  }
0x16: {  	[sflag:s14] =	ssyncadd.s32 @!p0 $0xFFFD8E80  }
0x17: {  	s31 =	sadd.s32 $0x0, s9;
	[bflag:$0x0] =	sbarrier.arrive $0xFFFF  }
0x18: {  	[tilespmem:s2], [sflag:$0x1] =	stream.linear.gather [hbm4b:s31+s2], $0x80, $0x38;
	[tilespmem:$0x17940] =	vst v63  }
0x19: {  	_ =	swait.ge [sflag:s11], $0x80  }
0x1a: {  	[sflag:s11] =	ssyncset.done $0x0  }
0x1b: {  	[sflag:s11] =	ssyncadd.s32 $0xFFFFFF80  }
0x1c: {  	[tilespmem:s12], [sflag:$0x1] =	stream.linear.gather [hbm4b:s8+s2], $0x4000, $0x38;
	[tilespmem:$0x17940] =	vst v63  }
0x1d: {  	_ =	swait.ge [sflag:s11], $0x4000  }
0x1e: {  	[sflag:s11] =	ssyncset.done $0x0  }
0x1f: {  	[sflag:s11] =	ssyncadd.s32 $0xFFFFC000  }
0x20: {  	[spmem:s1] =	stream.indirect.scatter.add.f32 [tilespmem:s12], [sflag:$0x1], $0x80, s2, s12, $0xb8;
	[tilespmem:$0x17940] =	vst v63  }
0x21: {  	s15 =	simm.s32 $0x10;
	_ =	swait.ge [sflag:s11], $0x4000  }
0x22: {  	s16 =	simm.s32 $0x20;
	s14 =	sadd.s32 $0x800, s8;
	[sflag:s11] =	ssyncset.done $0x0  }
.LBB2_2:
0x23: {  	s17 =	sadd.s32 s15, s9  }
0x24: {  	[sflag:s11] =	ssyncadd.s32 $0xFFFFC000;
	s15 =	smov.u32 s16;
	s18 =	sadd.s32 $0x10, s16  }
0x25: {  	[tilespmem:s2], [sflag:$0x1] =	stream.linear.gather [hbm4b:s17+s2], $0x80, $0x38;
	[tilespmem:$0x17940] =	vst v63  }
0x26: {  	p1 =	sne.s32 s16, $0x4D0;
	_ =	swait.ge [sflag:s11], $0x80  }
0x27: {  	[sflag:s11] =	ssyncset.done $0x0  }
0x28: {  	[sflag:s11] =	ssyncadd.s32 $0xFFFFFF80  }
0x29: {  	[tilespmem:s12], [sflag:$0x1] =	stream.linear.gather [hbm4b:s14+s2], $0x4000, $0x38;
	[tilespmem:$0x17940] =	vst v63  }
0x2a: {  	_ =	swait.ge [sflag:s11], $0x4000  }
.Ltmp0:
0x2b: {  	[sflag:s11] =	ssyncset.done $0x0;
	(pc) =	sbr.rel @p1 .LBB2_2-.Ltmp0, $4  }
0x2c: {  	[sflag:s11] =	ssyncadd.s32 $0xFFFFC000  }
0x2d: {  	[spmem:s1] =	stream.indirect.scatter.add.f32 [tilespmem:s12], [sflag:$0x1], $0x80, s2, s12, $0xb8;
	[tilespmem:$0x17940] =	vst v63  }
0x2e: {  	_ =	swait.ge [sflag:s11], $0x4000  }
0x2f: {  	s16 =	smov.u32 s18;
	s14 =	sadd.s32 $0x800, s14;
	[sflag:s11] =	ssyncset.done $0x0  }
0x30: {  	s15 =	sadd.s32 s15, s9;
	[sflag:s11] =	ssyncadd.s32 $0xFFFFC000  }
0x31: {  	[tilespmem:s2], [sflag:$0x1] =	stream.linear.gather [hbm4b:s15+s2], $0x80, $0x38;
	[tilespmem:$0x17940] =	vst v63  }
0x32: {  	_ =	swait.ge [sflag:s11], $0x80  }
0x33: {  	[sflag:s11] =	ssyncset.done $0x0  }
0x34: {  	[sflag:s11] =	ssyncadd.s32 $0xFFFFFF80  }
0x35: {  	[tilespmem:s12], [sflag:$0x1] =	stream.linear.gather [hbm4b:s14+s2], $0x4000, $0x38;
	[tilespmem:$0x17940] =	vst v63  }
0x36: {  	_ =	swait.ge [sflag:s11], $0x4000  }
0x37: {  	[sflag:s11] =	ssyncset.done $0x0  }
0x38: {  	[sflag:s11] =	ssyncadd.s32 $0xFFFFC000  }
0x39: {  	[spmem:s1] =	stream.indirect.scatter.add.f32 [tilespmem:s12], [sflag:$0x1], $0x80, s2, s12, $0xb8;
	[tilespmem:$0x17940] =	vst v63  }
0x3a: {  	_ =	swait.ge [sflag:s11], $0x4000  }
0x3b: {  	[sflag:s11] =	ssyncset.done $0x0  }
0x3c: {  	[sflag:s11] =	ssyncadd.s32 $0xFFFFC000  }
0x3d: {  	[tilespmem:s2], [sflag:$0x1] =	stream.linear.gather [hbm4b:s6+s2], $0x80, $0x38;
	[tilespmem:$0x17940] =	vst v63  }
0x3e: {  	_ =	swait.ge [sflag:s11], $0x80  }
0x3f: {  	[sflag:s11] =	ssyncset.done $0x0  }
0x40: {  	[sflag:s11] =	ssyncadd.s32 $0xFFFFFF80  }
0x41: {  	[tilespmem:s12], [sflag:$0x1] =	stream.linear.gather [hbm4b:s7+s2], $0x4000, $0x38;
	[tilespmem:$0x17940] =	vst v63  }
0x42: {  	_ =	swait.ge [sflag:s11], $0x4000  }
0x43: {  	[sflag:s11] =	ssyncset.done $0x0  }
0x44: {  	[sflag:s11] =	ssyncadd.s32 $0xFFFFC000  }
0x45: {  	[tilespmem:$0x0] =	vst v0  }
0x46: {  	[tilespmem:$0x10] =	vst v0  }
0x47: {  	[tilespmem:$0x20] =	vst v0  }
0x48: {  	[tilespmem:$0x30] =	vst v0  }
0x49: {  	[tilespmem:$0x40] =	vst v0  }
0x4a: {  	[tilespmem:$0x50] =	vst v0  }
0x4b: {  	[tilespmem:$0x60] =	vst v0  }
0x4c: {  	[spmem:s1] =	stream.indirect.scatter.add.f32 [tilespmem:s12], [sflag:$0x1], $0x80, s2, s12, $0xb8;
	[tilespmem:$0x17940] =	vst v63  }
0x4d: {  	_ =	swait.ge [sflag:s11], $0x4000  }
0x4e: {  	[sflag:s11] =	ssyncset.done $0x0  }
0x4f: {  	s13 =	sadd.s32 $0x1, s13;
	[sflag:s11] =	ssyncadd.s32 $0xFFFFC000  }
0x50: {  	p1 =	sne.s32 s13, s5;
	s14 =	simm.s32 @!p0 $0x1C01;
	[bflag:$0x0] =	sbarrier.arrive $0xFFFF  }
0x51: {  	[hbm:s4], [sflag:s14] =	dma.local @!p0 [spmem:s10], $0x27180  }
.Ltmp1:
0x52: {  	_ = 	snop;
	(pc) =	sbr.rel @p1 .LBB2_1-.Ltmp1, $4  }
0x53: {  	s14 =	simm.s32 @!p0 $0x1  }
0x54: {  	_ =	swait.ge @!p0 [sflag:s14], $0x27180  }
0x55: {  	[sflag:s14] =	ssyncset.done @!p0 $0x0  }
0x56: {  	[sflag:s14] =	ssyncadd.s32 @!p0 $0xFFFD8E80  }
0x57: {  	_ =	sfence.sel $0x180000  }
0x58: {  	[bflag:$0x0] =	sbarrier.arrive $0xFFFF  }
0x59: {  	_ =	strace $0x9000004D  }
0x5a: {  	s0 =	sadd.s32 @!p0 $0x100000, s0;
	[bflag:$0x2] =	sbarrier.arrive $0xFFFF  }
0x5b: {  	[sflag:s0] =	ssyncadd.tile.s32 @!p0 $0x1;
	_ =	shalt  }
.Lfunc_end2:
_tile_overlayer_lowered:
.L_overlay_start_2:
0x5c: {  	(tag) =	ssettag $0x2  }
0x5d: {  	s0 =	rddreg [dreg:$0x0];
	s2 =	stileid.u32  }
0x5e: {  	s1 =	rddreg [dreg:$0x1];
	p0 =	sne.s32 s2, $0x0  }
0x5f: {  	s3 =	rddreg [dreg:$0x2];
	[bflag:$0x3] =	sbarrier.arrive $0xFFFF;
	s2 =	simm.s32 @!p0 $0x1C01  }
0x60: {  	[timem:s3], [sflag:s2] =	dma.local @!p0 [hbm:s0], s1  }
0x61: {  	s0 =	simm.s32 @!p0 $0x1  }
0x62: {  	_ =	swait.ge @!p0 [sflag:s0], s1  }
0x63: {  	s1 =	ssub.s32 @!p0 $0x0, s1;
	[sflag:s0] =	ssyncset.done @!p0 $0x0  }
0x64: {  	[sflag:s0] =	ssyncadd.s32 @!p0 s1  }
0x65: {  	[bflag:$0x3] =	sbarrier.arrive $0xFFFF  }
0x66: {  	_ =	shalt  }

// kernel: kernel.28.cloned.1.call-start
scs
__scs_entry_jumppad:
0x0: {  	(pc) =	sbr.rel $0x88, $3  }
0x1: {  	(tag) =	ssettag $0x0;
	lr =	simm.s32 $0x1  }
0x2: {  	[smem:$0x3F86] =	sst lr;
	_ =	strace $0xD0000000  }
0x3: {  	_ = 	snop  }
0x4: {  	_ = 	snop  }
0x5: {  	_ = 	snop  }
0x6: {  	_ = 	snop  }
0x7: {  	_ = 	snop  }
__scs_overlays_trampoline_lowered:
0x8: {  	[smem:$0x3F95] =	sst s0  }
0x9: {  	[smem:$0x3F96] =	sst s1  }
0xa: {  	[smem:$0x3F97] =	sst s2  }
0xb: {  	[smem:$0x3F98] =	sst s3  }
0xc: {  	[smem:$0x3F99] =	sst s4  }
0xd: {  	[smem:$0x3F9A] =	sst s5  }
0xe: {  	[smem:$0x3F9B] =	sst s6  }
0xf: {  	[smem:$0x3F9C] =	sst s7  }
0x10: {  	[smem:$0x3F9D] =	sst s8  }
0x11: {  	[smem:$0x3F9E] =	sst s9;
	s0 =	simm.s32 @!p0 $0x0  }
0x12: {  	s1 =	sld [smem:$0x3F84];
	s0 =	simm.s32 @p0 $0x1  }
0x13: {  	[smem:$0x3F9F] =	sst s0;
	s0 =	simm.s32 @!p1 $0x0  }
0x14: {  	s2 =	sld [smem:$0x3F83];
	s0 =	simm.s32 @p1 $0x1  }
0x15: {  	[smem:$0x3FA0] =	sst s0;
	s0 =	simm.s32 @!p2 $0x0  }
0x16: {  	s3 =	sld [smem:$0x3FDB];
	s0 =	simm.s32 @p2 $0x1  }
0x17: {  	s4 =	simm.s32 $0x1BF5;
	[smem:$0x3FA2] =	sst s0  }
0x18: {  	s0 =	sld [smem:$0x3F85];
	_ =	swait.ge [sflag:s4], $0x0  }
0x19: {  	s7 =	sld [smem:$0x3F86]  }
0x1a: {  	s8 =	sadd.s32 $0xFFFFE003, lr  }
0x1b: {  	s9 =	sadd.s32 $0xFFFFFEF7, lr;
	s5 =	simm.s32 $0xFFFFFFFF;
	p2 =	slt.u32 s8, $0xFFFFF086  }
0x1c: {  	p1 =	slt.u32 s9, $0xF7A;
	s5 =	simm.s32 @!p2 $0x0  }
0x1d: {  	s5 =	simm.s32 @p1 $0x1;
	p0 =	seq.s32 s7, s2  }
0x1e: {  	s7 =	smul.u32 @!p0 $0xF7A, s2;
	p2 =	seq.s32 @!p0 s5, $0x0  }
0x1f: {  	s9 =	smul.u32 $0xF7A, s1;
	s8 =	simm.s32 @!p0 $0x1BF5;
	p2 =	por !p2, p0  }
0x20: {  	[sflag:s8] =	ssyncset.s32 @!p0 $0xFFFFF086;
	s6 =	sadd.s32 @!p0 s3, s7;
	s7 =	simm.s32 @!p0 $0x108  }
0x21: {  	s3 =	sadd.s32 s3, s9;
	s6 =	sadd.s32 @!p0 $0x88, s6;
	s7 =	simm.s32 @p2 $0x1082  }
0x22: {  	[simem:s7], [sflag:s8] =	dma.local @!p0 [hbm:s6], $0xF7A  }
0x23: {  	s9 =	sor.u32 $0xD0000000, s2;
	s6 =	simm.s32 $0x108;
	_ =	swait.ge @!p0 [sflag:s8], $0x0  }
0x24: {  	s3 =	sadd.s32 $0x88, s3;
	s6 =	simm.s32 @!p1 $0x1082;
	[sflag:s4] =	ssyncset.s32 $0xFFFFF086  }
0x25: {  	[simem:s6], [sflag:s4] =	dma.local [hbm:s3], $0xF7A  }
0x26: {  	[smem:$0x3F86] =	sst s1;
	(tag) =	ssettag s2;
	_ =	strace s9  }
0x27: {  	s1 =	sld [smem:$0x3F96]  }
0x28: {  	s2 =	sld [smem:$0x3F97]  }
0x29: {  	s4 =	sld [smem:$0x3F99]  }
0x2a: {  	p0 =	seq.s32 s5, $0x0;
	s5 =	sld [smem:$0x3F9A]  }
0x2b: {  	s6 =	sld [smem:$0x3F9B]  }
0x2c: {  	s7 =	sld [smem:$0x3F9C]  }
0x2d: {  	s3 =	simm.s32 $0x108;
	s8 =	sld [smem:$0x3F9D]  }
0x2e: {  	s3 =	simm.s32 @!p0 $0x1082;
	s9 =	sld [smem:$0x3F9E]  }
0x2f: {  	lr =	sadd.s32 s0, s3;
	s0 =	sld [smem:$0x3F95]  }
0x30: {  	s3 =	sld [smem:$0x3F98]  }
0x31: {  	[smem:$0x3FA1] =	sst s10  }
0x32: {  	s10 =	sld [smem:$0x3F9F];
	_ =	sdelay $0x3  }
0x33: {  	p0 =	seq.s32 s10, $0x1;
	s10 =	sld [smem:$0x3FA1];
	_ =	sdelay $0x3  }
0x34: {  	[smem:$0x3FA1] =	sst s10  }
0x35: {  	s10 =	sld [smem:$0x3FA0];
	_ =	sdelay $0x3  }
0x36: {  	p1 =	seq.s32 s10, $0x1;
	s10 =	sld [smem:$0x3FA1];
	_ =	sdelay $0x3  }
0x37: {  	[smem:$0x3FA1] =	sst s10  }
0x38: {  	s10 =	sld [smem:$0x3FA2]  }
0x39: {  	_ = 	snop;
	(pc) =	sbr.ind lr, $3  }
0x3a: {  	_ = 	snop  }
0x3b: {  	_ = 	snop  }
0x3c: {  	p2 =	seq.s32 s10, $0x1;
	s10 =	sld [smem:$0x3FA1]  }
0x3d: {  	_ =	shalt  }
0x3e: {  	_ =	shalt  }
0x3f: {  	_ =	shalt  }
0x40: {  	_ =	shalt  }
0x41: {  	_ =	shalt  }
0x42: {  	_ =	shalt  }
0x43: {  	_ =	shalt  }
0x44: {  	_ =	shalt  }
0x45: {  	_ =	shalt  }
0x46: {  	_ =	shalt  }
0x47: {  	_ =	shalt  }
0x48: {  	_ =	shalt  }
0x49: {  	_ =	shalt  }
0x4a: {  	_ =	shalt  }
0x4b: {  	_ =	shalt  }
0x4c: {  	_ =	shalt  }
0x4d: {  	_ =	shalt  }
0x4e: {  	_ =	shalt  }
0x4f: {  	_ =	shalt  }
0x50: {  	_ =	shalt  }
0x51: {  	_ =	shalt  }
0x52: {  	_ =	shalt  }
0x53: {  	_ =	shalt  }
0x54: {  	_ =	shalt  }
0x55: {  	_ =	shalt  }
0x56: {  	_ =	shalt  }
0x57: {  	_ =	shalt  }
0x58: {  	_ =	shalt  }
0x59: {  	_ =	shalt  }
0x5a: {  	_ =	shalt  }
0x5b: {  	_ =	shalt  }
0x5c: {  	_ =	shalt  }
0x5d: {  	_ =	shalt  }
0x5e: {  	_ =	shalt  }
0x5f: {  	_ =	shalt  }
0x60: {  	_ =	shalt  }
0x61: {  	_ =	shalt  }
0x62: {  	_ =	shalt  }
0x63: {  	_ =	shalt  }
0x64: {  	_ =	shalt  }
0x65: {  	_ =	shalt  }
0x66: {  	_ =	shalt  }
0x67: {  	_ =	shalt  }
0x68: {  	_ =	shalt  }
0x69: {  	_ =	shalt  }
0x6a: {  	_ =	shalt  }
0x6b: {  	_ =	shalt  }
0x6c: {  	_ =	shalt  }
0x6d: {  	_ =	shalt  }
0x6e: {  	_ =	shalt  }
0x6f: {  	_ =	shalt  }
0x70: {  	_ =	shalt  }
0x71: {  	_ =	shalt  }
0x72: {  	_ =	shalt  }
0x73: {  	_ =	shalt  }
0x74: {  	_ =	shalt  }
0x75: {  	_ =	shalt  }
0x76: {  	_ =	shalt  }
0x77: {  	_ =	shalt  }
0x78: {  	_ =	shalt  }
0x79: {  	_ =	shalt  }
0x7a: {  	_ =	shalt  }
0x7b: {  	_ =	shalt  }
0x7c: {  	_ =	shalt  }
0x7d: {  	_ =	shalt  }
0x7e: {  	_ =	shalt  }
0x7f: {  	_ =	shalt  }
0x80: {  	_ =	shalt  }
0x81: {  	_ =	shalt  }
0x82: {  	_ =	shalt  }
0x83: {  	_ =	shalt  }
0x84: {  	_ =	shalt  }
0x85: {  	_ =	shalt  }
0x86: {  	_ =	shalt  }
0x87: {  	_ =	shalt  }
.Lfunc_end0:
.L_simem_size_0:
called_computation.3_lowered:
.L_overlay_start_0:
0x88: {  	s2 =	sld [smem:$0x3FD9]  }
0x89: {  	s3 =	sld [smem:$0x3FFE];
	_ =	sdelay $0x1  }
0x8a: {  	s1 =	srdreg.scid  }
0x8b: {  	s0 =	sand.u32 $0x1, s1  }
0x8c: {  	s16 =	sshll.u32 s0, $0xA;
	s2 =	sadd.s32 s3, s2  }
0x8d: {  	s2 =	sadd.s32 s2, s16  }
0x8e: {  	[smem:$0x3FAD] =	sst s2  }
0x8f: {  	_ = 	snop  }
0x90: {  	(tm) =	ssettm $0x1  }
0x91: {  	s17 =	sld [smem:$0x3FFB];
	_ =	sdelay $0x3  }
0x92: {  	_ =	strace s17  }
0x93: {  	s2 =	sld [smem:$0x3FFC];
	_ =	sdelay $0x3  }
0x94: {  	_ =	strace s2  }
0x95: {  	s2 =	sld [smem:$0x3FFD];
	_ =	sdelay $0x3  }
0x96: {  	_ =	strace s2  }
0x97: {  	_ =	strace $0x8FFFFFFF  }
0x98: {  	s18 =	sld [smem:$0x3FDB];
	_ =	sdelay $0x1  }
0x99: {  	s19 =	simm.s32 $_scs_section_size  }
0x9a: {  	s4 =	simm.s32 $_size__tile_overlayer_lowered;
	s5 =	simm.s32 $_tile_overlayer_lowered  }
0x9b: {  	s22 =	simm.s32 $0x1BFF;
	s21 =	sshll.u32 s5, $0x1;
	s2 =	sadd.s32 s19, s18  }
0x9c: {  	s6 =	simm.s32 $0x0;
	s20 =	sshll.u32 s4, $0x1;
	s4 =	sadd.s32 s21, s2  }
0x9d: {  	[timem:s6], [sflag:s22] =	dma.local [hbm:s4], s20  }
0x9e: {  	_ =	swait.ge [sflag:s22], s20  }
0x9f: {  	s3 =	ssub.s32 $0x0, s20;
	[sflag:s22] =	ssyncset.done $0x0  }
0xa0: {  	[sflag:s22] =	ssyncadd.s32 s3;
	_ =	sdelay $0x1  }
0xa1: {  	s23 =	simm.s32 $0x1B8B  }
0xa2: {  	_ =	swait.ge [sflag:s23], $0x1  }
0xa3: {  	[sflag:s23] =	ssyncset.done $0x0  }
0xa4: {  	s25 =	simm.s32 $0x1B8E;
	s24 =	sld [smem:$0x3FFE];
	[sflag:s23] =	ssyncadd.s32 $0xFFFFFFFF  }
0xa5: {  	s26 =	simm.s32 $execute0_lowered;
	[smem:$0x3FD2] =	sst s25  }
0xa6: {  	s4 =	sshll.u32 s26, $0x1;
	_ =	strace $0x8000004F;
	[dreg:$0x1] =	wrdreg $0xFFFFFFFF  }
0xa7: {  	s28 =	simm.s32 $_size_execute0_lowered;
	s2 =	sadd.s32 s2, s4;
	[dreg:$0x0] =	wrdreg $0x0  }
0xa8: {  	s4 =	sshll.u32 s28, $0x1;
	[dreg:$0x2] =	wrdreg s2  }
0xa9: {  	[dreg:$0x3] =	wrdreg s4  }
0xaa: {  	[dreg:$0x4] =	wrdreg $0xC0  }
0xab: {  	_ =	task [dreg:s6], $0x5FFFF  }
0xac: {  	[dreg:$0x1] =	wrdreg $0xFFFFFFFF  }
0xad: {  	[dreg:$0x0] =	wrdreg $0x60  }
0xae: {  	[dreg:$0x2] =	wrdreg s24  }
0xaf: {  	[dreg:$0x3] =	wrdreg $0x9  }
0xb0: {  	_ =	task.clear_ibuf [dreg:s6], $0x4FFFF;
	_ =	strace $0x9000004F  }
0xb1: {  	s29 =	simm.s32 $0x9;
	_ =	strace $0x80000051  }
0xb2: {  	_ =	swait.ge [sflag:s29], $0x1  }
0xb3: {  	[sflag:s29] =	ssyncadd.s32 $0xFFFFFFFF  }
0xb4: {  	_ =	strace $0x90000051  }
0xb5: {  	_ =	sfence  }
0xb6: {  	s30 =	sld [smem:$0x0];
	_ =	sdelay $0x2  }
0xb7: {  	s31 =	sshll.u32 s1, $0xD;
	s1 =	sshrl.u32 s1, $0x2  }
0xb8: {  	s3 =	sand.u32 $0x4000, s31;
	s1 =	sadd.s32 s1, s30  }
0xb9: {  	s0 =	sor.u32 s3, s0;
	s1 =	sshll.u32 s1, $0x11  }
0xba: {  	s0 =	sor.u32 s1, s0  }
0xbb: {  	s0 =	sadd.s32 $0x8F2B, s0  }
0xbc: {  	[sflag:s0] =	ssyncadd.remote.s32 $0x1  }
0xbd: {  	_ =	sfence.sel $0xFFFF  }
0xbe: {  	[dreg:$0x0] =	wrdreg $0xFFFFFFFF;
	(pc) =	sbr.abs _section_cstart, $3  }
0xbf: {  	[dreg:$0x1] =	wrdreg $0xFFFFFFFF  }
0xc0: {  	_ =	task.clear_ibuf [dreg:s6], $0x2FFFF;
	_ =	strace $0x9FFFFFFF  }
0xc1: {  	(tm) =	ssettm $0x7FFFFFFF  }
tec
execute0_lowered:
.L_overlay_start_1:
0x0: {  	(tag) =	ssettag $0x1  }
0x1: {  	s5 =	rddreg [dreg:$0x0]  }
0x2: {  	s0 =	rddreg [dreg:$0x1];
	s1 =	simm.s32 $0x0;
	s2 =	srdreg.scid  }
0x3: {  	s18 =	simm.s32 $0x4100;
	s19 =	simm.s32 $0x0;
	[smem:$0x7FF] =	sst s1  }
0x4: {  	s6 =	sand.u32 $0x1, s2;
	s3 =	sadd.s32 $0xEBC00, s5;
	s2 =	stileid.u32  }
0x5: {  	s4 =	sadd.s32 $0x112E00, s5;
	s13 =	sadd.s32 $0x13200, s5;
	s14 =	smul.u32 $0x271000, s6  }
0x6: {  	s12 =	sadd.s32 $0x9400, s5;
	s10 =	sadd.s32 $0x13A000, s5;
	s15 =	smul.u32 $0x27100, s6  }
0x7: {  	s11 =	sadd.s32 $0x61C000, s5;
	s7 =	sshll.u32 s6, $0x4;
	s16 =	smul.u32 $0x2710, s2  }
0x8: {  	s8 =	ssub.s32 $0x2, s6;
	s17 =	smul.u32 $0x27100, s2;
	s7 =	sor.u32 s2, s7  }
0x9: {  	_ =	strace $0x80000050;
	s29 =	sshrl.u32 s8, $0x1;
	s7 =	smul.u32 $0x2710, s7  }
0xa: {  	s5 =	ssub.s32 s8, s29;
	s15 =	sadd.s32 s16, s15;
	s16 =	simm.s32 $0x100  }
0xb: {  	s5 =	smax.u32 s5, $0x1;
	s31 =	sshrl.u32 s15, $0x3;
	s7 =	sadd.s32 $0x2690, s7  }
0xc: {  	s15 =	simm.s32 $0x80;
	s30 =	sshrl.u32 s7, $0x3;
	s9 =	sshll.u32 s7, $0x4  }
0xd: {  	s6 =	sadd.s32 s13, s30;
	s7 =	sadd.s32 s12, s30;
	s8 =	sadd.s32 s10, s9  }
0xe: {  	s9 =	sadd.s32 s11, s9;
	s10 =	sadd.s32 s14, s10;
	s11 =	sadd.s32 s14, s11  }
0xf: {  	s12 =	sadd.s32 s31, s12;
	s13 =	sadd.s32 s31, s13;
	s14 =	simm.s32 $0x2  }
0x10: {  	s10 =	sadd.s32 s17, s10;
	s11 =	sadd.s32 s17, s11;
	s17 =	simm.s32 $0x1  }
.LBB2_1:
0x11: {  	s20 =	sadd.s32 $0x0, s13  }
0x12: {  	[tilespmem:s1], [sflag:$0x2] =	stream.linear.gather [hbm4b:s20+s1], $0x80, $0x38;
	[tilespmem:$0x8100] =	vst v63  }
0x13: {  	_ =	swait.ge [sflag:s14], $0x80  }
0x14: {  	[sflag:s14] =	ssyncset.done $0x0  }
0x15: {  	s31 =	sadd.s32 $0x0, s12;
	[sflag:s14] =	ssyncadd.s32 $0xFFFFFF80  }
0x16: {  	[tilespmem:s15], [sflag:$0x2] =	stream.linear.gather [hbm4b:s31+s1], $0x80, $0x38;
	[tilespmem:$0x8100] =	vst v63  }
0x17: {  	_ =	swait.ge [sflag:s14], $0x80  }
0x18: {  	[sflag:s14] =	ssyncset.done $0x0  }
0x19: {  	[sflag:s14] =	ssyncadd.s32 $0xFFFFFF80  }
0x1a: {  	[tilespmem:s16], [sflag:$0x1] =	stream.indirect.gather [hbm4b:s3+s15], $0x80, s1, s15, $0xb8;
	[tilespmem:$0x8100] =	vst v63  }
0x1b: {  	_ =	swait.ge [sflag:s17], $0x4000  }
0x1c: {  	[sflag:s17] =	ssyncset.done $0x0  }
0x1d: {  	[sflag:s17] =	ssyncadd.s32 $0xFFFFC000  }
0x1e: {  	[tilespmem:s18], [sflag:$0x1] =	stream.indirect.gather [hbm4b:s4+s15], $0x80, s15, s15, $0xb8;
	[tilespmem:$0x8100] =	vst v63  }
0x1f: {  	_ =	swait.ge [sflag:s17], $0x4000  }
0x20: {  	[sflag:s17] =	ssyncset.done $0x0  }
0x21: {  	[sflag:s17] =	ssyncadd.s32 $0xFFFFC000  }
0x22: {  	[hbm4b:s10+s1] =	stream.linear.scatter [tilespmem:s16], [sflag:$0x2], $0x4000, $0x38;
	[tilespmem:$0x8100] =	vst v63  }
0x23: {  	_ =	swait.ge [sflag:s14], $0x4000  }
0x24: {  	[sflag:s14] =	ssyncset.done $0x0  }
0x25: {  	[sflag:s14] =	ssyncadd.s32 $0xFFFFC000  }
0x26: {  	[hbm4b:s11+s1] =	stream.linear.scatter [tilespmem:s18], [sflag:$0x2], $0x4000, $0x38;
	[tilespmem:$0x8100] =	vst v63  }
0x27: {  	s22 =	simm.s32 $0x10;
	s23 =	simm.s32 $0x20;
	_ =	swait.ge [sflag:s14], $0x4000  }
0x28: {  	s21 =	sadd.s32 $0x800, s10;
	s20 =	sadd.s32 $0x800, s11;
	[sflag:s14] =	ssyncset.done $0x0  }
.LBB2_2:
0x29: {  	s24 =	sadd.s32 s22, s13  }
0x2a: {  	[sflag:s14] =	ssyncadd.s32 $0xFFFFC000;
	s25 =	smov.u32 s23;
	s26 =	sadd.s32 $0x10, s23  }
0x2b: {  	[tilespmem:s1], [sflag:$0x2] =	stream.linear.gather [hbm4b:s24+s1], $0x80, $0x38;
	[tilespmem:$0x8100] =	vst v63  }
0x2c: {  	p0 =	sne.s32 s23, $0x4D0;
	_ =	swait.ge [sflag:s14], $0x80  }
0x2d: {  	[sflag:s14] =	ssyncset.done $0x0  }
0x2e: {  	s23 =	sadd.s32 s22, s12;
	s22 =	smov.u32 s25;
	[sflag:s14] =	ssyncadd.s32 $0xFFFFFF80  }
0x2f: {  	[tilespmem:s15], [sflag:$0x2] =	stream.linear.gather [hbm4b:s23+s1], $0x80, $0x38;
	[tilespmem:$0x8100] =	vst v63  }
0x30: {  	_ =	swait.ge [sflag:s14], $0x80  }
0x31: {  	[sflag:s14] =	ssyncset.done $0x0  }
0x32: {  	[sflag:s14] =	ssyncadd.s32 $0xFFFFFF80  }
0x33: {  	[tilespmem:s16], [sflag:$0x1] =	stream.indirect.gather [hbm4b:s3+s15], $0x80, s1, s15, $0xb8;
	[tilespmem:$0x8100] =	vst v63  }
0x34: {  	_ =	swait.ge [sflag:s17], $0x4000  }
0x35: {  	[sflag:s17] =	ssyncset.done $0x0  }
0x36: {  	[sflag:s17] =	ssyncadd.s32 $0xFFFFC000  }
0x37: {  	[tilespmem:s18], [sflag:$0x1] =	stream.indirect.gather [hbm4b:s4+s15], $0x80, s15, s15, $0xb8;
	[tilespmem:$0x8100] =	vst v63  }
0x38: {  	_ =	swait.ge [sflag:s17], $0x4000  }
0x39: {  	[sflag:s17] =	ssyncset.done $0x0  }
0x3a: {  	[sflag:s17] =	ssyncadd.s32 $0xFFFFC000  }
0x3b: {  	[hbm4b:s21+s1] =	stream.linear.scatter [tilespmem:s16], [sflag:$0x2], $0x4000, $0x38;
	[tilespmem:$0x8100] =	vst v63  }
0x3c: {  	_ =	swait.ge [sflag:s14], $0x4000  }
.Ltmp0:
0x3d: {  	[sflag:s14] =	ssyncset.done $0x0;
	(pc) =	sbr.rel @p0 .LBB2_2-.Ltmp0, $4  }
0x3e: {  	[sflag:s14] =	ssyncadd.s32 $0xFFFFC000  }
0x3f: {  	[hbm4b:s20+s1] =	stream.linear.scatter [tilespmem:s18], [sflag:$0x2], $0x4000, $0x38;
	[tilespmem:$0x8100] =	vst v63  }
0x40: {  	s23 =	smov.u32 s26;
	_ =	swait.ge [sflag:s14], $0x4000  }
0x41: {  	s21 =	sadd.s32 $0x800, s21;
	s20 =	sadd.s32 $0x800, s20;
	[sflag:s14] =	ssyncset.done $0x0  }
0x42: {  	s23 =	sadd.s32 s22, s13;
	[sflag:s14] =	ssyncadd.s32 $0xFFFFC000  }
0x43: {  	[tilespmem:s1], [sflag:$0x2] =	stream.linear.gather [hbm4b:s23+s1], $0x80, $0x38;
	[tilespmem:$0x8100] =	vst v63  }
0x44: {  	_ =	swait.ge [sflag:s14], $0x80  }
0x45: {  	[sflag:s14] =	ssyncset.done $0x0  }
0x46: {  	s31 =	sadd.s32 s22, s12;
	[sflag:s14] =	ssyncadd.s32 $0xFFFFFF80  }
0x47: {  	[tilespmem:s15], [sflag:$0x2] =	stream.linear.gather [hbm4b:s31+s1], $0x80, $0x38;
	[tilespmem:$0x8100] =	vst v63  }
0x48: {  	_ =	swait.ge [sflag:s14], $0x80  }
0x49: {  	[sflag:s14] =	ssyncset.done $0x0  }
0x4a: {  	[sflag:s14] =	ssyncadd.s32 $0xFFFFFF80  }
0x4b: {  	[tilespmem:s16], [sflag:$0x1] =	stream.indirect.gather [hbm4b:s3+s15], $0x80, s1, s15, $0xb8;
	[tilespmem:$0x8100] =	vst v63  }
0x4c: {  	_ =	swait.ge [sflag:s17], $0x4000  }
0x4d: {  	[sflag:s17] =	ssyncset.done $0x0  }
0x4e: {  	[sflag:s17] =	ssyncadd.s32 $0xFFFFC000  }
0x4f: {  	[tilespmem:s18], [sflag:$0x1] =	stream.indirect.gather [hbm4b:s4+s15], $0x80, s15, s15, $0xb8;
	[tilespmem:$0x8100] =	vst v63  }
0x50: {  	_ =	swait.ge [sflag:s17], $0x4000  }
0x51: {  	[sflag:s17] =	ssyncset.done $0x0  }
0x52: {  	[sflag:s17] =	ssyncadd.s32 $0xFFFFC000  }
0x53: {  	[hbm4b:s21+s1] =	stream.linear.scatter [tilespmem:s16], [sflag:$0x2], $0x4000, $0x38;
	[tilespmem:$0x8100] =	vst v63  }
0x54: {  	_ =	swait.ge [sflag:s14], $0x4000  }
0x55: {  	[sflag:s14] =	ssyncset.done $0x0  }
0x56: {  	[sflag:s14] =	ssyncadd.s32 $0xFFFFC000  }
0x57: {  	[hbm4b:s20+s1] =	stream.linear.scatter [tilespmem:s18], [sflag:$0x2], $0x4000, $0x38;
	[tilespmem:$0x8100] =	vst v63  }
0x58: {  	_ =	swait.ge [sflag:s14], $0x4000  }
0x59: {  	[sflag:s14] =	ssyncset.done $0x0  }
0x5a: {  	[sflag:s14] =	ssyncadd.s32 $0xFFFFC000  }
0x5b: {  	[tilespmem:s1], [sflag:$0x2] =	stream.linear.gather [hbm4b:s6+s1], $0x80, $0x38;
	[tilespmem:$0x8100] =	vst v63  }
0x5c: {  	_ =	swait.ge [sflag:s14], $0x80  }
0x5d: {  	[sflag:s14] =	ssyncset.done $0x0  }
0x5e: {  	[sflag:s14] =	ssyncadd.s32 $0xFFFFFF80  }
0x5f: {  	[tilespmem:s15], [sflag:$0x2] =	stream.linear.gather [hbm4b:s7+s1], $0x80, $0x38;
	[tilespmem:$0x8100] =	vst v63  }
0x60: {  	_ =	swait.ge [sflag:s14], $0x80  }
0x61: {  	[sflag:s14] =	ssyncset.done $0x0  }
0x62: {  	[sflag:s14] =	ssyncadd.s32 $0xFFFFFF80  }
0x63: {  	[tilespmem:s16], [sflag:$0x1] =	stream.indirect.gather [hbm4b:s3+s15], $0x80, s1, s15, $0xb8;
	[tilespmem:$0x8100] =	vst v63  }
0x64: {  	_ =	swait.ge [sflag:s17], $0x4000  }
0x65: {  	[sflag:s17] =	ssyncset.done $0x0  }
0x66: {  	[sflag:s17] =	ssyncadd.s32 $0xFFFFC000  }
0x67: {  	[tilespmem:s18], [sflag:$0x1] =	stream.indirect.gather [hbm4b:s4+s15], $0x80, s15, s15, $0xb8;
	[tilespmem:$0x8100] =	vst v63  }
0x68: {  	_ =	swait.ge [sflag:s17], $0x4000  }
0x69: {  	[sflag:s17] =	ssyncset.done $0x0  }
0x6a: {  	[sflag:s17] =	ssyncadd.s32 $0xFFFFC000  }
0x6b: {  	[hbm4b:s8+s1] =	stream.linear.scatter [tilespmem:s16], [sflag:$0x2], $0x4000, $0x38;
	[tilespmem:$0x8100] =	vst v63  }
0x6c: {  	s19 =	sadd.s32 $0x1, s19;
	_ =	swait.ge [sflag:s14], $0x4000  }
0x6d: {  	p0 =	sne.s32 s19, s5;
	[sflag:s14] =	ssyncset.done $0x0  }
.Ltmp1:
0x6e: {  	[sflag:s14] =	ssyncadd.s32 $0xFFFFC000;
	(pc) =	sbr.rel @p0 .LBB2_1-.Ltmp1, $4  }
0x6f: {  	[hbm4b:s9+s1] =	stream.linear.scatter [tilespmem:s18], [sflag:$0x2], $0x4000, $0x38;
	[tilespmem:$0x8100] =	vst v63  }
0x70: {  	_ =	swait.ge [sflag:s14], $0x4000  }
0x71: {  	[sflag:s14] =	ssyncset.done $0x0  }
0x72: {  	[sflag:s14] =	ssyncadd.s32 $0xFFFFC000  }
0x73: {  	_ =	sfence.sel $0x180000  }
0x74: {  	[bflag:$0x0] =	sbarrier.arrive $0xFFFF  }
0x75: {  	p0 =	sne.s32 s2, $0x0;
	_ =	strace $0x90000050  }
0x76: {  	s0 =	sadd.s32 @!p0 $0x100000, s0;
	[bflag:$0x2] =	sbarrier.arrive $0xFFFF  }
0x77: {  	[sflag:s0] =	ssyncadd.tile.s32 @!p0 $0x1;
	_ =	shalt  }
.Lfunc_end2:
_tile_overlayer_lowered:
.L_overlay_start_2:
0x78: {  	(tag) =	ssettag $0x2  }
0x79: {  	s0 =	rddreg [dreg:$0x0];
	s2 =	stileid.u32  }
0x7a: {  	s1 =	rddreg [dreg:$0x1];
	p0 =	sne.s32 s2, $0x0  }
0x7b: {  	s3 =	rddreg [dreg:$0x2];
	[bflag:$0x3] =	sbarrier.arrive $0xFFFF;
	s2 =	simm.s32 @!p0 $0x1C02  }
0x7c: {  	[timem:s3], [sflag:s2] =	dma.local @!p0 [hbm:s0], s1  }
0x7d: {  	s0 =	simm.s32 @!p0 $0x2  }
0x7e: {  	_ =	swait.ge @!p0 [sflag:s0], s1  }
0x7f: {  	s1 =	ssub.s32 @!p0 $0x0, s1;
	[sflag:s0] =	ssyncset.done @!p0 $0x0  }
0x80: {  	[sflag:s0] =	ssyncadd.s32 @!p0 s1  }
0x81: {  	[bflag:$0x3] =	sbarrier.arrive $0xFFFF  }
0x82: {  	_ =	shalt  }

// kernel: kernel.31.cloned.1.call-start
scs
__scs_entry_jumppad:
0x0: {  	(pc) =	sbr.rel $0x88, $3  }
0x1: {  	(tag) =	ssettag $0x0;
	lr =	simm.s32 $0x1  }
0x2: {  	[smem:$0x3F86] =	sst lr;
	_ =	strace $0xD0000000  }
0x3: {  	_ = 	snop  }
0x4: {  	_ = 	snop  }
0x5: {  	_ = 	snop  }
0x6: {  	_ = 	snop  }
0x7: {  	_ = 	snop  }
__scs_overlays_trampoline_lowered:
0x8: {  	[smem:$0x3F95] =	sst s0  }
0x9: {  	[smem:$0x3F96] =	sst s1  }
0xa: {  	[smem:$0x3F97] =	sst s2  }
0xb: {  	[smem:$0x3F98] =	sst s3  }
0xc: {  	[smem:$0x3F99] =	sst s4  }
0xd: {  	[smem:$0x3F9A] =	sst s5  }
0xe: {  	[smem:$0x3F9B] =	sst s6  }
0xf: {  	[smem:$0x3F9C] =	sst s7  }
0x10: {  	[smem:$0x3F9D] =	sst s8  }
0x11: {  	[smem:$0x3F9E] =	sst s9;
	s0 =	simm.s32 @!p0 $0x0  }
0x12: {  	s1 =	sld [smem:$0x3F84];
	s0 =	simm.s32 @p0 $0x1  }
0x13: {  	[smem:$0x3F9F] =	sst s0;
	s0 =	simm.s32 @!p1 $0x0  }
0x14: {  	s2 =	sld [smem:$0x3F83];
	s0 =	simm.s32 @p1 $0x1  }
0x15: {  	[smem:$0x3FA0] =	sst s0;
	s0 =	simm.s32 @!p2 $0x0  }
0x16: {  	s3 =	sld [smem:$0x3FDB];
	s0 =	simm.s32 @p2 $0x1  }
0x17: {  	s4 =	simm.s32 $0x1BF5;
	[smem:$0x3FA2] =	sst s0  }
0x18: {  	s0 =	sld [smem:$0x3F85];
	_ =	swait.ge [sflag:s4], $0x0  }
0x19: {  	s7 =	sld [smem:$0x3F86]  }
0x1a: {  	s8 =	sadd.s32 $0xFFFFE003, lr  }
0x1b: {  	s9 =	sadd.s32 $0xFFFFFEF7, lr;
	s5 =	simm.s32 $0xFFFFFFFF;
	p2 =	slt.u32 s8, $0xFFFFF086  }
0x1c: {  	p1 =	slt.u32 s9, $0xF7A;
	s5 =	simm.s32 @!p2 $0x0  }
0x1d: {  	s5 =	simm.s32 @p1 $0x1;
	p0 =	seq.s32 s7, s2  }
0x1e: {  	s7 =	smul.u32 @!p0 $0xF7A, s2;
	p2 =	seq.s32 @!p0 s5, $0x0  }
0x1f: {  	s9 =	smul.u32 $0xF7A, s1;
	s8 =	simm.s32 @!p0 $0x1BF5;
	p2 =	por !p2, p0  }
0x20: {  	[sflag:s8] =	ssyncset.s32 @!p0 $0xFFFFF086;
	s6 =	sadd.s32 @!p0 s3, s7;
	s7 =	simm.s32 @!p0 $0x108  }
0x21: {  	s3 =	sadd.s32 s3, s9;
	s6 =	sadd.s32 @!p0 $0x88, s6;
	s7 =	simm.s32 @p2 $0x1082  }
0x22: {  	[simem:s7], [sflag:s8] =	dma.local @!p0 [hbm:s6], $0xF7A  }
0x23: {  	s9 =	sor.u32 $0xD0000000, s2;
	s6 =	simm.s32 $0x108;
	_ =	swait.ge @!p0 [sflag:s8], $0x0  }
0x24: {  	s3 =	sadd.s32 $0x88, s3;
	s6 =	simm.s32 @!p1 $0x1082;
	[sflag:s4] =	ssyncset.s32 $0xFFFFF086  }
0x25: {  	[simem:s6], [sflag:s4] =	dma.local [hbm:s3], $0xF7A  }
0x26: {  	[smem:$0x3F86] =	sst s1;
	(tag) =	ssettag s2;
	_ =	strace s9  }
0x27: {  	s1 =	sld [smem:$0x3F96]  }
0x28: {  	s2 =	sld [smem:$0x3F97]  }
0x29: {  	s4 =	sld [smem:$0x3F99]  }
0x2a: {  	p0 =	seq.s32 s5, $0x0;
	s5 =	sld [smem:$0x3F9A]  }
0x2b: {  	s6 =	sld [smem:$0x3F9B]  }
0x2c: {  	s7 =	sld [smem:$0x3F9C]  }
0x2d: {  	s3 =	simm.s32 $0x108;
	s8 =	sld [smem:$0x3F9D]  }
0x2e: {  	s3 =	simm.s32 @!p0 $0x1082;
	s9 =	sld [smem:$0x3F9E]  }
0x2f: {  	lr =	sadd.s32 s0, s3;
	s0 =	sld [smem:$0x3F95]  }
0x30: {  	s3 =	sld [smem:$0x3F98]  }
0x31: {  	[smem:$0x3FA1] =	sst s10  }
0x32: {  	s10 =	sld [smem:$0x3F9F];
	_ =	sdelay $0x3  }
0x33: {  	p0 =	seq.s32 s10, $0x1;
	s10 =	sld [smem:$0x3FA1];
	_ =	sdelay $0x3  }
0x34: {  	[smem:$0x3FA1] =	sst s10  }
0x35: {  	s10 =	sld [smem:$0x3FA0];
	_ =	sdelay $0x3  }
0x36: {  	p1 =	seq.s32 s10, $0x1;
	s10 =	sld [smem:$0x3FA1];
	_ =	sdelay $0x3  }
0x37: {  	[smem:$0x3FA1] =	sst s10  }
0x38: {  	s10 =	sld [smem:$0x3FA2]  }
0x39: {  	_ = 	snop;
	(pc) =	sbr.ind lr, $3  }
0x3a: {  	_ = 	snop  }
0x3b: {  	_ = 	snop  }
0x3c: {  	p2 =	seq.s32 s10, $0x1;
	s10 =	sld [smem:$0x3FA1]  }
0x3d: {  	_ =	shalt  }
0x3e: {  	_ =	shalt  }
0x3f: {  	_ =	shalt  }
0x40: {  	_ =	shalt  }
0x41: {  	_ =	shalt  }
0x42: {  	_ =	shalt  }
0x43: {  	_ =	shalt  }
0x44: {  	_ =	shalt  }
0x45: {  	_ =	shalt  }
0x46: {  	_ =	shalt  }
0x47: {  	_ =	shalt  }
0x48: {  	_ =	shalt  }
0x49: {  	_ =	shalt  }
0x4a: {  	_ =	shalt  }
0x4b: {  	_ =	shalt  }
0x4c: {  	_ =	shalt  }
0x4d: {  	_ =	shalt  }
0x4e: {  	_ =	shalt  }
0x4f: {  	_ =	shalt  }
0x50: {  	_ =	shalt  }
0x51: {  	_ =	shalt  }
0x52: {  	_ =	shalt  }
0x53: {  	_ =	shalt  }
0x54: {  	_ =	shalt  }
0x55: {  	_ =	shalt  }
0x56: {  	_ =	shalt  }
0x57: {  	_ =	shalt  }
0x58: {  	_ =	shalt  }
0x59: {  	_ =	shalt  }
0x5a: {  	_ =	shalt  }
0x5b: {  	_ =	shalt  }
0x5c: {  	_ =	shalt  }
0x5d: {  	_ =	shalt  }
0x5e: {  	_ =	shalt  }
0x5f: {  	_ =	shalt  }
0x60: {  	_ =	shalt  }
0x61: {  	_ =	shalt  }
0x62: {  	_ =	shalt  }
0x63: {  	_ =	shalt  }
0x64: {  	_ =	shalt  }
0x65: {  	_ =	shalt  }
0x66: {  	_ =	shalt  }
0x67: {  	_ =	shalt  }
0x68: {  	_ =	shalt  }
0x69: {  	_ =	shalt  }
0x6a: {  	_ =	shalt  }
0x6b: {  	_ =	shalt  }
0x6c: {  	_ =	shalt  }
0x6d: {  	_ =	shalt  }
0x6e: {  	_ =	shalt  }
0x6f: {  	_ =	shalt  }
0x70: {  	_ =	shalt  }
0x71: {  	_ =	shalt  }
0x72: {  	_ =	shalt  }
0x73: {  	_ =	shalt  }
0x74: {  	_ =	shalt  }
0x75: {  	_ =	shalt  }
0x76: {  	_ =	shalt  }
0x77: {  	_ =	shalt  }
0x78: {  	_ =	shalt  }
0x79: {  	_ =	shalt  }
0x7a: {  	_ =	shalt  }
0x7b: {  	_ =	shalt  }
0x7c: {  	_ =	shalt  }
0x7d: {  	_ =	shalt  }
0x7e: {  	_ =	shalt  }
0x7f: {  	_ =	shalt  }
0x80: {  	_ =	shalt  }
0x81: {  	_ =	shalt  }
0x82: {  	_ =	shalt  }
0x83: {  	_ =	shalt  }
0x84: {  	_ =	shalt  }
0x85: {  	_ =	shalt  }
0x86: {  	_ =	shalt  }
0x87: {  	_ =	shalt  }
.Lfunc_end0:
.L_simem_size_0:
called_computation.4_lowered:
.L_overlay_start_0:
0x88: {  	s2 =	sld [smem:$0x3FD9]  }
0x89: {  	s3 =	sld [smem:$0x3FFE];
	_ =	sdelay $0x1  }
0x8a: {  	s1 =	srdreg.scid  }
0x8b: {  	s0 =	sand.u32 $0x1, s1  }
0x8c: {  	s16 =	sshll.u32 s0, $0xA;
	s2 =	sadd.s32 s3, s2  }
0x8d: {  	s2 =	sadd.s32 s2, s16  }
0x8e: {  	[smem:$0x3FAD] =	sst s2  }
0x8f: {  	_ = 	snop  }
0x90: {  	(tm) =	ssettm $0x1  }
0x91: {  	s17 =	sld [smem:$0x3FFB];
	_ =	sdelay $0x3  }
0x92: {  	_ =	strace s17  }
0x93: {  	s2 =	sld [smem:$0x3FFC];
	_ =	sdelay $0x3  }
0x94: {  	_ =	strace s2  }
0x95: {  	s2 =	sld [smem:$0x3FFD];
	_ =	sdelay $0x3  }
0x96: {  	_ =	strace s2  }
0x97: {  	_ =	strace $0x8FFFFFFF  }
0x98: {  	s18 =	sld [smem:$0x3FDB];
	_ =	sdelay $0x1  }
0x99: {  	s19 =	simm.s32 $_scs_section_size  }
0x9a: {  	s4 =	simm.s32 $_size__tile_overlayer_lowered;
	s5 =	simm.s32 $_tile_overlayer_lowered  }
0x9b: {  	s22 =	simm.s32 $0x1BFF;
	s21 =	sshll.u32 s5, $0x1;
	s2 =	sadd.s32 s19, s18  }
0x9c: {  	s6 =	simm.s32 $0x0;
	s20 =	sshll.u32 s4, $0x1;
	s4 =	sadd.s32 s21, s2  }
0x9d: {  	[timem:s6], [sflag:s22] =	dma.local [hbm:s4], s20  }
0x9e: {  	_ =	swait.ge [sflag:s22], s20  }
0x9f: {  	s3 =	ssub.s32 $0x0, s20;
	[sflag:s22] =	ssyncset.done $0x0  }
0xa0: {  	[sflag:s22] =	ssyncadd.s32 s3;
	_ =	sdelay $0x1  }
0xa1: {  	s23 =	simm.s32 $0x1B8B  }
0xa2: {  	_ =	swait.ge [sflag:s23], $0x1  }
0xa3: {  	[sflag:s23] =	ssyncset.done $0x0  }
0xa4: {  	s25 =	simm.s32 $0x1B8E;
	s24 =	sld [smem:$0x3FFE];
	[sflag:s23] =	ssyncadd.s32 $0xFFFFFFFF  }
0xa5: {  	s26 =	simm.s32 $execute0_lowered;
	[smem:$0x3FD2] =	sst s25  }
0xa6: {  	s4 =	sshll.u32 s26, $0x1;
	_ =	strace $0x80000052;
	[dreg:$0x1] =	wrdreg $0xFFFFFFFF  }
0xa7: {  	s28 =	simm.s32 $_size_execute0_lowered;
	s2 =	sadd.s32 s2, s4;
	[dreg:$0x0] =	wrdreg $0x0  }
0xa8: {  	s4 =	sshll.u32 s28, $0x1;
	[dreg:$0x2] =	wrdreg s2  }
0xa9: {  	[dreg:$0x3] =	wrdreg s4  }
0xaa: {  	[dreg:$0x4] =	wrdreg $0xC0  }
0xab: {  	_ =	task [dreg:s6], $0x5FFFF  }
0xac: {  	[dreg:$0x1] =	wrdreg $0xFFFFFFFF  }
0xad: {  	[dreg:$0x0] =	wrdreg $0x60  }
0xae: {  	[dreg:$0x2] =	wrdreg s24  }
0xaf: {  	[dreg:$0x3] =	wrdreg $0x40800  }
0xb0: {  	[dreg:$0x4] =	wrdreg $0x9  }
0xb1: {  	_ =	task.clear_ibuf [dreg:s6], $0x5FFFF;
	_ =	strace $0x90000052  }
0xb2: {  	s29 =	simm.s32 $0x9;
	_ =	strace $0x80000054  }
0xb3: {  	_ =	swait.ge [sflag:s29], $0x1  }
0xb4: {  	[sflag:s29] =	ssyncadd.s32 $0xFFFFFFFF  }
0xb5: {  	_ =	strace $0x90000054  }
0xb6: {  	_ =	sfence  }
0xb7: {  	s30 =	sld [smem:$0x0];
	_ =	sdelay $0x2  }
0xb8: {  	s31 =	sshll.u32 s1, $0xD;
	s1 =	sshrl.u32 s1, $0x2  }
0xb9: {  	s3 =	sand.u32 $0x4000, s31;
	s1 =	sadd.s32 s1, s30  }
0xba: {  	s0 =	sor.u32 s3, s0;
	s1 =	sshll.u32 s1, $0x11  }
0xbb: {  	s0 =	sor.u32 s1, s0  }
0xbc: {  	s0 =	sadd.s32 $0x8F2B, s0  }
0xbd: {  	[sflag:s0] =	ssyncadd.remote.s32 $0x1  }
0xbe: {  	_ =	sfence.sel $0xFFFF  }
0xbf: {  	[dreg:$0x0] =	wrdreg $0xFFFFFFFF;
	(pc) =	sbr.abs _section_cstart, $3  }
0xc0: {  	[dreg:$0x1] =	wrdreg $0xFFFFFFFF  }
0xc1: {  	_ =	task.clear_ibuf [dreg:s6], $0x2FFFF;
	_ =	strace $0x9FFFFFFF  }
0xc2: {  	(tm) =	ssettm $0x7FFFFFFF  }
0xc3: {  	_ =	shalt  }
tec
execute0_lowered:
.L_overlay_start_1:
0x0: {  	(tag) =	ssettag $0x1  }
0x1: {  	s4 =	rddreg [dreg:$0x0]  }
0x2: {  	s1 =	rddreg [dreg:$0x1]  }
0x3: {  	s0 =	rddreg [dreg:$0x2]  }
0x4: {  	s2 =	simm.s32 $0x0;
	s3 =	srdreg.scid;
	s9 =	stileid.u32  }
0x5: {  	[smem:$0x7FF] =	sst s2;
	s13 =	smul.u32 $0x2710, s9  }
0x6: {  	s7 =	sand.u32 $0x1, s3;
	s8 =	sadd.s32 $0xAFE000, s4;
	s31 =	smul.u32 $0x27100, s9  }
0x7: {  	s10 =	sadd.s32 $0x13200, s4;
	p0 =	sne.s32 s9, $0x0;
	s5 =	smul.u32 $0x27180, s7  }
0x8: {  	_ =	strace $0x80000053;
	s3 =	sshll.u32 s7, $0x4;
	s28 =	smul.u32 $0x27100, s7  }
0x9: {  	s6 =	ssub.s32 $0x2, s7;
	s14 =	smul.u32 $0x271000, s7;
	s3 =	sor.u32 s9, s3  }
0xa: {  	s11 =	sshrl.u32 s6, $0x1;
	s12 =	smul.u32 $0x2710, s3;
	s3 =	sadd.s32 $0x1E200, s4  }
0xb: {  	s4 =	sadd.s32 s5, s4;
	s25 =	ssub.s32 s6, s11;
	s30 =	sadd.s32 s13, s28  }
0xc: {  	s13 =	simm.s32 $0x0;
	s4 =	sadd.s32 $0xEBC00, s4;
	s26 =	sadd.s32 $0x2690, s12  }
0xd: {  	s5 =	smax.u32 s25, $0x1;
	s12 =	simm.s32 $0x80;
	s11 =	sshll.u32 s26, $0x4  }
0xe: {  	s29 =	sshrl.u32 s26, $0x3;
	s7 =	sadd.s32 s8, s11;
	s8 =	sadd.s32 s14, s8  }
0xf: {  	s6 =	sadd.s32 s10, s29;
	s11 =	sshrl.u32 s30, $0x3;
	s8 =	sadd.s32 s31, s8  }
0x10: {  	v0 =	vimm.s32 $0x2710;
	s9 =	sadd.s32 s11, s10;
	s10 =	sshrl.u32 @!p0 s1, $0x3;
	s11 =	simm.s32 $0x1  }
.LBB2_1:
0x11: {  	s14 =	simm.s32 @!p0 $0x1C01  }
0x12: {  	[spmem:s10], [sflag:s14] =	dma.local @!p0 [hbm:s3], $0x27180  }
0x13: {  	s14 =	simm.s32 @!p0 $0x1  }
0x14: {  	_ =	swait.ge @!p0 [sflag:s14], $0x27180  }
0x15: {  	[sflag:s14] =	ssyncset.done @!p0 $0x0  }
0x16: {  	[sflag:s14] =	ssyncadd.s32 @!p0 $0xFFFD8E80  }
0x17: {  	s31 =	sadd.s32 $0x0, s9;
	[bflag:$0x0] =	sbarrier.arrive $0xFFFF  }
0x18: {  	[tilespmem:s2], [sflag:$0x1] =	stream.linear.gather [hbm4b:s31+s2], $0x80, $0x38;
	[tilespmem:$0x17940] =	vst v63  }
0x19: {  	_ =	swait.ge [sflag:s11], $0x80  }
0x1a: {  	[sflag:s11] =	ssyncset.done $0x0  }
0x1b: {  	[sflag:s11] =	ssyncadd.s32 $0xFFFFFF80  }
0x1c: {  	[tilespmem:s12], [sflag:$0x1] =	stream.linear.gather [hbm4b:s8+s2], $0x4000, $0x38;
	[tilespmem:$0x17940] =	vst v63  }
0x1d: {  	_ =	swait.ge [sflag:s11], $0x4000  }
0x1e: {  	[sflag:s11] =	ssyncset.done $0x0  }
0x1f: {  	[sflag:s11] =	ssyncadd.s32 $0xFFFFC000  }
0x20: {  	[spmem:s1] =	stream.indirect.scatter.add.f32 [tilespmem:s12], [sflag:$0x1], $0x80, s2, s12, $0xb8;
	[tilespmem:$0x17940] =	vst v63  }
0x21: {  	s15 =	simm.s32 $0x10;
	_ =	swait.ge [sflag:s11], $0x4000  }
0x22: {  	s16 =	simm.s32 $0x20;
	s14 =	sadd.s32 $0x800, s8;
	[sflag:s11] =	ssyncset.done $0x0  }
.LBB2_2:
0x23: {  	s17 =	sadd.s32 s15, s9  }
0x24: {  	[sflag:s11] =	ssyncadd.s32 $0xFFFFC000;
	s15 =	smov.u32 s16;
	s18 =	sadd.s32 $0x10, s16  }
0x25: {  	[tilespmem:s2], [sflag:$0x1] =	stream.linear.gather [hbm4b:s17+s2], $0x80, $0x38;
	[tilespmem:$0x17940] =	vst v63  }
0x26: {  	p1 =	sne.s32 s16, $0x4D0;
	_ =	swait.ge [sflag:s11], $0x80  }
0x27: {  	[sflag:s11] =	ssyncset.done $0x0  }
0x28: {  	[sflag:s11] =	ssyncadd.s32 $0xFFFFFF80  }
0x29: {  	[tilespmem:s12], [sflag:$0x1] =	stream.linear.gather [hbm4b:s14+s2], $0x4000, $0x38;
	[tilespmem:$0x17940] =	vst v63  }
0x2a: {  	_ =	swait.ge [sflag:s11], $0x4000  }
.Ltmp0:
0x2b: {  	[sflag:s11] =	ssyncset.done $0x0;
	(pc) =	sbr.rel @p1 .LBB2_2-.Ltmp0, $4  }
0x2c: {  	[sflag:s11] =	ssyncadd.s32 $0xFFFFC000  }
0x2d: {  	[spmem:s1] =	stream.indirect.scatter.add.f32 [tilespmem:s12], [sflag:$0x1], $0x80, s2, s12, $0xb8;
	[tilespmem:$0x17940] =	vst v63  }
0x2e: {  	_ =	swait.ge [sflag:s11], $0x4000  }
0x2f: {  	s16 =	smov.u32 s18;
	s14 =	sadd.s32 $0x800, s14;
	[sflag:s11] =	ssyncset.done $0x0  }
0x30: {  	s15 =	sadd.s32 s15, s9;
	[sflag:s11] =	ssyncadd.s32 $0xFFFFC000  }
0x31: {  	[tilespmem:s2], [sflag:$0x1] =	stream.linear.gather [hbm4b:s15+s2], $0x80, $0x38;
	[tilespmem:$0x17940] =	vst v63  }
0x32: {  	_ =	swait.ge [sflag:s11], $0x80  }
0x33: {  	[sflag:s11] =	ssyncset.done $0x0  }
0x34: {  	[sflag:s11] =	ssyncadd.s32 $0xFFFFFF80  }
0x35: {  	[tilespmem:s12], [sflag:$0x1] =	stream.linear.gather [hbm4b:s14+s2], $0x4000, $0x38;
	[tilespmem:$0x17940] =	vst v63  }
0x36: {  	_ =	swait.ge [sflag:s11], $0x4000  }
0x37: {  	[sflag:s11] =	ssyncset.done $0x0  }
0x38: {  	[sflag:s11] =	ssyncadd.s32 $0xFFFFC000  }
0x39: {  	[spmem:s1] =	stream.indirect.scatter.add.f32 [tilespmem:s12], [sflag:$0x1], $0x80, s2, s12, $0xb8;
	[tilespmem:$0x17940] =	vst v63  }
0x3a: {  	_ =	swait.ge [sflag:s11], $0x4000  }
0x3b: {  	[sflag:s11] =	ssyncset.done $0x0  }
0x3c: {  	[sflag:s11] =	ssyncadd.s32 $0xFFFFC000  }
0x3d: {  	[tilespmem:s2], [sflag:$0x1] =	stream.linear.gather [hbm4b:s6+s2], $0x80, $0x38;
	[tilespmem:$0x17940] =	vst v63  }
0x3e: {  	_ =	swait.ge [sflag:s11], $0x80  }
0x3f: {  	[sflag:s11] =	ssyncset.done $0x0  }
0x40: {  	[sflag:s11] =	ssyncadd.s32 $0xFFFFFF80  }
0x41: {  	[tilespmem:s12], [sflag:$0x1] =	stream.linear.gather [hbm4b:s7+s2], $0x4000, $0x38;
	[tilespmem:$0x17940] =	vst v63  }
0x42: {  	_ =	swait.ge [sflag:s11], $0x4000  }
0x43: {  	[sflag:s11] =	ssyncset.done $0x0  }
0x44: {  	[sflag:s11] =	ssyncadd.s32 $0xFFFFC000  }
0x45: {  	[tilespmem:$0x0] =	vst v0  }
0x46: {  	[tilespmem:$0x10] =	vst v0  }
0x47: {  	[tilespmem:$0x20] =	vst v0  }
0x48: {  	[tilespmem:$0x30] =	vst v0  }
0x49: {  	[tilespmem:$0x40] =	vst v0  }
0x4a: {  	[tilespmem:$0x50] =	vst v0  }
0x4b: {  	[tilespmem:$0x60] =	vst v0  }
0x4c: {  	[spmem:s1] =	stream.indirect.scatter.add.f32 [tilespmem:s12], [sflag:$0x1], $0x80, s2, s12, $0xb8;
	[tilespmem:$0x17940] =	vst v63  }
0x4d: {  	_ =	swait.ge [sflag:s11], $0x4000  }
0x4e: {  	[sflag:s11] =	ssyncset.done $0x0  }
0x4f: {  	s13 =	sadd.s32 $0x1, s13;
	[sflag:s11] =	ssyncadd.s32 $0xFFFFC000  }
0x50: {  	p1 =	sne.s32 s13, s5;
	s14 =	simm.s32 @!p0 $0x1C01;
	[bflag:$0x0] =	sbarrier.arrive $0xFFFF  }
0x51: {  	[hbm:s4], [sflag:s14] =	dma.local @!p0 [spmem:s10], $0x27180  }
.Ltmp1:
0x52: {  	_ = 	snop;
	(pc) =	sbr.rel @p1 .LBB2_1-.Ltmp1, $4  }
0x53: {  	s14 =	simm.s32 @!p0 $0x1  }
0x54: {  	_ =	swait.ge @!p0 [sflag:s14], $0x27180  }
0x55: {  	[sflag:s14] =	ssyncset.done @!p0 $0x0  }
0x56: {  	[sflag:s14] =	ssyncadd.s32 @!p0 $0xFFFD8E80  }
0x57: {  	_ =	sfence.sel $0x180000  }
0x58: {  	[bflag:$0x0] =	sbarrier.arrive $0xFFFF  }
0x59: {  	_ =	strace $0x90000053  }
0x5a: {  	s0 =	sadd.s32 @!p0 $0x100000, s0;
	[bflag:$0x2] =	sbarrier.arrive $0xFFFF  }
0x5b: {  	[sflag:s0] =	ssyncadd.tile.s32 @!p0 $0x1;
	_ =	shalt  }
.Lfunc_end2:
_tile_overlayer_lowered:
.L_overlay_start_2:
0x5c: {  	(tag) =	ssettag $0x2  }
0x5d: {  	s0 =	rddreg [dreg:$0x0];
	s2 =	stileid.u32  }
0x5e: {  	s1 =	rddreg [dreg:$0x1];
	p0 =	sne.s32 s2, $0x0  }
0x5f: {  	s3 =	rddreg [dreg:$0x2];
	[bflag:$0x3] =	sbarrier.arrive $0xFFFF;
	s2 =	simm.s32 @!p0 $0x1C01  }
0x60: {  	[timem:s3], [sflag:s2] =	dma.local @!p0 [hbm:s0], s1  }
0x61: {  	s0 =	simm.s32 @!p0 $0x1  }
0x62: {  	_ =	swait.ge @!p0 [sflag:s0], s1  }
0x63: {  	s1 =	ssub.s32 @!p0 $0x0, s1;
	[sflag:s0] =	ssyncset.done @!p0 $0x0  }
0x64: {  	[sflag:s0] =	ssyncadd.s32 @!p0 s1  }
0x65: {  	[bflag:$0x3] =	sbarrier.arrive $0xFFFF  }
0x66: {  	_ =	shalt  }

// kernel: kernel.34.cloned.1.call-start
scs
__scs_entry_jumppad:
0x0: {  	(pc) =	sbr.rel $0x88, $3  }
0x1: {  	(tag) =	ssettag $0x0;
	lr =	simm.s32 $0x1  }
0x2: {  	[smem:$0x3F86] =	sst lr;
	_ =	strace $0xD0000000  }
0x3: {  	_ = 	snop  }
0x4: {  	_ = 	snop  }
0x5: {  	_ = 	snop  }
0x6: {  	_ = 	snop  }
0x7: {  	_ = 	snop  }
__scs_overlays_trampoline_lowered:
0x8: {  	[smem:$0x3F95] =	sst s0  }
0x9: {  	[smem:$0x3F96] =	sst s1  }
0xa: {  	[smem:$0x3F97] =	sst s2  }
0xb: {  	[smem:$0x3F98] =	sst s3  }
0xc: {  	[smem:$0x3F99] =	sst s4  }
0xd: {  	[smem:$0x3F9A] =	sst s5  }
0xe: {  	[smem:$0x3F9B] =	sst s6  }
0xf: {  	[smem:$0x3F9C] =	sst s7  }
0x10: {  	[smem:$0x3F9D] =	sst s8  }
0x11: {  	[smem:$0x3F9E] =	sst s9;
	s0 =	simm.s32 @!p0 $0x0  }
0x12: {  	s1 =	sld [smem:$0x3F84];
	s0 =	simm.s32 @p0 $0x1  }
0x13: {  	[smem:$0x3F9F] =	sst s0;
	s0 =	simm.s32 @!p1 $0x0  }
0x14: {  	s2 =	sld [smem:$0x3F83];
	s0 =	simm.s32 @p1 $0x1  }
0x15: {  	[smem:$0x3FA0] =	sst s0;
	s0 =	simm.s32 @!p2 $0x0  }
0x16: {  	s3 =	sld [smem:$0x3FDB];
	s0 =	simm.s32 @p2 $0x1  }
0x17: {  	s4 =	simm.s32 $0x1BF5;
	[smem:$0x3FA2] =	sst s0  }
0x18: {  	s0 =	sld [smem:$0x3F85];
	_ =	swait.ge [sflag:s4], $0x0  }
0x19: {  	s7 =	sld [smem:$0x3F86]  }
0x1a: {  	s8 =	sadd.s32 $0xFFFFE003, lr  }
0x1b: {  	s9 =	sadd.s32 $0xFFFFFEF7, lr;
	s5 =	simm.s32 $0xFFFFFFFF;
	p2 =	slt.u32 s8, $0xFFFFF086  }
0x1c: {  	p1 =	slt.u32 s9, $0xF7A;
	s5 =	simm.s32 @!p2 $0x0  }
0x1d: {  	s5 =	simm.s32 @p1 $0x1;
	p0 =	seq.s32 s7, s2  }
0x1e: {  	s7 =	smul.u32 @!p0 $0xF7A, s2;
	p2 =	seq.s32 @!p0 s5, $0x0  }
0x1f: {  	s9 =	smul.u32 $0xF7A, s1;
	s8 =	simm.s32 @!p0 $0x1BF5;
	p2 =	por !p2, p0  }
0x20: {  	[sflag:s8] =	ssyncset.s32 @!p0 $0xFFFFF086;
	s6 =	sadd.s32 @!p0 s3, s7;
	s7 =	simm.s32 @!p0 $0x108  }
0x21: {  	s3 =	sadd.s32 s3, s9;
	s6 =	sadd.s32 @!p0 $0x88, s6;
	s7 =	simm.s32 @p2 $0x1082  }
0x22: {  	[simem:s7], [sflag:s8] =	dma.local @!p0 [hbm:s6], $0xF7A  }
0x23: {  	s9 =	sor.u32 $0xD0000000, s2;
	s6 =	simm.s32 $0x108;
	_ =	swait.ge @!p0 [sflag:s8], $0x0  }
0x24: {  	s3 =	sadd.s32 $0x88, s3;
	s6 =	simm.s32 @!p1 $0x1082;
	[sflag:s4] =	ssyncset.s32 $0xFFFFF086  }
0x25: {  	[simem:s6], [sflag:s4] =	dma.local [hbm:s3], $0xF7A  }
0x26: {  	[smem:$0x3F86] =	sst s1;
	(tag) =	ssettag s2;
	_ =	strace s9  }
0x27: {  	s1 =	sld [smem:$0x3F96]  }
0x28: {  	s2 =	sld [smem:$0x3F97]  }
0x29: {  	s4 =	sld [smem:$0x3F99]  }
0x2a: {  	p0 =	seq.s32 s5, $0x0;
	s5 =	sld [smem:$0x3F9A]  }
0x2b: {  	s6 =	sld [smem:$0x3F9B]  }
0x2c: {  	s7 =	sld [smem:$0x3F9C]  }
0x2d: {  	s3 =	simm.s32 $0x108;
	s8 =	sld [smem:$0x3F9D]  }
0x2e: {  	s3 =	simm.s32 @!p0 $0x1082;
	s9 =	sld [smem:$0x3F9E]  }
0x2f: {  	lr =	sadd.s32 s0, s3;
	s0 =	sld [smem:$0x3F95]  }
0x30: {  	s3 =	sld [smem:$0x3F98]  }
0x31: {  	[smem:$0x3FA1] =	sst s10  }
0x32: {  	s10 =	sld [smem:$0x3F9F];
	_ =	sdelay $0x3  }
0x33: {  	p0 =	seq.s32 s10, $0x1;
	s10 =	sld [smem:$0x3FA1];
	_ =	sdelay $0x3  }
0x34: {  	[smem:$0x3FA1] =	sst s10  }
0x35: {  	s10 =	sld [smem:$0x3FA0];
	_ =	sdelay $0x3  }
0x36: {  	p1 =	seq.s32 s10, $0x1;
	s10 =	sld [smem:$0x3FA1];
	_ =	sdelay $0x3  }
0x37: {  	[smem:$0x3FA1] =	sst s10  }
0x38: {  	s10 =	sld [smem:$0x3FA2]  }
0x39: {  	_ = 	snop;
	(pc) =	sbr.ind lr, $3  }
0x3a: {  	_ = 	snop  }
0x3b: {  	_ = 	snop  }
0x3c: {  	p2 =	seq.s32 s10, $0x1;
	s10 =	sld [smem:$0x3FA1]  }
0x3d: {  	_ =	shalt  }
0x3e: {  	_ =	shalt  }
0x3f: {  	_ =	shalt  }
0x40: {  	_ =	shalt  }
0x41: {  	_ =	shalt  }
0x42: {  	_ =	shalt  }
0x43: {  	_ =	shalt  }
0x44: {  	_ =	shalt  }
0x45: {  	_ =	shalt  }
0x46: {  	_ =	shalt  }
0x47: {  	_ =	shalt  }
0x48: {  	_ =	shalt  }
0x49: {  	_ =	shalt  }
0x4a: {  	_ =	shalt  }
0x4b: {  	_ =	shalt  }
0x4c: {  	_ =	shalt  }
0x4d: {  	_ =	shalt  }
0x4e: {  	_ =	shalt  }
0x4f: {  	_ =	shalt  }
0x50: {  	_ =	shalt  }
0x51: {  	_ =	shalt  }
0x52: {  	_ =	shalt  }
0x53: {  	_ =	shalt  }
0x54: {  	_ =	shalt  }
0x55: {  	_ =	shalt  }
0x56: {  	_ =	shalt  }
0x57: {  	_ =	shalt  }
0x58: {  	_ =	shalt  }
0x59: {  	_ =	shalt  }
0x5a: {  	_ =	shalt  }
0x5b: {  	_ =	shalt  }
0x5c: {  	_ =	shalt  }
0x5d: {  	_ =	shalt  }
0x5e: {  	_ =	shalt  }
0x5f: {  	_ =	shalt  }
0x60: {  	_ =	shalt  }
0x61: {  	_ =	shalt  }
0x62: {  	_ =	shalt  }
0x63: {  	_ =	shalt  }
0x64: {  	_ =	shalt  }
0x65: {  	_ =	shalt  }
0x66: {  	_ =	shalt  }
0x67: {  	_ =	shalt  }
0x68: {  	_ =	shalt  }
0x69: {  	_ =	shalt  }
0x6a: {  	_ =	shalt  }
0x6b: {  	_ =	shalt  }
0x6c: {  	_ =	shalt  }
0x6d: {  	_ =	shalt  }
0x6e: {  	_ =	shalt  }
0x6f: {  	_ =	shalt  }
0x70: {  	_ =	shalt  }
0x71: {  	_ =	shalt  }
0x72: {  	_ =	shalt  }
0x73: {  	_ =	shalt  }
0x74: {  	_ =	shalt  }
0x75: {  	_ =	shalt  }
0x76: {  	_ =	shalt  }
0x77: {  	_ =	shalt  }
0x78: {  	_ =	shalt  }
0x79: {  	_ =	shalt  }
0x7a: {  	_ =	shalt  }
0x7b: {  	_ =	shalt  }
0x7c: {  	_ =	shalt  }
0x7d: {  	_ =	shalt  }
0x7e: {  	_ =	shalt  }
0x7f: {  	_ =	shalt  }
0x80: {  	_ =	shalt  }
0x81: {  	_ =	shalt  }
0x82: {  	_ =	shalt  }
0x83: {  	_ =	shalt  }
0x84: {  	_ =	shalt  }
0x85: {  	_ =	shalt  }
0x86: {  	_ =	shalt  }
0x87: {  	_ =	shalt  }
.Lfunc_end0:
.L_simem_size_0:
called_computation.5_lowered:
.L_overlay_start_0:
0x88: {  	s2 =	sld [smem:$0x3FD9]  }
0x89: {  	s3 =	sld [smem:$0x3FFE];
	_ =	sdelay $0x1  }
0x8a: {  	s1 =	srdreg.scid  }
0x8b: {  	s0 =	sand.u32 $0x1, s1  }
0x8c: {  	s16 =	sshll.u32 s0, $0xA;
	s2 =	sadd.s32 s3, s2  }
0x8d: {  	s2 =	sadd.s32 s2, s16  }
0x8e: {  	[smem:$0x3FAD] =	sst s2  }
0x8f: {  	_ = 	snop  }
0x90: {  	(tm) =	ssettm $0x1  }
0x91: {  	s17 =	sld [smem:$0x3FFB];
	_ =	sdelay $0x3  }
0x92: {  	_ =	strace s17  }
0x93: {  	s2 =	sld [smem:$0x3FFC];
	_ =	sdelay $0x3  }
0x94: {  	_ =	strace s2  }
0x95: {  	s2 =	sld [smem:$0x3FFD];
	_ =	sdelay $0x3  }
0x96: {  	_ =	strace s2  }
0x97: {  	_ =	strace $0x8FFFFFFF  }
0x98: {  	s18 =	sld [smem:$0x3FDB];
	_ =	sdelay $0x1  }
0x99: {  	s19 =	simm.s32 $_scs_section_size  }
0x9a: {  	s4 =	simm.s32 $_size__tile_overlayer_lowered;
	s5 =	simm.s32 $_tile_overlayer_lowered  }
0x9b: {  	s22 =	simm.s32 $0x1BFF;
	s21 =	sshll.u32 s5, $0x1;
	s2 =	sadd.s32 s19, s18  }
0x9c: {  	s6 =	simm.s32 $0x0;
	s20 =	sshll.u32 s4, $0x1;
	s4 =	sadd.s32 s21, s2  }
0x9d: {  	[timem:s6], [sflag:s22] =	dma.local [hbm:s4], s20  }
0x9e: {  	_ =	swait.ge [sflag:s22], s20  }
0x9f: {  	s3 =	ssub.s32 $0x0, s20;
	[sflag:s22] =	ssyncset.done $0x0  }
0xa0: {  	[sflag:s22] =	ssyncadd.s32 s3;
	_ =	sdelay $0x1  }
0xa1: {  	s23 =	simm.s32 $0x1B8B  }
0xa2: {  	_ =	swait.ge [sflag:s23], $0x1  }
0xa3: {  	[sflag:s23] =	ssyncset.done $0x0  }
0xa4: {  	s25 =	simm.s32 $0x1B8E;
	s24 =	sld [smem:$0x3FFE];
	[sflag:s23] =	ssyncadd.s32 $0xFFFFFFFF  }
0xa5: {  	s26 =	simm.s32 $execute0_lowered;
	[smem:$0x3FD2] =	sst s25  }
0xa6: {  	s4 =	sshll.u32 s26, $0x1;
	_ =	strace $0x80000055;
	[dreg:$0x1] =	wrdreg $0xFFFFFFFF  }
0xa7: {  	s28 =	simm.s32 $_size_execute0_lowered;
	s2 =	sadd.s32 s2, s4;
	[dreg:$0x0] =	wrdreg $0x0  }
0xa8: {  	s4 =	sshll.u32 s28, $0x1;
	[dreg:$0x2] =	wrdreg s2  }
0xa9: {  	[dreg:$0x3] =	wrdreg s4  }
0xaa: {  	[dreg:$0x4] =	wrdreg $0xC0  }
0xab: {  	_ =	task [dreg:s6], $0x5FFFF  }
0xac: {  	[dreg:$0x1] =	wrdreg $0xFFFFFFFF  }
0xad: {  	[dreg:$0x0] =	wrdreg $0x60  }
0xae: {  	[dreg:$0x2] =	wrdreg s24  }
0xaf: {  	[dreg:$0x3] =	wrdreg $0x9  }
0xb0: {  	_ =	task.clear_ibuf [dreg:s6], $0x4FFFF;
	_ =	strace $0x90000055  }
0xb1: {  	s29 =	simm.s32 $0x9;
	_ =	strace $0x80000057  }
0xb2: {  	_ =	swait.ge [sflag:s29], $0x1  }
0xb3: {  	[sflag:s29] =	ssyncadd.s32 $0xFFFFFFFF  }
0xb4: {  	_ =	strace $0x90000057  }
0xb5: {  	_ =	sfence  }
0xb6: {  	s30 =	sld [smem:$0x0];
	_ =	sdelay $0x2  }
0xb7: {  	s31 =	sshll.u32 s1, $0xD;
	s1 =	sshrl.u32 s1, $0x2  }
0xb8: {  	s3 =	sand.u32 $0x4000, s31;
	s1 =	sadd.s32 s1, s30  }
0xb9: {  	s0 =	sor.u32 s3, s0;
	s1 =	sshll.u32 s1, $0x11  }
0xba: {  	s0 =	sor.u32 s1, s0  }
0xbb: {  	s0 =	sadd.s32 $0x8F2B, s0  }
0xbc: {  	[sflag:s0] =	ssyncadd.remote.s32 $0x1  }
0xbd: {  	_ =	sfence.sel $0xFFFF  }
0xbe: {  	[dreg:$0x0] =	wrdreg $0xFFFFFFFF;
	(pc) =	sbr.abs _section_cstart, $3  }
0xbf: {  	[dreg:$0x1] =	wrdreg $0xFFFFFFFF  }
0xc0: {  	_ =	task.clear_ibuf [dreg:s6], $0x2FFFF;
	_ =	strace $0x9FFFFFFF  }
0xc1: {  	(tm) =	ssettm $0x7FFFFFFF  }
tec
execute0_lowered:
.L_overlay_start_1:
0x0: {  	(tag) =	ssettag $0x1  }
0x1: {  	s5 =	rddreg [dreg:$0x0]  }
0x2: {  	s0 =	rddreg [dreg:$0x1];
	s1 =	simm.s32 $0x0;
	s2 =	srdreg.scid  }
0x3: {  	s18 =	simm.s32 $0x4100;
	s19 =	simm.s32 $0x0;
	[smem:$0x7FF] =	sst s1  }
0x4: {  	s6 =	sand.u32 $0x1, s2;
	s3 =	sadd.s32 $0x9D800, s5;
	s2 =	stileid.u32  }
0x5: {  	s4 =	sadd.s32 $0xEBC00, s5;
	s13 =	sadd.s32 $0x13200, s5;
	s14 =	smul.u32 $0x271000, s6  }
0x6: {  	s12 =	sadd.s32 $0x9400, s5;
	s10 =	sadd.s32 $0x112E00, s5;
	s15 =	smul.u32 $0x27100, s6  }
0x7: {  	s11 =	sadd.s32 $0x5F4E00, s5;
	s7 =	sshll.u32 s6, $0x4;
	s16 =	smul.u32 $0x2710, s2  }
0x8: {  	s8 =	ssub.s32 $0x2, s6;
	s17 =	smul.u32 $0x27100, s2;
	s7 =	sor.u32 s2, s7  }
0x9: {  	_ =	strace $0x80000056;
	s29 =	sshrl.u32 s8, $0x1;
	s7 =	smul.u32 $0x2710, s7  }
0xa: {  	s5 =	ssub.s32 s8, s29;
	s15 =	sadd.s32 s16, s15;
	s16 =	simm.s32 $0x100  }
0xb: {  	s5 =	smax.u32 s5, $0x1;
	s31 =	sshrl.u32 s15, $0x3;
	s7 =	sadd.s32 $0x2690, s7  }
0xc: {  	s15 =	simm.s32 $0x80;
	s30 =	sshrl.u32 s7, $0x3;
	s9 =	sshll.u32 s7, $0x4  }
0xd: {  	s6 =	sadd.s32 s13, s30;
	s7 =	sadd.s32 s12, s30;
	s8 =	sadd.s32 s10, s9  }
0xe: {  	s9 =	sadd.s32 s11, s9;
	s10 =	sadd.s32 s14, s10;
	s11 =	sadd.s32 s14, s11  }
0xf: {  	s12 =	sadd.s32 s31, s12;
	s13 =	sadd.s32 s31, s13;
	s14 =	simm.s32 $0x2  }
0x10: {  	s10 =	sadd.s32 s17, s10;
	s11 =	sadd.s32 s17, s11;
	s17 =	simm.s32 $0x1  }
.LBB2_1:
0x11: {  	s20 =	sadd.s32 $0x0, s13  }
0x12: {  	[tilespmem:s1], [sflag:$0x2] =	stream.linear.gather [hbm4b:s20+s1], $0x80, $0x38;
	[tilespmem:$0x8100] =	vst v63  }
0x13: {  	_ =	swait.ge [sflag:s14], $0x80  }
0x14: {  	[sflag:s14] =	ssyncset.done $0x0  }
0x15: {  	s31 =	sadd.s32 $0x0, s12;
	[sflag:s14] =	ssyncadd.s32 $0xFFFFFF80  }
0x16: {  	[tilespmem:s15], [sflag:$0x2] =	stream.linear.gather [hbm4b:s31+s1], $0x80, $0x38;
	[tilespmem:$0x8100] =	vst v63  }
0x17: {  	_ =	swait.ge [sflag:s14], $0x80  }
0x18: {  	[sflag:s14] =	ssyncset.done $0x0  }
0x19: {  	[sflag:s14] =	ssyncadd.s32 $0xFFFFFF80  }
0x1a: {  	[tilespmem:s16], [sflag:$0x1] =	stream.indirect.gather [hbm4b:s3+s15], $0x80, s1, s15, $0xb8;
	[tilespmem:$0x8100] =	vst v63  }
0x1b: {  	_ =	swait.ge [sflag:s17], $0x4000  }
0x1c: {  	[sflag:s17] =	ssyncset.done $0x0  }
0x1d: {  	[sflag:s17] =	ssyncadd.s32 $0xFFFFC000  }
0x1e: {  	[tilespmem:s18], [sflag:$0x1] =	stream.indirect.gather [hbm4b:s4+s15], $0x80, s15, s15, $0xb8;
	[tilespmem:$0x8100] =	vst v63  }
0x1f: {  	_ =	swait.ge [sflag:s17], $0x4000  }
0x20: {  	[sflag:s17] =	ssyncset.done $0x0  }
0x21: {  	[sflag:s17] =	ssyncadd.s32 $0xFFFFC000  }
0x22: {  	[hbm4b:s10+s1] =	stream.linear.scatter [tilespmem:s16], [sflag:$0x2], $0x4000, $0x38;
	[tilespmem:$0x8100] =	vst v63  }
0x23: {  	_ =	swait.ge [sflag:s14], $0x4000  }
0x24: {  	[sflag:s14] =	ssyncset.done $0x0  }
0x25: {  	[sflag:s14] =	ssyncadd.s32 $0xFFFFC000  }
0x26: {  	[hbm4b:s11+s1] =	stream.linear.scatter [tilespmem:s18], [sflag:$0x2], $0x4000, $0x38;
	[tilespmem:$0x8100] =	vst v63  }
0x27: {  	s22 =	simm.s32 $0x10;
	s23 =	simm.s32 $0x20;
	_ =	swait.ge [sflag:s14], $0x4000  }
0x28: {  	s21 =	sadd.s32 $0x800, s10;
	s20 =	sadd.s32 $0x800, s11;
	[sflag:s14] =	ssyncset.done $0x0  }
.LBB2_2:
0x29: {  	s24 =	sadd.s32 s22, s13  }
0x2a: {  	[sflag:s14] =	ssyncadd.s32 $0xFFFFC000;
	s25 =	smov.u32 s23;
	s26 =	sadd.s32 $0x10, s23  }
0x2b: {  	[tilespmem:s1], [sflag:$0x2] =	stream.linear.gather [hbm4b:s24+s1], $0x80, $0x38;
	[tilespmem:$0x8100] =	vst v63  }
0x2c: {  	p0 =	sne.s32 s23, $0x4D0;
	_ =	swait.ge [sflag:s14], $0x80  }
0x2d: {  	[sflag:s14] =	ssyncset.done $0x0  }
0x2e: {  	s23 =	sadd.s32 s22, s12;
	s22 =	smov.u32 s25;
	[sflag:s14] =	ssyncadd.s32 $0xFFFFFF80  }
0x2f: {  	[tilespmem:s15], [sflag:$0x2] =	stream.linear.gather [hbm4b:s23+s1], $0x80, $0x38;
	[tilespmem:$0x8100] =	vst v63  }
0x30: {  	_ =	swait.ge [sflag:s14], $0x80  }
0x31: {  	[sflag:s14] =	ssyncset.done $0x0  }
0x32: {  	[sflag:s14] =	ssyncadd.s32 $0xFFFFFF80  }
0x33: {  	[tilespmem:s16], [sflag:$0x1] =	stream.indirect.gather [hbm4b:s3+s15], $0x80, s1, s15, $0xb8;
	[tilespmem:$0x8100] =	vst v63  }
0x34: {  	_ =	swait.ge [sflag:s17], $0x4000  }
0x35: {  	[sflag:s17] =	ssyncset.done $0x0  }
0x36: {  	[sflag:s17] =	ssyncadd.s32 $0xFFFFC000  }
0x37: {  	[tilespmem:s18], [sflag:$0x1] =	stream.indirect.gather [hbm4b:s4+s15], $0x80, s15, s15, $0xb8;
	[tilespmem:$0x8100] =	vst v63  }
0x38: {  	_ =	swait.ge [sflag:s17], $0x4000  }
0x39: {  	[sflag:s17] =	ssyncset.done $0x0  }
0x3a: {  	[sflag:s17] =	ssyncadd.s32 $0xFFFFC000  }
0x3b: {  	[hbm4b:s21+s1] =	stream.linear.scatter [tilespmem:s16], [sflag:$0x2], $0x4000, $0x38;
	[tilespmem:$0x8100] =	vst v63  }
0x3c: {  	_ =	swait.ge [sflag:s14], $0x4000  }
.Ltmp0:
0x3d: {  	[sflag:s14] =	ssyncset.done $0x0;
	(pc) =	sbr.rel @p0 .LBB2_2-.Ltmp0, $4  }
0x3e: {  	[sflag:s14] =	ssyncadd.s32 $0xFFFFC000  }
0x3f: {  	[hbm4b:s20+s1] =	stream.linear.scatter [tilespmem:s18], [sflag:$0x2], $0x4000, $0x38;
	[tilespmem:$0x8100] =	vst v63  }
0x40: {  	s23 =	smov.u32 s26;
	_ =	swait.ge [sflag:s14], $0x4000  }
0x41: {  	s21 =	sadd.s32 $0x800, s21;
	s20 =	sadd.s32 $0x800, s20;
	[sflag:s14] =	ssyncset.done $0x0  }
0x42: {  	s23 =	sadd.s32 s22, s13;
	[sflag:s14] =	ssyncadd.s32 $0xFFFFC000  }
0x43: {  	[tilespmem:s1], [sflag:$0x2] =	stream.linear.gather [hbm4b:s23+s1], $0x80, $0x38;
	[tilespmem:$0x8100] =	vst v63  }
0x44: {  	_ =	swait.ge [sflag:s14], $0x80  }
0x45: {  	[sflag:s14] =	ssyncset.done $0x0  }
0x46: {  	s31 =	sadd.s32 s22, s12;
	[sflag:s14] =	ssyncadd.s32 $0xFFFFFF80  }
0x47: {  	[tilespmem:s15], [sflag:$0x2] =	stream.linear.gather [hbm4b:s31+s1], $0x80, $0x38;
	[tilespmem:$0x8100] =	vst v63  }
0x48: {  	_ =	swait.ge [sflag:s14], $0x80  }
0x49: {  	[sflag:s14] =	ssyncset.done $0x0  }
0x4a: {  	[sflag:s14] =	ssyncadd.s32 $0xFFFFFF80  }
0x4b: {  	[tilespmem:s16], [sflag:$0x1] =	stream.indirect.gather [hbm4b:s3+s15], $0x80, s1, s15, $0xb8;
	[tilespmem:$0x8100] =	vst v63  }
0x4c: {  	_ =	swait.ge [sflag:s17], $0x4000  }
0x4d: {  	[sflag:s17] =	ssyncset.done $0x0  }
0x4e: {  	[sflag:s17] =	ssyncadd.s32 $0xFFFFC000  }
0x4f: {  	[tilespmem:s18], [sflag:$0x1] =	stream.indirect.gather [hbm4b:s4+s15], $0x80, s15, s15, $0xb8;
	[tilespmem:$0x8100] =	vst v63  }
0x50: {  	_ =	swait.ge [sflag:s17], $0x4000  }
0x51: {  	[sflag:s17] =	ssyncset.done $0x0  }
0x52: {  	[sflag:s17] =	ssyncadd.s32 $0xFFFFC000  }
0x53: {  	[hbm4b:s21+s1] =	stream.linear.scatter [tilespmem:s16], [sflag:$0x2], $0x4000, $0x38;
	[tilespmem:$0x8100] =	vst v63  }
0x54: {  	_ =	swait.ge [sflag:s14], $0x4000  }
0x55: {  	[sflag:s14] =	ssyncset.done $0x0  }
0x56: {  	[sflag:s14] =	ssyncadd.s32 $0xFFFFC000  }
0x57: {  	[hbm4b:s20+s1] =	stream.linear.scatter [tilespmem:s18], [sflag:$0x2], $0x4000, $0x38;
	[tilespmem:$0x8100] =	vst v63  }
0x58: {  	_ =	swait.ge [sflag:s14], $0x4000  }
0x59: {  	[sflag:s14] =	ssyncset.done $0x0  }
0x5a: {  	[sflag:s14] =	ssyncadd.s32 $0xFFFFC000  }
0x5b: {  	[tilespmem:s1], [sflag:$0x2] =	stream.linear.gather [hbm4b:s6+s1], $0x80, $0x38;
	[tilespmem:$0x8100] =	vst v63  }
0x5c: {  	_ =	swait.ge [sflag:s14], $0x80  }
0x5d: {  	[sflag:s14] =	ssyncset.done $0x0  }
0x5e: {  	[sflag:s14] =	ssyncadd.s32 $0xFFFFFF80  }
0x5f: {  	[tilespmem:s15], [sflag:$0x2] =	stream.linear.gather [hbm4b:s7+s1], $0x80, $0x38;
	[tilespmem:$0x8100] =	vst v63  }
0x60: {  	_ =	swait.ge [sflag:s14], $0x80  }
0x61: {  	[sflag:s14] =	ssyncset.done $0x0  }
0x62: {  	[sflag:s14] =	ssyncadd.s32 $0xFFFFFF80  }
0x63: {  	[tilespmem:s16], [sflag:$0x1] =	stream.indirect.gather [hbm4b:s3+s15], $0x80, s1, s15, $0xb8;
	[tilespmem:$0x8100] =	vst v63  }
0x64: {  	_ =	swait.ge [sflag:s17], $0x4000  }
0x65: {  	[sflag:s17] =	ssyncset.done $0x0  }
0x66: {  	[sflag:s17] =	ssyncadd.s32 $0xFFFFC000  }
0x67: {  	[tilespmem:s18], [sflag:$0x1] =	stream.indirect.gather [hbm4b:s4+s15], $0x80, s15, s15, $0xb8;
	[tilespmem:$0x8100] =	vst v63  }
0x68: {  	_ =	swait.ge [sflag:s17], $0x4000  }
0x69: {  	[sflag:s17] =	ssyncset.done $0x0  }
0x6a: {  	[sflag:s17] =	ssyncadd.s32 $0xFFFFC000  }
0x6b: {  	[hbm4b:s8+s1] =	stream.linear.scatter [tilespmem:s16], [sflag:$0x2], $0x4000, $0x38;
	[tilespmem:$0x8100] =	vst v63  }
0x6c: {  	s19 =	sadd.s32 $0x1, s19;
	_ =	swait.ge [sflag:s14], $0x4000  }
0x6d: {  	p0 =	sne.s32 s19, s5;
	[sflag:s14] =	ssyncset.done $0x0  }
.Ltmp1:
0x6e: {  	[sflag:s14] =	ssyncadd.s32 $0xFFFFC000;
	(pc) =	sbr.rel @p0 .LBB2_1-.Ltmp1, $4  }
0x6f: {  	[hbm4b:s9+s1] =	stream.linear.scatter [tilespmem:s18], [sflag:$0x2], $0x4000, $0x38;
	[tilespmem:$0x8100] =	vst v63  }
0x70: {  	_ =	swait.ge [sflag:s14], $0x4000  }
0x71: {  	[sflag:s14] =	ssyncset.done $0x0  }
0x72: {  	[sflag:s14] =	ssyncadd.s32 $0xFFFFC000  }
0x73: {  	_ =	sfence.sel $0x180000  }
0x74: {  	[bflag:$0x0] =	sbarrier.arrive $0xFFFF  }
0x75: {  	p0 =	sne.s32 s2, $0x0;
	_ =	strace $0x90000056  }
0x76: {  	s0 =	sadd.s32 @!p0 $0x100000, s0;
	[bflag:$0x2] =	sbarrier.arrive $0xFFFF  }
0x77: {  	[sflag:s0] =	ssyncadd.tile.s32 @!p0 $0x1;
	_ =	shalt  }
.Lfunc_end2:
_tile_overlayer_lowered:
.L_overlay_start_2:
0x78: {  	(tag) =	ssettag $0x2  }
0x79: {  	s0 =	rddreg [dreg:$0x0];
	s2 =	stileid.u32  }
0x7a: {  	s1 =	rddreg [dreg:$0x1];
	p0 =	sne.s32 s2, $0x0  }
0x7b: {  	s3 =	rddreg [dreg:$0x2];
	[bflag:$0x3] =	sbarrier.arrive $0xFFFF;
	s2 =	simm.s32 @!p0 $0x1C02  }
0x7c: {  	[timem:s3], [sflag:s2] =	dma.local @!p0 [hbm:s0], s1  }
0x7d: {  	s0 =	simm.s32 @!p0 $0x2  }
0x7e: {  	_ =	swait.ge @!p0 [sflag:s0], s1  }
0x7f: {  	s1 =	ssub.s32 @!p0 $0x0, s1;
	[sflag:s0] =	ssyncset.done @!p0 $0x0  }
0x80: {  	[sflag:s0] =	ssyncadd.s32 @!p0 s1  }
0x81: {  	[bflag:$0x3] =	sbarrier.arrive $0xFFFF  }
0x82: {  	_ =	shalt  }

// kernel: kernel.37.cloned.1.call-start
scs
__scs_entry_jumppad:
0x0: {  	(pc) =	sbr.rel $0x88, $3  }
0x1: {  	(tag) =	ssettag $0x0;
	lr =	simm.s32 $0x1  }
0x2: {  	[smem:$0x3F86] =	sst lr;
	_ =	strace $0xD0000000  }
0x3: {  	_ = 	snop  }
0x4: {  	_ = 	snop  }
0x5: {  	_ = 	snop  }
0x6: {  	_ = 	snop  }
0x7: {  	_ = 	snop  }
__scs_overlays_trampoline_lowered:
0x8: {  	[smem:$0x3F95] =	sst s0  }
0x9: {  	[smem:$0x3F96] =	sst s1  }
0xa: {  	[smem:$0x3F97] =	sst s2  }
0xb: {  	[smem:$0x3F98] =	sst s3  }
0xc: {  	[smem:$0x3F99] =	sst s4  }
0xd: {  	[smem:$0x3F9A] =	sst s5  }
0xe: {  	[smem:$0x3F9B] =	sst s6  }
0xf: {  	[smem:$0x3F9C] =	sst s7  }
0x10: {  	[smem:$0x3F9D] =	sst s8  }
0x11: {  	[smem:$0x3F9E] =	sst s9;
	s0 =	simm.s32 @!p0 $0x0  }
0x12: {  	s1 =	sld [smem:$0x3F84];
	s0 =	simm.s32 @p0 $0x1  }
0x13: {  	[smem:$0x3F9F] =	sst s0;
	s0 =	simm.s32 @!p1 $0x0  }
0x14: {  	s2 =	sld [smem:$0x3F83];
	s0 =	simm.s32 @p1 $0x1  }
0x15: {  	[smem:$0x3FA0] =	sst s0;
	s0 =	simm.s32 @!p2 $0x0  }
0x16: {  	s3 =	sld [smem:$0x3FDB];
	s0 =	simm.s32 @p2 $0x1  }
0x17: {  	s4 =	simm.s32 $0x1BF5;
	[smem:$0x3FA2] =	sst s0  }
0x18: {  	s0 =	sld [smem:$0x3F85];
	_ =	swait.ge [sflag:s4], $0x0  }
0x19: {  	s7 =	sld [smem:$0x3F86]  }
0x1a: {  	s8 =	sadd.s32 $0xFFFFE003, lr  }
0x1b: {  	s9 =	sadd.s32 $0xFFFFFEF7, lr;
	s5 =	simm.s32 $0xFFFFFFFF;
	p2 =	slt.u32 s8, $0xFFFFF086  }
0x1c: {  	p1 =	slt.u32 s9, $0xF7A;
	s5 =	simm.s32 @!p2 $0x0  }
0x1d: {  	s5 =	simm.s32 @p1 $0x1;
	p0 =	seq.s32 s7, s2  }
0x1e: {  	s7 =	smul.u32 @!p0 $0xF7A, s2;
	p2 =	seq.s32 @!p0 s5, $0x0  }
0x1f: {  	s9 =	smul.u32 $0xF7A, s1;
	s8 =	simm.s32 @!p0 $0x1BF5;
	p2 =	por !p2, p0  }
0x20: {  	[sflag:s8] =	ssyncset.s32 @!p0 $0xFFFFF086;
	s6 =	sadd.s32 @!p0 s3, s7;
	s7 =	simm.s32 @!p0 $0x108  }
0x21: {  	s3 =	sadd.s32 s3, s9;
	s6 =	sadd.s32 @!p0 $0x88, s6;
	s7 =	simm.s32 @p2 $0x1082  }
0x22: {  	[simem:s7], [sflag:s8] =	dma.local @!p0 [hbm:s6], $0xF7A  }
0x23: {  	s9 =	sor.u32 $0xD0000000, s2;
	s6 =	simm.s32 $0x108;
	_ =	swait.ge @!p0 [sflag:s8], $0x0  }
0x24: {  	s3 =	sadd.s32 $0x88, s3;
	s6 =	simm.s32 @!p1 $0x1082;
	[sflag:s4] =	ssyncset.s32 $0xFFFFF086  }
0x25: {  	[simem:s6], [sflag:s4] =	dma.local [hbm:s3], $0xF7A  }
0x26: {  	[smem:$0x3F86] =	sst s1;
	(tag) =	ssettag s2;
	_ =	strace s9  }
0x27: {  	s1 =	sld [smem:$0x3F96]  }
0x28: {  	s2 =	sld [smem:$0x3F97]  }
0x29: {  	s4 =	sld [smem:$0x3F99]  }
0x2a: {  	p0 =	seq.s32 s5, $0x0;
	s5 =	sld [smem:$0x3F9A]  }
0x2b: {  	s6 =	sld [smem:$0x3F9B]  }
0x2c: {  	s7 =	sld [smem:$0x3F9C]  }
0x2d: {  	s3 =	simm.s32 $0x108;
	s8 =	sld [smem:$0x3F9D]  }
0x2e: {  	s3 =	simm.s32 @!p0 $0x1082;
	s9 =	sld [smem:$0x3F9E]  }
0x2f: {  	lr =	sadd.s32 s0, s3;
	s0 =	sld [smem:$0x3F95]  }
0x30: {  	s3 =	sld [smem:$0x3F98]  }
0x31: {  	[smem:$0x3FA1] =	sst s10  }
0x32: {  	s10 =	sld [smem:$0x3F9F];
	_ =	sdelay $0x3  }
0x33: {  	p0 =	seq.s32 s10, $0x1;
	s10 =	sld [smem:$0x3FA1];
	_ =	sdelay $0x3  }
0x34: {  	[smem:$0x3FA1] =	sst s10  }
0x35: {  	s10 =	sld [smem:$0x3FA0];
	_ =	sdelay $0x3  }
0x36: {  	p1 =	seq.s32 s10, $0x1;
	s10 =	sld [smem:$0x3FA1];
	_ =	sdelay $0x3  }
0x37: {  	[smem:$0x3FA1] =	sst s10  }
0x38: {  	s10 =	sld [smem:$0x3FA2]  }
0x39: {  	_ = 	snop;
	(pc) =	sbr.ind lr, $3  }
0x3a: {  	_ = 	snop  }
0x3b: {  	_ = 	snop  }
0x3c: {  	p2 =	seq.s32 s10, $0x1;
	s10 =	sld [smem:$0x3FA1]  }
0x3d: {  	_ =	shalt  }
0x3e: {  	_ =	shalt  }
0x3f: {  	_ =	shalt  }
0x40: {  	_ =	shalt  }
0x41: {  	_ =	shalt  }
0x42: {  	_ =	shalt  }
0x43: {  	_ =	shalt  }
0x44: {  	_ =	shalt  }
0x45: {  	_ =	shalt  }
0x46: {  	_ =	shalt  }
0x47: {  	_ =	shalt  }
0x48: {  	_ =	shalt  }
0x49: {  	_ =	shalt  }
0x4a: {  	_ =	shalt  }
0x4b: {  	_ =	shalt  }
0x4c: {  	_ =	shalt  }
0x4d: {  	_ =	shalt  }
0x4e: {  	_ =	shalt  }
0x4f: {  	_ =	shalt  }
0x50: {  	_ =	shalt  }
0x51: {  	_ =	shalt  }
0x52: {  	_ =	shalt  }
0x53: {  	_ =	shalt  }
0x54: {  	_ =	shalt  }
0x55: {  	_ =	shalt  }
0x56: {  	_ =	shalt  }
0x57: {  	_ =	shalt  }
0x58: {  	_ =	shalt  }
0x59: {  	_ =	shalt  }
0x5a: {  	_ =	shalt  }
0x5b: {  	_ =	shalt  }
0x5c: {  	_ =	shalt  }
0x5d: {  	_ =	shalt  }
0x5e: {  	_ =	shalt  }
0x5f: {  	_ =	shalt  }
0x60: {  	_ =	shalt  }
0x61: {  	_ =	shalt  }
0x62: {  	_ =	shalt  }
0x63: {  	_ =	shalt  }
0x64: {  	_ =	shalt  }
0x65: {  	_ =	shalt  }
0x66: {  	_ =	shalt  }
0x67: {  	_ =	shalt  }
0x68: {  	_ =	shalt  }
0x69: {  	_ =	shalt  }
0x6a: {  	_ =	shalt  }
0x6b: {  	_ =	shalt  }
0x6c: {  	_ =	shalt  }
0x6d: {  	_ =	shalt  }
0x6e: {  	_ =	shalt  }
0x6f: {  	_ =	shalt  }
0x70: {  	_ =	shalt  }
0x71: {  	_ =	shalt  }
0x72: {  	_ =	shalt  }
0x73: {  	_ =	shalt  }
0x74: {  	_ =	shalt  }
0x75: {  	_ =	shalt  }
0x76: {  	_ =	shalt  }
0x77: {  	_ =	shalt  }
0x78: {  	_ =	shalt  }
0x79: {  	_ =	shalt  }
0x7a: {  	_ =	shalt  }
0x7b: {  	_ =	shalt  }
0x7c: {  	_ =	shalt  }
0x7d: {  	_ =	shalt  }
0x7e: {  	_ =	shalt  }
0x7f: {  	_ =	shalt  }
0x80: {  	_ =	shalt  }
0x81: {  	_ =	shalt  }
0x82: {  	_ =	shalt  }
0x83: {  	_ =	shalt  }
0x84: {  	_ =	shalt  }
0x85: {  	_ =	shalt  }
0x86: {  	_ =	shalt  }
0x87: {  	_ =	shalt  }
.Lfunc_end0:
.L_simem_size_0:
called_computation.6_lowered:
.L_overlay_start_0:
0x88: {  	s2 =	sld [smem:$0x3FD9]  }
0x89: {  	s3 =	sld [smem:$0x3FFE];
	_ =	sdelay $0x1  }
0x8a: {  	s1 =	srdreg.scid  }
0x8b: {  	s0 =	sand.u32 $0x1, s1  }
0x8c: {  	s16 =	sshll.u32 s0, $0xA;
	s2 =	sadd.s32 s3, s2  }
0x8d: {  	s2 =	sadd.s32 s2, s16  }
0x8e: {  	[smem:$0x3FAD] =	sst s2  }
0x8f: {  	_ = 	snop  }
0x90: {  	(tm) =	ssettm $0x1  }
0x91: {  	s17 =	sld [smem:$0x3FFB];
	_ =	sdelay $0x3  }
0x92: {  	_ =	strace s17  }
0x93: {  	s2 =	sld [smem:$0x3FFC];
	_ =	sdelay $0x3  }
0x94: {  	_ =	strace s2  }
0x95: {  	s2 =	sld [smem:$0x3FFD];
	_ =	sdelay $0x3  }
0x96: {  	_ =	strace s2  }
0x97: {  	_ =	strace $0x8FFFFFFF  }
0x98: {  	s18 =	sld [smem:$0x3FDB];
	_ =	sdelay $0x1  }
0x99: {  	s19 =	simm.s32 $_scs_section_size  }
0x9a: {  	s4 =	simm.s32 $_size__tile_overlayer_lowered;
	s5 =	simm.s32 $_tile_overlayer_lowered  }
0x9b: {  	s22 =	simm.s32 $0x1BFF;
	s21 =	sshll.u32 s5, $0x1;
	s2 =	sadd.s32 s19, s18  }
0x9c: {  	s6 =	simm.s32 $0x0;
	s20 =	sshll.u32 s4, $0x1;
	s4 =	sadd.s32 s21, s2  }
0x9d: {  	[timem:s6], [sflag:s22] =	dma.local [hbm:s4], s20  }
0x9e: {  	_ =	swait.ge [sflag:s22], s20  }
0x9f: {  	s3 =	ssub.s32 $0x0, s20;
	[sflag:s22] =	ssyncset.done $0x0  }
0xa0: {  	[sflag:s22] =	ssyncadd.s32 s3;
	_ =	sdelay $0x1  }
0xa1: {  	s23 =	simm.s32 $0x1B8B  }
0xa2: {  	_ =	swait.ge [sflag:s23], $0x1  }
0xa3: {  	[sflag:s23] =	ssyncset.done $0x0  }
0xa4: {  	s25 =	simm.s32 $0x1B8E;
	s24 =	sld [smem:$0x3FFE];
	[sflag:s23] =	ssyncadd.s32 $0xFFFFFFFF  }
0xa5: {  	s26 =	simm.s32 $execute0_lowered;
	[smem:$0x3FD2] =	sst s25  }
0xa6: {  	s4 =	sshll.u32 s26, $0x1;
	_ =	strace $0x80000058;
	[dreg:$0x1] =	wrdreg $0xFFFFFFFF  }
0xa7: {  	s28 =	simm.s32 $_size_execute0_lowered;
	s2 =	sadd.s32 s2, s4;
	[dreg:$0x0] =	wrdreg $0x0  }
0xa8: {  	s4 =	sshll.u32 s28, $0x1;
	[dreg:$0x2] =	wrdreg s2  }
0xa9: {  	[dreg:$0x3] =	wrdreg s4  }
0xaa: {  	[dreg:$0x4] =	wrdreg $0xC0  }
0xab: {  	_ =	task [dreg:s6], $0x5FFFF  }
0xac: {  	[dreg:$0x1] =	wrdreg $0xFFFFFFFF  }
0xad: {  	[dreg:$0x0] =	wrdreg $0x60  }
0xae: {  	[dreg:$0x2] =	wrdreg s24  }
0xaf: {  	[dreg:$0x3] =	wrdreg $0x40800  }
0xb0: {  	[dreg:$0x4] =	wrdreg $0x9  }
0xb1: {  	_ =	task.clear_ibuf [dreg:s6], $0x5FFFF;
	_ =	strace $0x90000058  }
0xb2: {  	s29 =	simm.s32 $0x9;
	_ =	strace $0x8000005A  }
0xb3: {  	_ =	swait.ge [sflag:s29], $0x1  }
0xb4: {  	[sflag:s29] =	ssyncadd.s32 $0xFFFFFFFF  }
0xb5: {  	_ =	strace $0x9000005A  }
0xb6: {  	_ =	sfence  }
0xb7: {  	s30 =	sld [smem:$0x0];
	_ =	sdelay $0x2  }
0xb8: {  	s31 =	sshll.u32 s1, $0xD;
	s1 =	sshrl.u32 s1, $0x2  }
0xb9: {  	s3 =	sand.u32 $0x4000, s31;
	s1 =	sadd.s32 s1, s30  }
0xba: {  	s0 =	sor.u32 s3, s0;
	s1 =	sshll.u32 s1, $0x11  }
0xbb: {  	s0 =	sor.u32 s1, s0  }
0xbc: {  	s0 =	sadd.s32 $0x8F2B, s0  }
0xbd: {  	[sflag:s0] =	ssyncadd.remote.s32 $0x1  }
0xbe: {  	_ =	sfence.sel $0xFFFF  }
0xbf: {  	[dreg:$0x0] =	wrdreg $0xFFFFFFFF;
	(pc) =	sbr.abs _section_cstart, $3  }
0xc0: {  	[dreg:$0x1] =	wrdreg $0xFFFFFFFF  }
0xc1: {  	_ =	task.clear_ibuf [dreg:s6], $0x2FFFF;
	_ =	strace $0x9FFFFFFF  }
0xc2: {  	(tm) =	ssettm $0x7FFFFFFF  }
0xc3: {  	_ =	shalt  }
tec
execute0_lowered:
.L_overlay_start_1:
0x0: {  	(tag) =	ssettag $0x1  }
0x1: {  	s4 =	rddreg [dreg:$0x0]  }
0x2: {  	s1 =	rddreg [dreg:$0x1]  }
0x3: {  	s0 =	rddreg [dreg:$0x2]  }
0x4: {  	s2 =	simm.s32 $0x0;
	s3 =	srdreg.scid;
	s9 =	stileid.u32  }
0x5: {  	[smem:$0x7FF] =	sst s2;
	s13 =	smul.u32 $0x2710, s9  }
0x6: {  	s7 =	sand.u32 $0x1, s3;
	s8 =	sadd.s32 $0xAD6E00, s4;
	s31 =	smul.u32 $0x27100, s9  }
0x7: {  	s10 =	sadd.s32 $0x13200, s4;
	p0 =	sne.s32 s9, $0x0;
	s5 =	smul.u32 $0x27180, s7  }
0x8: {  	_ =	strace $0x80000059;
	s3 =	sshll.u32 s7, $0x4;
	s28 =	smul.u32 $0x27100, s7  }
0x9: {  	s6 =	ssub.s32 $0x2, s7;
	s14 =	smul.u32 $0x271000, s7;
	s3 =	sor.u32 s9, s3  }
0xa: {  	s11 =	sshrl.u32 s6, $0x1;
	s12 =	smul.u32 $0x2710, s3;
	s3 =	sadd.s32 $0x1E200, s4  }
0xb: {  	s4 =	sadd.s32 s5, s4;
	s25 =	ssub.s32 s6, s11;
	s30 =	sadd.s32 s13, s28  }
0xc: {  	s13 =	simm.s32 $0x0;
	s4 =	sadd.s32 $0xEBC00, s4;
	s26 =	sadd.s32 $0x2690, s12  }
0xd: {  	s5 =	smax.u32 s25, $0x1;
	s12 =	simm.s32 $0x80;
	s11 =	sshll.u32 s26, $0x4  }
0xe: {  	s29 =	sshrl.u32 s26, $0x3;
	s7 =	sadd.s32 s8, s11;
	s8 =	sadd.s32 s14, s8  }
0xf: {  	s6 =	sadd.s32 s10, s29;
	s11 =	sshrl.u32 s30, $0x3;
	s8 =	sadd.s32 s31, s8  }
0x10: {  	v0 =	vimm.s32 $0x2710;
	s9 =	sadd.s32 s11, s10;
	s10 =	sshrl.u32 @!p0 s1, $0x3;
	s11 =	simm.s32 $0x1  }
.LBB2_1:
0x11: {  	s14 =	simm.s32 @!p0 $0x1C01  }
0x12: {  	[spmem:s10], [sflag:s14] =	dma.local @!p0 [hbm:s3], $0x27180  }
0x13: {  	s14 =	simm.s32 @!p0 $0x1  }
0x14: {  	_ =	swait.ge @!p0 [sflag:s14], $0x27180  }
0x15: {  	[sflag:s14] =	ssyncset.done @!p0 $0x0  }
0x16: {  	[sflag:s14] =	ssyncadd.s32 @!p0 $0xFFFD8E80  }
0x17: {  	s31 =	sadd.s32 $0x0, s9;
	[bflag:$0x0] =	sbarrier.arrive $0xFFFF  }
0x18: {  	[tilespmem:s2], [sflag:$0x1] =	stream.linear.gather [hbm4b:s31+s2], $0x80, $0x38;
	[tilespmem:$0x17940] =	vst v63  }
0x19: {  	_ =	swait.ge [sflag:s11], $0x80  }
0x1a: {  	[sflag:s11] =	ssyncset.done $0x0  }
0x1b: {  	[sflag:s11] =	ssyncadd.s32 $0xFFFFFF80  }
0x1c: {  	[tilespmem:s12], [sflag:$0x1] =	stream.linear.gather [hbm4b:s8+s2], $0x4000, $0x38;
	[tilespmem:$0x17940] =	vst v63  }
0x1d: {  	_ =	swait.ge [sflag:s11], $0x4000  }
0x1e: {  	[sflag:s11] =	ssyncset.done $0x0  }
0x1f: {  	[sflag:s11] =	ssyncadd.s32 $0xFFFFC000  }
0x20: {  	[spmem:s1] =	stream.indirect.scatter.add.f32 [tilespmem:s12], [sflag:$0x1], $0x80, s2, s12, $0xb8;
	[tilespmem:$0x17940] =	vst v63  }
0x21: {  	s15 =	simm.s32 $0x10;
	_ =	swait.ge [sflag:s11], $0x4000  }
0x22: {  	s16 =	simm.s32 $0x20;
	s14 =	sadd.s32 $0x800, s8;
	[sflag:s11] =	ssyncset.done $0x0  }
.LBB2_2:
0x23: {  	s17 =	sadd.s32 s15, s9  }
0x24: {  	[sflag:s11] =	ssyncadd.s32 $0xFFFFC000;
	s15 =	smov.u32 s16;
	s18 =	sadd.s32 $0x10, s16  }
0x25: {  	[tilespmem:s2], [sflag:$0x1] =	stream.linear.gather [hbm4b:s17+s2], $0x80, $0x38;
	[tilespmem:$0x17940] =	vst v63  }
0x26: {  	p1 =	sne.s32 s16, $0x4D0;
	_ =	swait.ge [sflag:s11], $0x80  }
0x27: {  	[sflag:s11] =	ssyncset.done $0x0  }
0x28: {  	[sflag:s11] =	ssyncadd.s32 $0xFFFFFF80  }
0x29: {  	[tilespmem:s12], [sflag:$0x1] =	stream.linear.gather [hbm4b:s14+s2], $0x4000, $0x38;
	[tilespmem:$0x17940] =	vst v63  }
0x2a: {  	_ =	swait.ge [sflag:s11], $0x4000  }
.Ltmp0:
0x2b: {  	[sflag:s11] =	ssyncset.done $0x0;
	(pc) =	sbr.rel @p1 .LBB2_2-.Ltmp0, $4  }
0x2c: {  	[sflag:s11] =	ssyncadd.s32 $0xFFFFC000  }
0x2d: {  	[spmem:s1] =	stream.indirect.scatter.add.f32 [tilespmem:s12], [sflag:$0x1], $0x80, s2, s12, $0xb8;
	[tilespmem:$0x17940] =	vst v63  }
0x2e: {  	_ =	swait.ge [sflag:s11], $0x4000  }
0x2f: {  	s16 =	smov.u32 s18;
	s14 =	sadd.s32 $0x800, s14;
	[sflag:s11] =	ssyncset.done $0x0  }
0x30: {  	s15 =	sadd.s32 s15, s9;
	[sflag:s11] =	ssyncadd.s32 $0xFFFFC000  }
0x31: {  	[tilespmem:s2], [sflag:$0x1] =	stream.linear.gather [hbm4b:s15+s2], $0x80, $0x38;
	[tilespmem:$0x17940] =	vst v63  }
0x32: {  	_ =	swait.ge [sflag:s11], $0x80  }
0x33: {  	[sflag:s11] =	ssyncset.done $0x0  }
0x34: {  	[sflag:s11] =	ssyncadd.s32 $0xFFFFFF80  }
0x35: {  	[tilespmem:s12], [sflag:$0x1] =	stream.linear.gather [hbm4b:s14+s2], $0x4000, $0x38;
	[tilespmem:$0x17940] =	vst v63  }
0x36: {  	_ =	swait.ge [sflag:s11], $0x4000  }
0x37: {  	[sflag:s11] =	ssyncset.done $0x0  }
0x38: {  	[sflag:s11] =	ssyncadd.s32 $0xFFFFC000  }
0x39: {  	[spmem:s1] =	stream.indirect.scatter.add.f32 [tilespmem:s12], [sflag:$0x1], $0x80, s2, s12, $0xb8;
	[tilespmem:$0x17940] =	vst v63  }
0x3a: {  	_ =	swait.ge [sflag:s11], $0x4000  }
0x3b: {  	[sflag:s11] =	ssyncset.done $0x0  }
0x3c: {  	[sflag:s11] =	ssyncadd.s32 $0xFFFFC000  }
0x3d: {  	[tilespmem:s2], [sflag:$0x1] =	stream.linear.gather [hbm4b:s6+s2], $0x80, $0x38;
	[tilespmem:$0x17940] =	vst v63  }
0x3e: {  	_ =	swait.ge [sflag:s11], $0x80  }
0x3f: {  	[sflag:s11] =	ssyncset.done $0x0  }
0x40: {  	[sflag:s11] =	ssyncadd.s32 $0xFFFFFF80  }
0x41: {  	[tilespmem:s12], [sflag:$0x1] =	stream.linear.gather [hbm4b:s7+s2], $0x4000, $0x38;
	[tilespmem:$0x17940] =	vst v63  }
0x42: {  	_ =	swait.ge [sflag:s11], $0x4000  }
0x43: {  	[sflag:s11] =	ssyncset.done $0x0  }
0x44: {  	[sflag:s11] =	ssyncadd.s32 $0xFFFFC000  }
0x45: {  	[tilespmem:$0x0] =	vst v0  }
0x46: {  	[tilespmem:$0x10] =	vst v0  }
0x47: {  	[tilespmem:$0x20] =	vst v0  }
0x48: {  	[tilespmem:$0x30] =	vst v0  }
0x49: {  	[tilespmem:$0x40] =	vst v0  }
0x4a: {  	[tilespmem:$0x50] =	vst v0  }
0x4b: {  	[tilespmem:$0x60] =	vst v0  }
0x4c: {  	[spmem:s1] =	stream.indirect.scatter.add.f32 [tilespmem:s12], [sflag:$0x1], $0x80, s2, s12, $0xb8;
	[tilespmem:$0x17940] =	vst v63  }
0x4d: {  	_ =	swait.ge [sflag:s11], $0x4000  }
0x4e: {  	[sflag:s11] =	ssyncset.done $0x0  }
0x4f: {  	s13 =	sadd.s32 $0x1, s13;
	[sflag:s11] =	ssyncadd.s32 $0xFFFFC000  }
0x50: {  	p1 =	sne.s32 s13, s5;
	s14 =	simm.s32 @!p0 $0x1C01;
	[bflag:$0x0] =	sbarrier.arrive $0xFFFF  }
0x51: {  	[hbm:s4], [sflag:s14] =	dma.local @!p0 [spmem:s10], $0x27180  }
.Ltmp1:
0x52: {  	_ = 	snop;
	(pc) =	sbr.rel @p1 .LBB2_1-.Ltmp1, $4  }
0x53: {  	s14 =	simm.s32 @!p0 $0x1  }
0x54: {  	_ =	swait.ge @!p0 [sflag:s14], $0x27180  }
0x55: {  	[sflag:s14] =	ssyncset.done @!p0 $0x0  }
0x56: {  	[sflag:s14] =	ssyncadd.s32 @!p0 $0xFFFD8E80  }
0x57: {  	_ =	sfence.sel $0x180000  }
0x58: {  	[bflag:$0x0] =	sbarrier.arrive $0xFFFF  }
0x59: {  	_ =	strace $0x90000059  }
0x5a: {  	s0 =	sadd.s32 @!p0 $0x100000, s0;
	[bflag:$0x2] =	sbarrier.arrive $0xFFFF  }
0x5b: {  	[sflag:s0] =	ssyncadd.tile.s32 @!p0 $0x1;
	_ =	shalt  }
.Lfunc_end2:
_tile_overlayer_lowered:
.L_overlay_start_2:
0x5c: {  	(tag) =	ssettag $0x2  }
0x5d: {  	s0 =	rddreg [dreg:$0x0];
	s2 =	stileid.u32  }
0x5e: {  	s1 =	rddreg [dreg:$0x1];
	p0 =	sne.s32 s2, $0x0  }
0x5f: {  	s3 =	rddreg [dreg:$0x2];
	[bflag:$0x3] =	sbarrier.arrive $0xFFFF;
	s2 =	simm.s32 @!p0 $0x1C01  }
0x60: {  	[timem:s3], [sflag:s2] =	dma.local @!p0 [hbm:s0], s1  }
0x61: {  	s0 =	simm.s32 @!p0 $0x1  }
0x62: {  	_ =	swait.ge @!p0 [sflag:s0], s1  }
0x63: {  	s1 =	ssub.s32 @!p0 $0x0, s1;
	[sflag:s0] =	ssyncset.done @!p0 $0x0  }
0x64: {  	[sflag:s0] =	ssyncadd.s32 @!p0 s1  }
0x65: {  	[bflag:$0x3] =	sbarrier.arrive $0xFFFF  }
0x66: {  	_ =	shalt  }

</sc_bundles>
